<compile_context>
chip_gen: v7x
topology: tpu7x:2x2x1
jax: 0.10.2.dev20260603
libtpu: 0.0.44.dev20260713+nightly
codegen_flags: <defaults>
</compile_context>

<pallas_src>
import functools

import jax
import jax.numpy as jnp
from jax import lax
from jax.experimental import pallas as pl
from jax.experimental.pallas import tpu as pltpu
from jax.experimental.pallas import tpu_sc as plsc

NUM_H = 8
HD = 16
DF = 128
NC = 2
NS = 16
NW = NC * NS
BLK = 2000
DRAIN = 192
SCALE = 0.08838834764831845


def _sc_body(q_hbm, key_hbm, val_hbm, dst_hbm, pv_hbm, pd_hbm,
             acc_v, acc_df, key_b, val_b, qrow_b, dstblk_b,
             eid_b, edst_b, elr_b, gid_b, gdst_b, glr_b, sem,
             *, n_edges, rpt):
    cid = lax.axis_index("c")
    sid = lax.axis_index("s")
    w = sid * NC + cid
    lo = w * rpt

    lane = lax.iota(jnp.int32, 16)
    lane_eq = [lane == h for h in range(NUM_H)]
    zero16f = jnp.zeros((16,), jnp.float32)

    def _zv(r, c):
        for cb in range(DF // HD):
            acc_v[r, pl.ds(cb * HD, HD)] = zero16f
        return c
    lax.fori_loop(0, rpt + 16, _zv, 0)

    def _zd(i, c):
        acc_df[pl.ds(i * HD, HD)] = zero16f
        return c
    lax.fori_loop(0, rpt + 16, _zd, 0)

    def _process(_):
        ck = pltpu.async_copy(key_hbm.at[gid_b], key_b, sem)
        cv = pltpu.async_copy(val_hbm.at[gid_b], val_b, sem)
        cq = pltpu.async_copy(q_hbm.at[gdst_b], qrow_b, sem)
        ck.wait()
        cv.wait()
        cq.wait()

        def _edge(e, cc):
            lrow = glr_b[pl.ds(e, 16)][0]
            dvec = zero16f
            for h in range(NUM_H):
                sl = pl.ds(h * HD, HD)
                kb = key_b[e, sl]
                qb = qrow_b[e, sl]
                s = jnp.sum(kb * qb) * SCALE
                exv = jnp.exp(jnp.broadcast_to(s, (HD,)))
                acc_v[lrow, sl] = acc_v[lrow, sl] + exv * val_b[e, sl]
                dvec = jnp.where(lane_eq[h], exv, dvec)
            dsl = pl.ds(lrow * HD, HD)
            acc_df[dsl] = acc_df[dsl] + dvec
            return cc
        lax.fori_loop(0, DRAIN, _edge, 0)

    def _stage_and_process():
        for t in range(DRAIN // 16):
            sl = pl.ds(t * 16, 16)
            gid_b[sl] = eid_b[sl]
            gdst_b[sl] = edst_b[sl]
            glr_b[sl] = elr_b[sl]
        _process(0)

    def _blk(bi, cnt):
        pltpu.sync_copy(dst_hbm.at[pl.ds(bi * BLK, BLK)], dstblk_b)

        def _vchunk(j, cnt):
            dvec = dstblk_b[pl.ds(j * HD, HD)]
            m = (dvec >= lo) & (dvec < lo + rpt)
            evec = bi * BLK + j * HD + lane
            plsc.store_compressed(eid_b.at[pl.ds(cnt, 16)], evec, mask=m)
            plsc.store_compressed(edst_b.at[pl.ds(cnt, 16)], dvec, mask=m)
            plsc.store_compressed(elr_b.at[pl.ds(cnt, 16)], dvec - lo, mask=m)
            cnt = cnt + jnp.sum(m.astype(jnp.int32))

            def _drain(c):
                _stage_and_process()
                eid_b[pl.ds(0, 16)] = eid_b[pl.ds(DRAIN, 16)]
                edst_b[pl.ds(0, 16)] = edst_b[pl.ds(DRAIN, 16)]
                elr_b[pl.ds(0, 16)] = elr_b[pl.ds(DRAIN, 16)]
                return c - DRAIN

            return lax.cond(cnt >= DRAIN, _drain, lambda c: c, cnt)

        return lax.fori_loop(0, BLK // HD, _vchunk, cnt, unroll=2)

    cnt = lax.fori_loop(0, n_edges // BLK, _blk, 0)

    pad_dst = jnp.full((16,), lo, jnp.int32)
    pad_lr = jnp.full((16,), rpt, jnp.int32)
    zero16i = jnp.zeros((16,), jnp.int32)
    for t in range(DRAIN // 16):
        sl = pl.ds(cnt + t * 16, 16)
        eid_b[sl] = zero16i
        edst_b[sl] = pad_dst
        elr_b[sl] = pad_lr
    _stage_and_process()

    pltpu.sync_copy(acc_v.at[pl.ds(0, rpt)], pv_hbm.at[pl.ds(lo, rpt)])
    pltpu.sync_copy(acc_df.at[pl.ds(0, rpt * HD)],
                    pd_hbm.at[pl.ds(lo * HD, rpt * HD)])


def _merge_body(pv_ref, pd_ref, out_ref):
    v = pv_ref[...]
    d = pd_ref[...]
    rows = lax.broadcasted_iota(jnp.int32, (16, DF), 0)
    cols = lax.broadcasted_iota(jnp.int32, (16, DF), 1)
    expand = (cols // HD == rows).astype(jnp.float32)
    dexp = jnp.dot(d, expand, preferred_element_type=jnp.float32)
    out_ref[...] = jnp.where(dexp > 0.0, v / dexp, 0.0)


def kernel(value, key, query_0, query_1, edge_index):
    n_edges = key.shape[0]
    n_nodes = query_0.shape[0]
    rpt = (-(-n_nodes // NW) + 15) // 16 * 16
    n_pad = rpt * NW

    q = jnp.concatenate([query_0, query_1], axis=-1).reshape(n_nodes, DF)
    val = value.reshape(n_edges, DF)
    dst = edge_index[1].astype(jnp.int32)

    mesh = plsc.VectorSubcoreMesh(core_axis_name="c", subcore_axis_name="s",
                                  num_cores=NC, num_subcores=NS)
    sc = pl.kernel(
        functools.partial(_sc_body, n_edges=n_edges, rpt=rpt),
        out_type=(jax.ShapeDtypeStruct((n_pad, DF), jnp.float32),
                  jax.ShapeDtypeStruct((n_pad * HD,), jnp.float32)),
        mesh=mesh,
        compiler_params=pltpu.CompilerParams(needs_layout_passes=False),
        scratch_types=[
            pltpu.VMEM((rpt + 16, DF), jnp.float32),
            pltpu.VMEM(((rpt + 16) * HD,), jnp.float32),
            pltpu.VMEM((DRAIN, DF), jnp.float32),
            pltpu.VMEM((DRAIN, DF), jnp.float32),
            pltpu.VMEM((DRAIN, DF), jnp.float32),
            pltpu.VMEM((BLK,), jnp.int32),
            pltpu.VMEM((2 * DRAIN + 16,), jnp.int32),
            pltpu.VMEM((2 * DRAIN + 16,), jnp.int32),
            pltpu.VMEM((2 * DRAIN + 16,), jnp.int32),
            pltpu.VMEM((DRAIN,), jnp.int32),
            pltpu.VMEM((DRAIN,), jnp.int32),
            pltpu.VMEM((DRAIN + 16,), jnp.int32),
            pltpu.SemaphoreType.DMA,
        ],
    )
    pv, pd = sc(q, key, val, dst)

    pd = pd.reshape(n_pad, HD)
    r = rpt * 2
    merged = pl.pallas_call(
        _merge_body,
        grid=(n_pad // r,),
        in_specs=[
            pl.BlockSpec((r, DF), lambda i: (i, 0)),
            pl.BlockSpec((r, HD), lambda i: (i, 0)),
        ],
        out_specs=pl.BlockSpec((r, DF), lambda i: (i, 0)),
        out_shape=jax.ShapeDtypeStruct((n_pad, DF), jnp.float32),
    )(pv, pd)

    feat = merged[:n_nodes].reshape(n_nodes, 32, 4)
    return feat[..., :1], feat[..., 1:4]

# --- scband reference (transcript-rebuilt; emitter-appended) ---
"""Pipeline reference for scband-attention-se3-74406013435998 (READ-ONLY COPY).

The authoritative reference and input builder live on the scoring server;
editing this copy changes nothing except your own understanding.
"""

import jax, jax.numpy as jnp
import numpy as np

NUM_HEADS = 8
N_NODES = 10000
N_EDGES = 320000
KEY_NUM_FEATURES = 128.0  # key_fiber: 32 ch deg0 (dim 1) + 32 ch deg1 (dim 3)


def setup_inputs() -> dict:
    k = jax.random.key(0)
    k1, k2, k3, k4, k5 = jax.random.split(k, 5)
    value = jax.random.normal(k1, (N_EDGES, 32, 4), dtype=jnp.float32)      # fused value: [E, channels, sum_dims]
    key_t = jax.random.normal(k2, (N_EDGES, KEY_NUM_FEATURES.__int__()), dtype=jnp.float32)  # fused key: [E, 128]
    query_0 = jax.random.normal(k3, (N_NODES, 32, 1), dtype=jnp.float32)    # degree-0 query
    query_1 = jax.random.normal(k4, (N_NODES, 32, 3), dtype=jnp.float32)    # degree-1 query
    edge_index = jax.random.randint(k5, (2, N_EDGES), 0, N_NODES)           # row 0 = src, row 1 = dst
    return {"value": value, "key": key_t, "query_0": query_0, "query_1": query_1, "edge_index": edge_index}


def reference(value, key, query_0, query_1, edge_index):
    E = key.shape[0]
    N = query_0.shape[0]
    # fused-tensor path of AttentionSE3.forward
    k = key.reshape(E, NUM_HEADS, -1)                                        # [E, H, 16]
    q = jnp.concatenate([query_0, query_1], axis=-1).reshape(N, NUM_HEADS, -1)  # cat degrees -> [N, 32, 4] -> [N, H, 16]
    dst = edge_index[1]
    # e_dot_v: per-edge dot(key_e, query_dst)
    logits = jnp.sum(k * q[dst], axis=-1)                                    # [E, H]
    logits = logits / np.sqrt(KEY_NUM_FEATURES)
    # edge_softmax over incoming edges of each dst node
    m = jax.ops.segment_max(logits, dst, num_segments=N)                     # [N, H]
    ex = jnp.exp(logits - m[dst])
    denom = jax.ops.segment_sum(ex, dst, num_segments=N)                     # [N, H]
    w = (ex / denom[dst])[:, :, None, None]                                  # [E, H, 1, 1]
    # weighted value aggregation (copy_e_sum)
    v = value.reshape(E, NUM_HEADS, -1, value.shape[-1])                     # [E, H, 4, 4]
    feat = jax.ops.segment_sum(w * v, dst, num_segments=N)                   # [N, H, 4, 4]
    feat = feat.reshape(N, -1, value.shape[-1])                              # [N, 32, 4]
    # unfuse_features for degrees (0, 1): dims 1 and 3 along last axis
    out0 = feat[..., :1]                                                     # [N, 32, 1]
    out1 = feat[..., 1:4]                                                    # [N, 32, 3]
    return (out0, out1)

if __name__ == "__main__":
    import jax
    _d = setup_inputs()
    print(jax.jit(kernel)(*tuple(_d.values())))

</pallas_src>

<mosaic_0001>
#map = affine_map<(d0, d1) -> (0, 0)>
#map1 = affine_map<(d0, d1) -> (0)>
module attributes {stable_mosaic.version = 14 : i64} {
  func.func @_sc_body(%arg0: i32, %arg1: i32, %arg2: memref<10000x128xf32, #tpu.memory_space<hbm>>, %arg3: memref<320000x128xf32, #tpu.memory_space<hbm>>, %arg4: memref<320000x128xf32, #tpu.memory_space<hbm>>, %arg5: memref<320000xi32, #tpu.memory_space<hbm>>, %arg6: memref<10240x128xf32, #tpu.memory_space<hbm>>, %arg7: memref<163840xf32, #tpu.memory_space<hbm>>, %arg8: memref<336x128xf32, #tpu.memory_space<vmem>>, %arg9: memref<5376xf32, #tpu.memory_space<vmem>>, %arg10: memref<192x128xf32, #tpu.memory_space<vmem>>, %arg11: memref<192x128xf32, #tpu.memory_space<vmem>>, %arg12: memref<192x128xf32, #tpu.memory_space<vmem>>, %arg13: memref<2000xi32, #tpu.memory_space<vmem>>, %arg14: memref<400xi32, #tpu.memory_space<vmem>>, %arg15: memref<400xi32, #tpu.memory_space<vmem>>, %arg16: memref<400xi32, #tpu.memory_space<vmem>>, %arg17: memref<192xi32, #tpu.memory_space<vmem>>, %arg18: memref<192xi32, #tpu.memory_space<vmem>>, %arg19: memref<208xi32, #tpu.memory_space<vmem>>, %arg20: memref<!tpu.dma_semaphore, #tpu.memory_space<semaphore_mem>>) attributes {dimension_semantics = [#tpu.dimension_semantics<core_parallel>, #tpu.dimension_semantics<subcore_parallel>], iteration_bounds = array<i64: 2, 16>, scalar_prefetch = 0 : i64, scratch_operands = 13 : i64, tpu.core_type = #tpu.core_type<sc_vector_subcore>, window_params = [{transform_indices = #map}, {transform_indices = #map}, {transform_indices = #map}, {transform_indices = #map1}, {transform_indices = #map}, {transform_indices = #map1}]} {
    %mul3A = arith.constant 2 : i32
    %mul3A_0 = arith.muli %arg1, %mul3A : i32
    %add3A = arith.addi %mul3A_0, %arg0 : i32
    %mul3A_1 = arith.constant 320 : i32
    %mul3A_2 = arith.muli %add3A, %mul3A_1 : i32
    %iota3A = tpu.iota {dimensions = array<i32: 0>} : vector<16xi32>
    %eq3A = arith.constant 0 : i32
    %eq3A_3 = vector.broadcast %eq3A : i32 to vector<16xi32>
    %eq3A_4 = arith.cmpi eq, %iota3A, %eq3A_3 : vector<16xi32>
    %eq3A_5 = arith.constant 1 : i32
    %eq3A_6 = vector.broadcast %eq3A_5 : i32 to vector<16xi32>
    %eq3A_7 = arith.cmpi eq, %iota3A, %eq3A_6 : vector<16xi32>
    %eq3A_8 = arith.constant 2 : i32
    %eq3A_9 = vector.broadcast %eq3A_8 : i32 to vector<16xi32>
    %eq3A_10 = arith.cmpi eq, %iota3A, %eq3A_9 : vector<16xi32>
    %eq3A_11 = arith.constant 3 : i32
    %eq3A_12 = vector.broadcast %eq3A_11 : i32 to vector<16xi32>
    %eq3A_13 = arith.cmpi eq, %iota3A, %eq3A_12 : vector<16xi32>
    %eq3A_14 = arith.constant 4 : i32
    %eq3A_15 = vector.broadcast %eq3A_14 : i32 to vector<16xi32>
    %eq3A_16 = arith.cmpi eq, %iota3A, %eq3A_15 : vector<16xi32>
    %eq3A_17 = arith.constant 5 : i32
    %eq3A_18 = vector.broadcast %eq3A_17 : i32 to vector<16xi32>
    %eq3A_19 = arith.cmpi eq, %iota3A, %eq3A_18 : vector<16xi32>
    %eq3A_20 = arith.constant 6 : i32
    %eq3A_21 = vector.broadcast %eq3A_20 : i32 to vector<16xi32>
    %eq3A_22 = arith.cmpi eq, %iota3A, %eq3A_21 : vector<16xi32>
    %eq3A_23 = arith.constant 7 : i32
    %eq3A_24 = vector.broadcast %eq3A_23 : i32 to vector<16xi32>
    %eq3A_25 = arith.cmpi eq, %iota3A, %eq3A_24 : vector<16xi32>
    %broadcast_in_dim3A = arith.constant 0.000000e+00 : f32
    %broadcast_in_dim3A_26 = vector.broadcast %broadcast_in_dim3A : f32 to vector<16xf32>
    %scan3A = arith.constant 0 : i32
    %scan3A_27 = arith.constant 0 : i32
    %scan3A_28 = arith.constant 336 : i32
    %scan3A_29 = arith.addi %scan3A_27, %scan3A_28 : i32
    %scan3A_30 = arith.constant 1 : i32
    scf.for %scan3A_312 = %scan3A_27 to %scan3A_29 step %scan3A_30  : i32 {
      %swap3A_313 = arith.index_cast %scan3A_312 : i32 to index
      %swap3A_314 = arith.constant 0 : index
      %swap3A_315 = tpu.vector_load %arg8[%swap3A_313, %swap3A_314] {strides = array<i32>} : memref<336x128xf32, #tpu.memory_space<vmem>>, vector<16xf32>,
      tpu.vector_store %arg8[%swap3A_313, %swap3A_314], %broadcast_in_dim3A_26 {strides = array<i32>} : memref<336x128xf32, #tpu.memory_space<vmem>>, vector<16xf32>,
      %swap3A_316 = arith.index_cast %scan3A_312 : i32 to index
      %swap3A_317 = arith.constant 16 : index
      %swap3A_318 = tpu.vector_load %arg8[%swap3A_316, %swap3A_317] {strides = array<i32>} : memref<336x128xf32, #tpu.memory_space<vmem>>, vector<16xf32>,
      tpu.vector_store %arg8[%swap3A_316, %swap3A_317], %broadcast_in_dim3A_26 {strides = array<i32>} : memref<336x128xf32, #tpu.memory_space<vmem>>, vector<16xf32>,
      %swap3A_319 = arith.index_cast %scan3A_312 : i32 to index
      %swap3A_320 = arith.constant 32 : index
      %swap3A_321 = tpu.vector_load %arg8[%swap3A_319, %swap3A_320] {strides = array<i32>} : memref<336x128xf32, #tpu.memory_space<vmem>>, vector<16xf32>,
      tpu.vector_store %arg8[%swap3A_319, %swap3A_320], %broadcast_in_dim3A_26 {strides = array<i32>} : memref<336x128xf32, #tpu.memory_space<vmem>>, vector<16xf32>,
      %swap3A_322 = arith.index_cast %scan3A_312 : i32 to index
      %swap3A_323 = arith.constant 48 : index
      %swap3A_324 = tpu.vector_load %arg8[%swap3A_322, %swap3A_323] {strides = array<i32>} : memref<336x128xf32, #tpu.memory_space<vmem>>, vector<16xf32>,
      tpu.vector_store %arg8[%swap3A_322, %swap3A_323], %broadcast_in_dim3A_26 {strides = array<i32>} : memref<336x128xf32, #tpu.memory_space<vmem>>, vector<16xf32>,
      %swap3A_325 = arith.index_cast %scan3A_312 : i32 to index
      %swap3A_326 = arith.constant 64 : index
      %swap3A_327 = tpu.vector_load %arg8[%swap3A_325, %swap3A_326] {strides = array<i32>} : memref<336x128xf32, #tpu.memory_space<vmem>>, vector<16xf32>,
      tpu.vector_store %arg8[%swap3A_325, %swap3A_326], %broadcast_in_dim3A_26 {strides = array<i32>} : memref<336x128xf32, #tpu.memory_space<vmem>>, vector<16xf32>,
      %swap3A_328 = arith.index_cast %scan3A_312 : i32 to index
      %swap3A_329 = arith.constant 80 : index
      %swap3A_330 = tpu.vector_load %arg8[%swap3A_328, %swap3A_329] {strides = array<i32>} : memref<336x128xf32, #tpu.memory_space<vmem>>, vector<16xf32>,
      tpu.vector_store %arg8[%swap3A_328, %swap3A_329], %broadcast_in_dim3A_26 {strides = array<i32>} : memref<336x128xf32, #tpu.memory_space<vmem>>, vector<16xf32>,
      %swap3A_331 = arith.index_cast %scan3A_312 : i32 to index
      %swap3A_332 = arith.constant 96 : index
      %swap3A_333 = tpu.vector_load %arg8[%swap3A_331, %swap3A_332] {strides = array<i32>} : memref<336x128xf32, #tpu.memory_space<vmem>>, vector<16xf32>,
      tpu.vector_store %arg8[%swap3A_331, %swap3A_332], %broadcast_in_dim3A_26 {strides = array<i32>} : memref<336x128xf32, #tpu.memory_space<vmem>>, vector<16xf32>,
      %swap3A_334 = arith.index_cast %scan3A_312 : i32 to index
      %swap3A_335 = arith.constant 112 : index
      %swap3A_336 = tpu.vector_load %arg8[%swap3A_334, %swap3A_335] {strides = array<i32>} : memref<336x128xf32, #tpu.memory_space<vmem>>, vector<16xf32>,
      tpu.vector_store %arg8[%swap3A_334, %swap3A_335], %broadcast_in_dim3A_26 {strides = array<i32>} : memref<336x128xf32, #tpu.memory_space<vmem>>, vector<16xf32>,
    }
    %scan3A_31 = arith.constant 336 : i32
    %scan3A_32 = arith.constant 0 : i32
    %scan3A_33 = arith.constant 0 : i32
    %scan3A_34 = arith.constant 336 : i32
    %scan3A_35 = arith.addi %scan3A_33, %scan3A_34 : i32
    %scan3A_36 = arith.constant 1 : i32
    scf.for %scan3A_312 = %scan3A_33 to %scan3A_35 step %scan3A_36  : i32 {
      %mul3A_313 = arith.constant 16 : i32
      %mul3A_314 = arith.muli %scan3A_312, %mul3A_313 : i32
      %swap3A_315 = arith.index_cast %mul3A_314 : i32 to index
      %swap3A_316 = tpu.vector_load %arg9[%swap3A_315] {strides = array<i32>} : memref<5376xf32, #tpu.memory_space<vmem>>, vector<16xf32>,
      tpu.vector_store %arg9[%swap3A_315], %broadcast_in_dim3A_26 {strides = array<i32>} : memref<5376xf32, #tpu.memory_space<vmem>>, vector<16xf32>,
    }
    %scan3A_37 = arith.constant 336 : i32
    %scan3A_38 = arith.constant 0 : i32
    %scan3A_39 = arith.constant 0 : i32
    %scan3A_40 = arith.constant 160 : i32
    %scan3A_41 = arith.addi %scan3A_39, %scan3A_40 : i32
    %scan3A_42 = arith.constant 1 : i32
    %scan3A_43 = scf.for %scan3A_312 = %scan3A_39 to %scan3A_41 step %scan3A_42 iter_args(%scan3A_313 = %scan3A_38) -> (i32)  : i32 {
      %mul3A_314 = arith.constant 2000 : i32
      %mul3A_315 = arith.muli %scan3A_312, %mul3A_314 : i32
      "tpu.region"() ({
        %run_scoped3A = tpu.sem_alloc : memref<!tpu.dma_semaphore, #tpu.memory_space<semaphore_mem>>
        %dma_start3A_355 = tpu.memref_slice %arg5[%mul3A_315] : memref<320000xi32, #tpu.memory_space<hbm>> -> memref<2000xi32, #tpu.memory_space<hbm>>
        %dma_start3A_356 = tpu.memref_slice %arg5[%mul3A_315] : memref<320000xi32, #tpu.memory_space<hbm>> -> memref<2000xi32, #tpu.memory_space<hbm>>
        tpu.enqueue_dma source(%dma_start3A_356 : memref<2000xi32, #tpu.memory_space<hbm>>) target(%arg13 : memref<2000xi32, #tpu.memory_space<vmem>>) target_semaphore(%run_scoped3A : memref<!tpu.dma_semaphore, #tpu.memory_space<semaphore_mem>>)
        %dma_wait3A_357 = tpu.memref_slice %arg5[%mul3A_315] : memref<320000xi32, #tpu.memory_space<hbm>> -> memref<2000xi32, #tpu.memory_space<hbm>>
        %dma_wait3A_358 = tpu.memref_slice %arg5[%mul3A_315] : memref<320000xi32, #tpu.memory_space<hbm>> -> memref<2000xi32, #tpu.memory_space<hbm>>
        tpu.wait_dma2 semaphore(%run_scoped3A : memref<!tpu.dma_semaphore, #tpu.memory_space<semaphore_mem>>) src(%dma_wait3A_358 : memref<2000xi32, #tpu.memory_space<hbm>>) dst(%arg13 : memref<2000xi32, #tpu.memory_space<vmem>>)
        tpu.yield
      }) : () -> ()
      %scan3A_316 = arith.constant 0 : i32
      %scan3A_317 = arith.constant 124 : i32
      %scan3A_318 = arith.addi %scan3A_316, %scan3A_317 : i32
      %scan3A_319 = arith.constant 2 : i32
      %scan3A_320 = scf.for %scan3A_355 = %scan3A_316 to %scan3A_318 step %scan3A_319 iter_args(%scan3A_356 = %scan3A_313) -> (i32)  : i32 {
        %mul3A_357 = arith.constant 16 : i32
        %mul3A_358 = arith.muli %scan3A_355, %mul3A_357 : i32
        %get3A_359 = arith.index_cast %mul3A_358 : i32 to index
        %get3A_360 = tpu.vector_load %arg13[%get3A_359] {strides = array<i32>} : memref<2000xi32, #tpu.memory_space<vmem>>, vector<16xi32>,
        %ge3A_361 = vector.broadcast %mul3A_2 : i32 to vector<16xi32>
        %ge3A_362 = arith.cmpi sge, %get3A_360, %ge3A_361 : vector<16xi32>
        %add3A_363 = arith.constant 320 : i32
        %add3A_364 = arith.addi %mul3A_2, %add3A_363 : i32
        %lt3A_365 = vector.broadcast %add3A_364 : i32 to vector<16xi32>
        %lt3A_366 = arith.cmpi slt, %get3A_360, %lt3A_365 : vector<16xi32>
        %and3A_367 = arith.andi %ge3A_362, %lt3A_366 : vector<16xi1>
        %mul3A_368 = arith.constant 2000 : i32
        %mul3A_369 = arith.muli %scan3A_312, %mul3A_368 : i32
        %mul3A_370 = arith.constant 16 : i32
        %mul3A_371 = arith.muli %scan3A_355, %mul3A_370 : i32
        %add3A_372 = arith.addi %mul3A_369, %mul3A_371 : i32
        %add3A_373 = vector.broadcast %add3A_372 : i32 to vector<16xi32>
        %add3A_374 = arith.addi %add3A_373, %iota3A : vector<16xi32>
        %swap3A_375 = arith.index_cast %scan3A_356 : i32 to index
        %swap3A_376 = tpu.vector_load %arg14[%swap3A_375] masked %and3A_367 {strides = array<i32>} : memref<400xi32, #tpu.memory_space<vmem>>, vector<16xi32>, vector<16xi1>
        tpu.vector_store %arg14[%swap3A_375], %add3A_374 masked %and3A_367 {strides = array<i32>} : memref<400xi32, #tpu.memory_space<vmem>>, vector<16xi32>, vector<16xi1>
        %swap3A_377 = arith.index_cast %scan3A_356 : i32 to index
        %swap3A_378 = tpu.vector_load %arg15[%swap3A_377] masked %and3A_367 {strides = array<i32>} : memref<400xi32, #tpu.memory_space<vmem>>, vector<16xi32>, vector<16xi1>
        tpu.vector_store %arg15[%swap3A_377], %get3A_360 masked %and3A_367 {strides = array<i32>} : memref<400xi32, #tpu.memory_space<vmem>>, vector<16xi32>, vector<16xi1>
        %sub3A_379 = vector.broadcast %mul3A_2 : i32 to vector<16xi32>
        %sub3A_380 = arith.subi %get3A_360, %sub3A_379 : vector<16xi32>
        %swap3A_381 = arith.index_cast %scan3A_356 : i32 to index
        %swap3A_382 = tpu.vector_load %arg16[%swap3A_381] masked %and3A_367 {strides = array<i32>} : memref<400xi32, #tpu.memory_space<vmem>>, vector<16xi32>, vector<16xi1>
        tpu.vector_store %arg16[%swap3A_381], %sub3A_380 masked %and3A_367 {strides = array<i32>} : memref<400xi32, #tpu.memory_space<vmem>>, vector<16xi32>, vector<16xi1>
        %convert_element_type3A_383 = arith.extui %and3A_367 : vector<16xi1> to vector<16xi32>
        %reduce_sum3A_384 = arith.constant true
        %reduce_sum3A_385 = vector.broadcast %reduce_sum3A_384 : i1 to vector<16xi1>
        %reduce_sum3A_386 = tpu.scan <sum>, %convert_element_type3A_383 masked %reduce_sum3A_385 : vector<16xi32>, vector<16xi1> -> vector<16xi32>
        %reduce_sum3A_387 = vector.extract %reduce_sum3A_386[15] : i32 from vector<16xi32>
        %add3A_388 = arith.addi %scan3A_356, %reduce_sum3A_387 : i32
        %ge3A_389 = arith.constant 192 : i32
        %ge3A_390 = arith.cmpi sge, %add3A_388, %ge3A_389 : i32
        %convert_element_type3A_391 = arith.extui %ge3A_390 : i1 to i32
        %cond3A_392 = arith.constant 0 : i32
        %cond3A_393 = arith.cmpi ne, %convert_element_type3A_391, %cond3A_392 : i32
        %cond3A_394 = scf.if %cond3A_393 -> (i32) {
          %get3A_435 = arith.constant 0 : index
          %get3A_436 = tpu.vector_load %arg14[%get3A_435] {strides = array<i32>} : memref<400xi32, #tpu.memory_space<vmem>>, vector<16xi32>,
          %swap3A_437 = arith.constant 0 : index
          %swap3A_438 = tpu.vector_load %arg17[%swap3A_437] {strides = array<i32>} : memref<192xi32, #tpu.memory_space<vmem>>, vector<16xi32>,
          tpu.vector_store %arg17[%swap3A_437], %get3A_436 {strides = array<i32>} : memref<192xi32, #tpu.memory_space<vmem>>, vector<16xi32>,
          %get3A_439 = arith.constant 0 : index
          %get3A_440 = tpu.vector_load %arg15[%get3A_439] {strides = array<i32>} : memref<400xi32, #tpu.memory_space<vmem>>, vector<16xi32>,
          %swap3A_441 = arith.constant 0 : index
          %swap3A_442 = tpu.vector_load %arg18[%swap3A_441] {strides = array<i32>} : memref<192xi32, #tpu.memory_space<vmem>>, vector<16xi32>,
          tpu.vector_store %arg18[%swap3A_441], %get3A_440 {strides = array<i32>} : memref<192xi32, #tpu.memory_space<vmem>>, vector<16xi32>,
          %get3A_443 = arith.constant 0 : index
          %get3A_444 = tpu.vector_load %arg16[%get3A_443] {strides = array<i32>} : memref<400xi32, #tpu.memory_space<vmem>>, vector<16xi32>,
          %swap3A_445 = arith.constant 0 : index
          %swap3A_446 = tpu.vector_load %arg19[%swap3A_445] {strides = array<i32>} : memref<208xi32, #tpu.memory_space<vmem>>, vector<16xi32>,
          tpu.vector_store %arg19[%swap3A_445], %get3A_444 {strides = array<i32>} : memref<208xi32, #tpu.memory_space<vmem>>, vector<16xi32>,
          %get3A_447 = arith.constant 16 : index
          %get3A_448 = tpu.vector_load %arg14[%get3A_447] {strides = array<i32>} : memref<400xi32, #tpu.memory_space<vmem>>, vector<16xi32>,
          %swap3A_449 = arith.constant 16 : index
          %swap3A_450 = tpu.vector_load %arg17[%swap3A_449] {strides = array<i32>} : memref<192xi32, #tpu.memory_space<vmem>>, vector<16xi32>,
          tpu.vector_store %arg17[%swap3A_449], %get3A_448 {strides = array<i32>} : memref<192xi32, #tpu.memory_space<vmem>>, vector<16xi32>,
          %get3A_451 = arith.constant 16 : index
          %get3A_452 = tpu.vector_load %arg15[%get3A_451] {strides = array<i32>} : memref<400xi32, #tpu.memory_space<vmem>>, vector<16xi32>,
          %swap3A_453 = arith.constant 16 : index
          %swap3A_454 = tpu.vector_load %arg18[%swap3A_453] {strides = array<i32>} : memref<192xi32, #tpu.memory_space<vmem>>, vector<16xi32>,
          tpu.vector_store %arg18[%swap3A_453], %get3A_452 {strides = array<i32>} : memref<192xi32, #tpu.memory_space<vmem>>, vector<16xi32>,
          %get3A_455 = arith.constant 16 : index
          %get3A_456 = tpu.vector_load %arg16[%get3A_455] {strides = array<i32>} : memref<400xi32, #tpu.memory_space<vmem>>, vector<16xi32>,
          %swap3A_457 = arith.constant 16 : index
          %swap3A_458 = tpu.vector_load %arg19[%swap3A_457] {strides = array<i32>} : memref<208xi32, #tpu.memory_space<vmem>>, vector<16xi32>,
          tpu.vector_store %arg19[%swap3A_457], %get3A_456 {strides = array<i32>} : memref<208xi32, #tpu.memory_space<vmem>>, vector<16xi32>,
          %get3A_459 = arith.constant 32 : index
          %get3A_460 = tpu.vector_load %arg14[%get3A_459] {strides = array<i32>} : memref<400xi32, #tpu.memory_space<vmem>>, vector<16xi32>,
          %swap3A_461 = arith.constant 32 : index
          %swap3A_462 = tpu.vector_load %arg17[%swap3A_461] {strides = array<i32>} : memref<192xi32, #tpu.memory_space<vmem>>, vector<16xi32>,
          tpu.vector_store %arg17[%swap3A_461], %get3A_460 {strides = array<i32>} : memref<192xi32, #tpu.memory_space<vmem>>, vector<16xi32>,
          %get3A_463 = arith.constant 32 : index
          %get3A_464 = tpu.vector_load %arg15[%get3A_463] {strides = array<i32>} : memref<400xi32, #tpu.memory_space<vmem>>, vector<16xi32>,
          %swap3A_465 = arith.constant 32 : index
          %swap3A_466 = tpu.vector_load %arg18[%swap3A_465] {strides = array<i32>} : memref<192xi32, #tpu.memory_space<vmem>>, vector<16xi32>,
          tpu.vector_store %arg18[%swap3A_465], %get3A_464 {strides = array<i32>} : memref<192xi32, #tpu.memory_space<vmem>>, vector<16xi32>,
          %get3A_467 = arith.constant 32 : index
          %get3A_468 = tpu.vector_load %arg16[%get3A_467] {strides = array<i32>} : memref<400xi32, #tpu.memory_space<vmem>>, vector<16xi32>,
          %swap3A_469 = arith.constant 32 : index
          %swap3A_470 = tpu.vector_load %arg19[%swap3A_469] {strides = array<i32>} : memref<208xi32, #tpu.memory_space<vmem>>, vector<16xi32>,
          tpu.vector_store %arg19[%swap3A_469], %get3A_468 {strides = array<i32>} : memref<208xi32, #tpu.memory_space<vmem>>, vector<16xi32>,
          %get3A_471 = arith.constant 48 : index
          %get3A_472 = tpu.vector_load %arg14[%get3A_471] {strides = array<i32>} : memref<400xi32, #tpu.memory_space<vmem>>, vector<16xi32>,
          %swap3A_473 = arith.constant 48 : index
          %swap3A_474 = tpu.vector_load %arg17[%swap3A_473] {strides = array<i32>} : memref<192xi32, #tpu.memory_space<vmem>>, vector<16xi32>,
          tpu.vector_store %arg17[%swap3A_473], %get3A_472 {strides = array<i32>} : memref<192xi32, #tpu.memory_space<vmem>>, vector<16xi32>,
          %get3A_475 = arith.constant 48 : index
          %get3A_476 = tpu.vector_load %arg15[%get3A_475] {strides = array<i32>} : memref<400xi32, #tpu.memory_space<vmem>>, vector<16xi32>,
          %swap3A_477 = arith.constant 48 : index
          %swap3A_478 = tpu.vector_load %arg18[%swap3A_477] {strides = array<i32>} : memref<192xi32, #tpu.memory_space<vmem>>, vector<16xi32>,
          tpu.vector_store %arg18[%swap3A_477], %get3A_476 {strides = array<i32>} : memref<192xi32, #tpu.memory_space<vmem>>, vector<16xi32>,
          %get3A_479 = arith.constant 48 : index
          %get3A_480 = tpu.vector_load %arg16[%get3A_479] {strides = array<i32>} : memref<400xi32, #tpu.memory_space<vmem>>, vector<16xi32>,
          %swap3A_481 = arith.constant 48 : index
          %swap3A_482 = tpu.vector_load %arg19[%swap3A_481] {strides = array<i32>} : memref<208xi32, #tpu.memory_space<vmem>>, vector<16xi32>,
          tpu.vector_store %arg19[%swap3A_481], %get3A_480 {strides = array<i32>} : memref<208xi32, #tpu.memory_space<vmem>>, vector<16xi32>,
          %get3A_483 = arith.constant 64 : index
          %get3A_484 = tpu.vector_load %arg14[%get3A_483] {strides = array<i32>} : memref<400xi32, #tpu.memory_space<vmem>>, vector<16xi32>,
          %swap3A_485 = arith.constant 64 : index
          %swap3A_486 = tpu.vector_load %arg17[%swap3A_485] {strides = array<i32>} : memref<192xi32, #tpu.memory_space<vmem>>, vector<16xi32>,
          tpu.vector_store %arg17[%swap3A_485], %get3A_484 {strides = array<i32>} : memref<192xi32, #tpu.memory_space<vmem>>, vector<16xi32>,
          %get3A_487 = arith.constant 64 : index
          %get3A_488 = tpu.vector_load %arg15[%get3A_487] {strides = array<i32>} : memref<400xi32, #tpu.memory_space<vmem>>, vector<16xi32>,
          %swap3A_489 = arith.constant 64 : index
          %swap3A_490 = tpu.vector_load %arg18[%swap3A_489] {strides = array<i32>} : memref<192xi32, #tpu.memory_space<vmem>>, vector<16xi32>,
          tpu.vector_store %arg18[%swap3A_489], %get3A_488 {strides = array<i32>} : memref<192xi32, #tpu.memory_space<vmem>>, vector<16xi32>,
          %get3A_491 = arith.constant 64 : index
          %get3A_492 = tpu.vector_load %arg16[%get3A_491] {strides = array<i32>} : memref<400xi32, #tpu.memory_space<vmem>>, vector<16xi32>,
          %swap3A_493 = arith.constant 64 : index
          %swap3A_494 = tpu.vector_load %arg19[%swap3A_493] {strides = array<i32>} : memref<208xi32, #tpu.memory_space<vmem>>, vector<16xi32>,
          tpu.vector_store %arg19[%swap3A_493], %get3A_492 {strides = array<i32>} : memref<208xi32, #tpu.memory_space<vmem>>, vector<16xi32>,
          %get3A_495 = arith.constant 80 : index
          %get3A_496 = tpu.vector_load %arg14[%get3A_495] {strides = array<i32>} : memref<400xi32, #tpu.memory_space<vmem>>, vector<16xi32>,
          %swap3A_497 = arith.constant 80 : index
          %swap3A_498 = tpu.vector_load %arg17[%swap3A_497] {strides = array<i32>} : memref<192xi32, #tpu.memory_space<vmem>>, vector<16xi32>,
          tpu.vector_store %arg17[%swap3A_497], %get3A_496 {strides = array<i32>} : memref<192xi32, #tpu.memory_space<vmem>>, vector<16xi32>,
          %get3A_499 = arith.constant 80 : index
          %get3A_500 = tpu.vector_load %arg15[%get3A_499] {strides = array<i32>} : memref<400xi32, #tpu.memory_space<vmem>>, vector<16xi32>,
          %swap3A_501 = arith.constant 80 : index
          %swap3A_502 = tpu.vector_load %arg18[%swap3A_501] {strides = array<i32>} : memref<192xi32, #tpu.memory_space<vmem>>, vector<16xi32>,
          tpu.vector_store %arg18[%swap3A_501], %get3A_500 {strides = array<i32>} : memref<192xi32, #tpu.memory_space<vmem>>, vector<16xi32>,
          %get3A_503 = arith.constant 80 : index
          %get3A_504 = tpu.vector_load %arg16[%get3A_503] {strides = array<i32>} : memref<400xi32, #tpu.memory_space<vmem>>, vector<16xi32>,
          %swap3A_505 = arith.constant 80 : index
          %swap3A_506 = tpu.vector_load %arg19[%swap3A_505] {strides = array<i32>} : memref<208xi32, #tpu.memory_space<vmem>>, vector<16xi32>,
          tpu.vector_store %arg19[%swap3A_505], %get3A_504 {strides = array<i32>} : memref<208xi32, #tpu.memory_space<vmem>>, vector<16xi32>,
          %get3A_507 = arith.constant 96 : index
          %get3A_508 = tpu.vector_load %arg14[%get3A_507] {strides = array<i32>} : memref<400xi32, #tpu.memory_space<vmem>>, vector<16xi32>,
          %swap3A_509 = arith.constant 96 : index
          %swap3A_510 = tpu.vector_load %arg17[%swap3A_509] {strides = array<i32>} : memref<192xi32, #tpu.memory_space<vmem>>, vector<16xi32>,
          tpu.vector_store %arg17[%swap3A_509], %get3A_508 {strides = array<i32>} : memref<192xi32, #tpu.memory_space<vmem>>, vector<16xi32>,
          %get3A_511 = arith.constant 96 : index
          %get3A_512 = tpu.vector_load %arg15[%get3A_511] {strides = array<i32>} : memref<400xi32, #tpu.memory_space<vmem>>, vector<16xi32>,
          %swap3A_513 = arith.constant 96 : index
          %swap3A_514 = tpu.vector_load %arg18[%swap3A_513] {strides = array<i32>} : memref<192xi32, #tpu.memory_space<vmem>>, vector<16xi32>,
          tpu.vector_store %arg18[%swap3A_513], %get3A_512 {strides = array<i32>} : memref<192xi32, #tpu.memory_space<vmem>>, vector<16xi32>,
          %get3A_515 = arith.constant 96 : index
          %get3A_516 = tpu.vector_load %arg16[%get3A_515] {strides = array<i32>} : memref<400xi32, #tpu.memory_space<vmem>>, vector<16xi32>,
          %swap3A_517 = arith.constant 96 : index
          %swap3A_518 = tpu.vector_load %arg19[%swap3A_517] {strides = array<i32>} : memref<208xi32, #tpu.memory_space<vmem>>, vector<16xi32>,
          tpu.vector_store %arg19[%swap3A_517], %get3A_516 {strides = array<i32>} : memref<208xi32, #tpu.memory_space<vmem>>, vector<16xi32>,
          %get3A_519 = arith.constant 112 : index
          %get3A_520 = tpu.vector_load %arg14[%get3A_519] {strides = array<i32>} : memref<400xi32, #tpu.memory_space<vmem>>, vector<16xi32>,
          %swap3A_521 = arith.constant 112 : index
          %swap3A_522 = tpu.vector_load %arg17[%swap3A_521] {strides = array<i32>} : memref<192xi32, #tpu.memory_space<vmem>>, vector<16xi32>,
          tpu.vector_store %arg17[%swap3A_521], %get3A_520 {strides = array<i32>} : memref<192xi32, #tpu.memory_space<vmem>>, vector<16xi32>,
          %get3A_523 = arith.constant 112 : index
          %get3A_524 = tpu.vector_load %arg15[%get3A_523] {strides = array<i32>} : memref<400xi32, #tpu.memory_space<vmem>>, vector<16xi32>,
          %swap3A_525 = arith.constant 112 : index
          %swap3A_526 = tpu.vector_load %arg18[%swap3A_525] {strides = array<i32>} : memref<192xi32, #tpu.memory_space<vmem>>, vector<16xi32>,
          tpu.vector_store %arg18[%swap3A_525], %get3A_524 {strides = array<i32>} : memref<192xi32, #tpu.memory_space<vmem>>, vector<16xi32>,
          %get3A_527 = arith.constant 112 : index
          %get3A_528 = tpu.vector_load %arg16[%get3A_527] {strides = array<i32>} : memref<400xi32, #tpu.memory_space<vmem>>, vector<16xi32>,
          %swap3A_529 = arith.constant 112 : index
          %swap3A_530 = tpu.vector_load %arg19[%swap3A_529] {strides = array<i32>} : memref<208xi32, #tpu.memory_space<vmem>>, vector<16xi32>,
          tpu.vector_store %arg19[%swap3A_529], %get3A_528 {strides = array<i32>} : memref<208xi32, #tpu.memory_space<vmem>>, vector<16xi32>,
          %get3A_531 = arith.constant 128 : index
          %get3A_532 = tpu.vector_load %arg14[%get3A_531] {strides = array<i32>} : memref<400xi32, #tpu.memory_space<vmem>>, vector<16xi32>,
          %swap3A_533 = arith.constant 128 : index
          %swap3A_534 = tpu.vector_load %arg17[%swap3A_533] {strides = array<i32>} : memref<192xi32, #tpu.memory_space<vmem>>, vector<16xi32>,
          tpu.vector_store %arg17[%swap3A_533], %get3A_532 {strides = array<i32>} : memref<192xi32, #tpu.memory_space<vmem>>, vector<16xi32>,
          %get3A_535 = arith.constant 128 : index
          %get3A_536 = tpu.vector_load %arg15[%get3A_535] {strides = array<i32>} : memref<400xi32, #tpu.memory_space<vmem>>, vector<16xi32>,
          %swap3A_537 = arith.constant 128 : index
          %swap3A_538 = tpu.vector_load %arg18[%swap3A_537] {strides = array<i32>} : memref<192xi32, #tpu.memory_space<vmem>>, vector<16xi32>,
          tpu.vector_store %arg18[%swap3A_537], %get3A_536 {strides = array<i32>} : memref<192xi32, #tpu.memory_space<vmem>>, vector<16xi32>,
          %get3A_539 = arith.constant 128 : index
          %get3A_540 = tpu.vector_load %arg16[%get3A_539] {strides = array<i32>} : memref<400xi32, #tpu.memory_space<vmem>>, vector<16xi32>,
          %swap3A_541 = arith.constant 128 : index
          %swap3A_542 = tpu.vector_load %arg19[%swap3A_541] {strides = array<i32>} : memref<208xi32, #tpu.memory_space<vmem>>, vector<16xi32>,
          tpu.vector_store %arg19[%swap3A_541], %get3A_540 {strides = array<i32>} : memref<208xi32, #tpu.memory_space<vmem>>, vector<16xi32>,
          %get3A_543 = arith.constant 144 : index
          %get3A_544 = tpu.vector_load %arg14[%get3A_543] {strides = array<i32>} : memref<400xi32, #tpu.memory_space<vmem>>, vector<16xi32>,
          %swap3A_545 = arith.constant 144 : index
          %swap3A_546 = tpu.vector_load %arg17[%swap3A_545] {strides = array<i32>} : memref<192xi32, #tpu.memory_space<vmem>>, vector<16xi32>,
          tpu.vector_store %arg17[%swap3A_545], %get3A_544 {strides = array<i32>} : memref<192xi32, #tpu.memory_space<vmem>>, vector<16xi32>,
          %get3A_547 = arith.constant 144 : index
          %get3A_548 = tpu.vector_load %arg15[%get3A_547] {strides = array<i32>} : memref<400xi32, #tpu.memory_space<vmem>>, vector<16xi32>,
          %swap3A_549 = arith.constant 144 : index
          %swap3A_550 = tpu.vector_load %arg18[%swap3A_549] {strides = array<i32>} : memref<192xi32, #tpu.memory_space<vmem>>, vector<16xi32>,
          tpu.vector_store %arg18[%swap3A_549], %get3A_548 {strides = array<i32>} : memref<192xi32, #tpu.memory_space<vmem>>, vector<16xi32>,
          %get3A_551 = arith.constant 144 : index
          %get3A_552 = tpu.vector_load %arg16[%get3A_551] {strides = array<i32>} : memref<400xi32, #tpu.memory_space<vmem>>, vector<16xi32>,
          %swap3A_553 = arith.constant 144 : index
          %swap3A_554 = tpu.vector_load %arg19[%swap3A_553] {strides = array<i32>} : memref<208xi32, #tpu.memory_space<vmem>>, vector<16xi32>,
          tpu.vector_store %arg19[%swap3A_553], %get3A_552 {strides = array<i32>} : memref<208xi32, #tpu.memory_space<vmem>>, vector<16xi32>,
          %get3A_555 = arith.constant 160 : index
          %get3A_556 = tpu.vector_load %arg14[%get3A_555] {strides = array<i32>} : memref<400xi32, #tpu.memory_space<vmem>>, vector<16xi32>,
          %swap3A_557 = arith.constant 160 : index
          %swap3A_558 = tpu.vector_load %arg17[%swap3A_557] {strides = array<i32>} : memref<192xi32, #tpu.memory_space<vmem>>, vector<16xi32>,
          tpu.vector_store %arg17[%swap3A_557], %get3A_556 {strides = array<i32>} : memref<192xi32, #tpu.memory_space<vmem>>, vector<16xi32>,
          %get3A_559 = arith.constant 160 : index
          %get3A_560 = tpu.vector_load %arg15[%get3A_559] {strides = array<i32>} : memref<400xi32, #tpu.memory_space<vmem>>, vector<16xi32>,
          %swap3A_561 = arith.constant 160 : index
          %swap3A_562 = tpu.vector_load %arg18[%swap3A_561] {strides = array<i32>} : memref<192xi32, #tpu.memory_space<vmem>>, vector<16xi32>,
          tpu.vector_store %arg18[%swap3A_561], %get3A_560 {strides = array<i32>} : memref<192xi32, #tpu.memory_space<vmem>>, vector<16xi32>,
          %get3A_563 = arith.constant 160 : index
          %get3A_564 = tpu.vector_load %arg16[%get3A_563] {strides = array<i32>} : memref<400xi32, #tpu.memory_space<vmem>>, vector<16xi32>,
          %swap3A_565 = arith.constant 160 : index
          %swap3A_566 = tpu.vector_load %arg19[%swap3A_565] {strides = array<i32>} : memref<208xi32, #tpu.memory_space<vmem>>, vector<16xi32>,
          tpu.vector_store %arg19[%swap3A_565], %get3A_564 {strides = array<i32>} : memref<208xi32, #tpu.memory_space<vmem>>, vector<16xi32>,
          %get3A_567 = arith.constant 176 : index
          %get3A_568 = tpu.vector_load %arg14[%get3A_567] {strides = array<i32>} : memref<400xi32, #tpu.memory_space<vmem>>, vector<16xi32>,
          %swap3A_569 = arith.constant 176 : index
          %swap3A_570 = tpu.vector_load %arg17[%swap3A_569] {strides = array<i32>} : memref<192xi32, #tpu.memory_space<vmem>>, vector<16xi32>,
          tpu.vector_store %arg17[%swap3A_569], %get3A_568 {strides = array<i32>} : memref<192xi32, #tpu.memory_space<vmem>>, vector<16xi32>,
          %get3A_571 = arith.constant 176 : index
          %get3A_572 = tpu.vector_load %arg15[%get3A_571] {strides = array<i32>} : memref<400xi32, #tpu.memory_space<vmem>>, vector<16xi32>,
          %swap3A_573 = arith.constant 176 : index
          %swap3A_574 = tpu.vector_load %arg18[%swap3A_573] {strides = array<i32>} : memref<192xi32, #tpu.memory_space<vmem>>, vector<16xi32>,
          tpu.vector_store %arg18[%swap3A_573], %get3A_572 {strides = array<i32>} : memref<192xi32, #tpu.memory_space<vmem>>, vector<16xi32>,
          %get3A_575 = arith.constant 176 : index
          %get3A_576 = tpu.vector_load %arg16[%get3A_575] {strides = array<i32>} : memref<400xi32, #tpu.memory_space<vmem>>, vector<16xi32>,
          %swap3A_577 = arith.constant 176 : index
          %swap3A_578 = tpu.vector_load %arg19[%swap3A_577] {strides = array<i32>} : memref<208xi32, #tpu.memory_space<vmem>>, vector<16xi32>,
          tpu.vector_store %arg19[%swap3A_577], %get3A_576 {strides = array<i32>} : memref<208xi32, #tpu.memory_space<vmem>>, vector<16xi32>,
          %dma_start3A_579 = arith.constant 0 : i32
          %dma_start3A_580 = arith.constant 0 : i32
          %dma_start3A_581 = tpu.memref_slice %arg3[%dma_start3A_579, %dma_start3A_580] : memref<320000x128xf32, #tpu.memory_space<hbm>> -> memref<320000x128xf32, #tpu.memory_space<hbm>>
          tpu.enqueue_indirect_dma source(%dma_start3A_581 : memref<320000x128xf32, #tpu.memory_space<hbm>>) target(%arg10 : memref<192x128xf32, #tpu.memory_space<vmem>>) offsets(%arg17 : memref<192xi32, #tpu.memory_space<vmem>>) semaphore(%arg20 : memref<!tpu.dma_semaphore, #tpu.memory_space<semaphore_mem>>)
          %dma_start3A_582 = arith.constant 0 : i32
          %dma_start3A_583 = arith.constant 0 : i32
          %dma_start3A_584 = tpu.memref_slice %arg4[%dma_start3A_582, %dma_start3A_583] : memref<320000x128xf32, #tpu.memory_space<hbm>> -> memref<320000x128xf32, #tpu.memory_space<hbm>>
          tpu.enqueue_indirect_dma source(%dma_start3A_584 : memref<320000x128xf32, #tpu.memory_space<hbm>>) target(%arg11 : memref<192x128xf32, #tpu.memory_space<vmem>>) offsets(%arg17 : memref<192xi32, #tpu.memory_space<vmem>>) semaphore(%arg20 : memref<!tpu.dma_semaphore, #tpu.memory_space<semaphore_mem>>)
          %dma_start3A_585 = arith.constant 0 : i32
          %dma_start3A_586 = arith.constant 0 : i32
          %dma_start3A_587 = tpu.memref_slice %arg2[%dma_start3A_585, %dma_start3A_586] : memref<10000x128xf32, #tpu.memory_space<hbm>> -> memref<10000x128xf32, #tpu.memory_space<hbm>>
          tpu.enqueue_indirect_dma source(%dma_start3A_587 : memref<10000x128xf32, #tpu.memory_space<hbm>>) target(%arg12 : memref<192x128xf32, #tpu.memory_space<vmem>>) offsets(%arg18 : memref<192xi32, #tpu.memory_space<vmem>>) semaphore(%arg20 : memref<!tpu.dma_semaphore, #tpu.memory_space<semaphore_mem>>)
          %dma_wait3A_588 = arith.constant 0 : i32
          %dma_wait3A_589 = arith.constant 0 : i32
          %dma_wait3A_590 = tpu.memref_slice %arg3[%dma_wait3A_588, %dma_wait3A_589] : memref<320000x128xf32, #tpu.memory_space<hbm>> -> memref<320000x128xf32, #tpu.memory_space<hbm>>
          tpu.wait_indirect_dma semaphore(%arg20 : memref<!tpu.dma_semaphore, #tpu.memory_space<semaphore_mem>>) src(%dma_wait3A_590 : memref<320000x128xf32, #tpu.memory_space<hbm>>) dst(%arg10 : memref<192x128xf32, #tpu.memory_space<vmem>>)
          %dma_wait3A_591 = arith.constant 0 : i32
          %dma_wait3A_592 = arith.constant 0 : i32
          %dma_wait3A_593 = tpu.memref_slice %arg4[%dma_wait3A_591, %dma_wait3A_592] : memref<320000x128xf32, #tpu.memory_space<hbm>> -> memref<320000x128xf32, #tpu.memory_space<hbm>>
          tpu.wait_indirect_dma semaphore(%arg20 : memref<!tpu.dma_semaphore, #tpu.memory_space<semaphore_mem>>) src(%dma_wait3A_593 : memref<320000x128xf32, #tpu.memory_space<hbm>>) dst(%arg11 : memref<192x128xf32, #tpu.memory_space<vmem>>)
          %dma_wait3A_594 = arith.constant 0 : i32
          %dma_wait3A_595 = arith.constant 0 : i32
          %dma_wait3A_596 = tpu.memref_slice %arg2[%dma_wait3A_594, %dma_wait3A_595] : memref<10000x128xf32, #tpu.memory_space<hbm>> -> memref<10000x128xf32, #tpu.memory_space<hbm>>
          tpu.wait_indirect_dma semaphore(%arg20 : memref<!tpu.dma_semaphore, #tpu.memory_space<semaphore_mem>>) src(%dma_wait3A_596 : memref<10000x128xf32, #tpu.memory_space<hbm>>) dst(%arg12 : memref<192x128xf32, #tpu.memory_space<vmem>>)
          %scan3A_597 = arith.constant 0 : i32
          %scan3A_598 = arith.constant 0 : i32
          %scan3A_599 = arith.constant 192 : i32
          %scan3A_600 = arith.addi %scan3A_598, %scan3A_599 : i32
          %scan3A_601 = arith.constant 1 : i32
          scf.for %scan3A_617 = %scan3A_598 to %scan3A_600 step %scan3A_601  : i32 {
            %get3A_618 = arith.index_cast %scan3A_617 : i32 to index
            %get3A_619 = tpu.vector_load %arg19[%get3A_618] {strides = array<i32>} : memref<208xi32, #tpu.memory_space<vmem>>, vector<16xi32>,
            %slice3A = vector.extract_strided_slice %get3A_619 {offsets = [0], sizes = [1], strides = [1]} : vector<16xi32> to vector<1xi32>
            %squeeze3A = vector.extract %slice3A[0] : i32 from vector<1xi32>
            %get3A_620 = arith.index_cast %scan3A_617 : i32 to index
            %get3A_621 = arith.constant 0 : index
            %get3A_622 = tpu.vector_load %arg10[%get3A_620, %get3A_621] {strides = array<i32>} : memref<192x128xf32, #tpu.memory_space<vmem>>, vector<16xf32>,
            %get3A_623 = arith.index_cast %scan3A_617 : i32 to index
            %get3A_624 = arith.constant 0 : index
            %get3A_625 = tpu.vector_load %arg12[%get3A_623, %get3A_624] {strides = array<i32>} : memref<192x128xf32, #tpu.memory_space<vmem>>, vector<16xf32>,
            %mul3A_626 = arith.mulf %get3A_622, %get3A_625 : vector<16xf32>
            %reduce_sum3A_627 = arith.constant true
            %reduce_sum3A_628 = vector.broadcast %reduce_sum3A_627 : i1 to vector<16xi1>
            %reduce_sum3A_629 = tpu.scan <sum>, %mul3A_626 masked %reduce_sum3A_628 : vector<16xf32>, vector<16xi1> -> vector<16xf32>
            %reduce_sum3A_630 = vector.extract %reduce_sum3A_629[15] : f32 from vector<16xf32>
            %mul3A_631 = arith.constant 0.0883883461 : f32
            %mul3A_632 = arith.mulf %reduce_sum3A_630, %mul3A_631 : f32
            %broadcast_in_dim3A_633 = vector.broadcast %mul3A_632 : f32 to vector<16xf32>
            %exp3A = math.exp %broadcast_in_dim3A_633 : vector<16xf32>
            %get3A_634 = arith.index_cast %squeeze3A : i32 to index
            %get3A_635 = arith.constant 0 : index
            %get3A_636 = tpu.vector_load %arg8[%get3A_634, %get3A_635] {strides = array<i32>} : memref<336x128xf32, #tpu.memory_space<vmem>>, vector<16xf32>,
            %get3A_637 = arith.index_cast %scan3A_617 : i32 to index
            %get3A_638 = arith.constant 0 : index
            %get3A_639 = tpu.vector_load %arg11[%get3A_637, %get3A_638] {strides = array<i32>} : memref<192x128xf32, #tpu.memory_space<vmem>>, vector<16xf32>,
            %mul3A_640 = arith.mulf %exp3A, %get3A_639 : vector<16xf32>
            %add3A_641 = arith.addf %get3A_636, %mul3A_640 : vector<16xf32>
            %swap3A_642 = arith.index_cast %squeeze3A : i32 to index
            %swap3A_643 = arith.constant 0 : index
            %swap3A_644 = tpu.vector_load %arg8[%swap3A_642, %swap3A_643] {strides = array<i32>} : memref<336x128xf32, #tpu.memory_space<vmem>>, vector<16xf32>,
            tpu.vector_store %arg8[%swap3A_642, %swap3A_643], %add3A_641 {strides = array<i32>} : memref<336x128xf32, #tpu.memory_space<vmem>>, vector<16xf32>,
            %select_n3A = arith.select %eq3A_4, %exp3A, %broadcast_in_dim3A_26 : vector<16xi1>, vector<16xf32>
            %get3A_645 = arith.index_cast %scan3A_617 : i32 to index
            %get3A_646 = arith.constant 16 : index
            %get3A_647 = tpu.vector_load %arg10[%get3A_645, %get3A_646] {strides = array<i32>} : memref<192x128xf32, #tpu.memory_space<vmem>>, vector<16xf32>,
            %get3A_648 = arith.index_cast %scan3A_617 : i32 to index
            %get3A_649 = arith.constant 16 : index
            %get3A_650 = tpu.vector_load %arg12[%get3A_648, %get3A_649] {strides = array<i32>} : memref<192x128xf32, #tpu.memory_space<vmem>>, vector<16xf32>,
            %mul3A_651 = arith.mulf %get3A_647, %get3A_650 : vector<16xf32>
            %reduce_sum3A_652 = arith.constant true
            %reduce_sum3A_653 = vector.broadcast %reduce_sum3A_652 : i1 to vector<16xi1>
            %reduce_sum3A_654 = tpu.scan <sum>, %mul3A_651 masked %reduce_sum3A_653 : vector<16xf32>, vector<16xi1> -> vector<16xf32>
            %reduce_sum3A_655 = vector.extract %reduce_sum3A_654[15] : f32 from vector<16xf32>
            %mul3A_656 = arith.constant 0.0883883461 : f32
            %mul3A_657 = arith.mulf %reduce_sum3A_655, %mul3A_656 : f32
            %broadcast_in_dim3A_658 = vector.broadcast %mul3A_657 : f32 to vector<16xf32>
            %exp3A_659 = math.exp %broadcast_in_dim3A_658 : vector<16xf32>
            %get3A_660 = arith.index_cast %squeeze3A : i32 to index
            %get3A_661 = arith.constant 16 : index
            %get3A_662 = tpu.vector_load %arg8[%get3A_660, %get3A_661] {strides = array<i32>} : memref<336x128xf32, #tpu.memory_space<vmem>>, vector<16xf32>,
            %get3A_663 = arith.index_cast %scan3A_617 : i32 to index
            %get3A_664 = arith.constant 16 : index
            %get3A_665 = tpu.vector_load %arg11[%get3A_663, %get3A_664] {strides = array<i32>} : memref<192x128xf32, #tpu.memory_space<vmem>>, vector<16xf32>,
            %mul3A_666 = arith.mulf %exp3A_659, %get3A_665 : vector<16xf32>
            %add3A_667 = arith.addf %get3A_662, %mul3A_666 : vector<16xf32>
            %swap3A_668 = arith.index_cast %squeeze3A : i32 to index
            %swap3A_669 = arith.constant 16 : index
            %swap3A_670 = tpu.vector_load %arg8[%swap3A_668, %swap3A_669] {strides = array<i32>} : memref<336x128xf32, #tpu.memory_space<vmem>>, vector<16xf32>,
            tpu.vector_store %arg8[%swap3A_668, %swap3A_669], %add3A_667 {strides = array<i32>} : memref<336x128xf32, #tpu.memory_space<vmem>>, vector<16xf32>,
            %select_n3A_671 = arith.select %eq3A_7, %exp3A_659, %select_n3A : vector<16xi1>, vector<16xf32>
            %get3A_672 = arith.index_cast %scan3A_617 : i32 to index
            %get3A_673 = arith.constant 32 : index
            %get3A_674 = tpu.vector_load %arg10[%get3A_672, %get3A_673] {strides = array<i32>} : memref<192x128xf32, #tpu.memory_space<vmem>>, vector<16xf32>,
            %get3A_675 = arith.index_cast %scan3A_617 : i32 to index
            %get3A_676 = arith.constant 32 : index
            %get3A_677 = tpu.vector_load %arg12[%get3A_675, %get3A_676] {strides = array<i32>} : memref<192x128xf32, #tpu.memory_space<vmem>>, vector<16xf32>,
            %mul3A_678 = arith.mulf %get3A_674, %get3A_677 : vector<16xf32>
            %reduce_sum3A_679 = arith.constant true
            %reduce_sum3A_680 = vector.broadcast %reduce_sum3A_679 : i1 to vector<16xi1>
            %reduce_sum3A_681 = tpu.scan <sum>, %mul3A_678 masked %reduce_sum3A_680 : vector<16xf32>, vector<16xi1> -> vector<16xf32>
            %reduce_sum3A_682 = vector.extract %reduce_sum3A_681[15] : f32 from vector<16xf32>
            %mul3A_683 = arith.constant 0.0883883461 : f32
            %mul3A_684 = arith.mulf %reduce_sum3A_682, %mul3A_683 : f32
            %broadcast_in_dim3A_685 = vector.broadcast %mul3A_684 : f32 to vector<16xf32>
            %exp3A_686 = math.exp %broadcast_in_dim3A_685 : vector<16xf32>
            %get3A_687 = arith.index_cast %squeeze3A : i32 to index
            %get3A_688 = arith.constant 32 : index
            %get3A_689 = tpu.vector_load %arg8[%get3A_687, %get3A_688] {strides = array<i32>} : memref<336x128xf32, #tpu.memory_space<vmem>>, vector<16xf32>,
            %get3A_690 = arith.index_cast %scan3A_617 : i32 to index
            %get3A_691 = arith.constant 32 : index
            %get3A_692 = tpu.vector_load %arg11[%get3A_690, %get3A_691] {strides = array<i32>} : memref<192x128xf32, #tpu.memory_space<vmem>>, vector<16xf32>,
            %mul3A_693 = arith.mulf %exp3A_686, %get3A_692 : vector<16xf32>
            %add3A_694 = arith.addf %get3A_689, %mul3A_693 : vector<16xf32>
            %swap3A_695 = arith.index_cast %squeeze3A : i32 to index
            %swap3A_696 = arith.constant 32 : index
            %swap3A_697 = tpu.vector_load %arg8[%swap3A_695, %swap3A_696] {strides = array<i32>} : memref<336x128xf32, #tpu.memory_space<vmem>>, vector<16xf32>,
            tpu.vector_store %arg8[%swap3A_695, %swap3A_696], %add3A_694 {strides = array<i32>} : memref<336x128xf32, #tpu.memory_space<vmem>>, vector<16xf32>,
            %select_n3A_698 = arith.select %eq3A_10, %exp3A_686, %select_n3A_671 : vector<16xi1>, vector<16xf32>
            %get3A_699 = arith.index_cast %scan3A_617 : i32 to index
            %get3A_700 = arith.constant 48 : index
            %get3A_701 = tpu.vector_load %arg10[%get3A_699, %get3A_700] {strides = array<i32>} : memref<192x128xf32, #tpu.memory_space<vmem>>, vector<16xf32>,
            %get3A_702 = arith.index_cast %scan3A_617 : i32 to index
            %get3A_703 = arith.constant 48 : index
            %get3A_704 = tpu.vector_load %arg12[%get3A_702, %get3A_703] {strides = array<i32>} : memref<192x128xf32, #tpu.memory_space<vmem>>, vector<16xf32>,
            %mul3A_705 = arith.mulf %get3A_701, %get3A_704 : vector<16xf32>
            %reduce_sum3A_706 = arith.constant true
            %reduce_sum3A_707 = vector.broadcast %reduce_sum3A_706 : i1 to vector<16xi1>
            %reduce_sum3A_708 = tpu.scan <sum>, %mul3A_705 masked %reduce_sum3A_707 : vector<16xf32>, vector<16xi1> -> vector<16xf32>
            %reduce_sum3A_709 = vector.extract %reduce_sum3A_708[15] : f32 from vector<16xf32>
            %mul3A_710 = arith.constant 0.0883883461 : f32
            %mul3A_711 = arith.mulf %reduce_sum3A_709, %mul3A_710 : f32
            %broadcast_in_dim3A_712 = vector.broadcast %mul3A_711 : f32 to vector<16xf32>
            %exp3A_713 = math.exp %broadcast_in_dim3A_712 : vector<16xf32>
            %get3A_714 = arith.index_cast %squeeze3A : i32 to index
            %get3A_715 = arith.constant 48 : index
            %get3A_716 = tpu.vector_load %arg8[%get3A_714, %get3A_715] {strides = array<i32>} : memref<336x128xf32, #tpu.memory_space<vmem>>, vector<16xf32>,
            %get3A_717 = arith.index_cast %scan3A_617 : i32 to index
            %get3A_718 = arith.constant 48 : index
            %get3A_719 = tpu.vector_load %arg11[%get3A_717, %get3A_718] {strides = array<i32>} : memref<192x128xf32, #tpu.memory_space<vmem>>, vector<16xf32>,
            %mul3A_720 = arith.mulf %exp3A_713, %get3A_719 : vector<16xf32>
            %add3A_721 = arith.addf %get3A_716, %mul3A_720 : vector<16xf32>
            %swap3A_722 = arith.index_cast %squeeze3A : i32 to index
            %swap3A_723 = arith.constant 48 : index
            %swap3A_724 = tpu.vector_load %arg8[%swap3A_722, %swap3A_723] {strides = array<i32>} : memref<336x128xf32, #tpu.memory_space<vmem>>, vector<16xf32>,
            tpu.vector_store %arg8[%swap3A_722, %swap3A_723], %add3A_721 {strides = array<i32>} : memref<336x128xf32, #tpu.memory_space<vmem>>, vector<16xf32>,
            %select_n3A_725 = arith.select %eq3A_13, %exp3A_713, %select_n3A_698 : vector<16xi1>, vector<16xf32>
            %get3A_726 = arith.index_cast %scan3A_617 : i32 to index
            %get3A_727 = arith.constant 64 : index
            %get3A_728 = tpu.vector_load %arg10[%get3A_726, %get3A_727] {strides = array<i32>} : memref<192x128xf32, #tpu.memory_space<vmem>>, vector<16xf32>,
            %get3A_729 = arith.index_cast %scan3A_617 : i32 to index
            %get3A_730 = arith.constant 64 : index
            %get3A_731 = tpu.vector_load %arg12[%get3A_729, %get3A_730] {strides = array<i32>} : memref<192x128xf32, #tpu.memory_space<vmem>>, vector<16xf32>,
            %mul3A_732 = arith.mulf %get3A_728, %get3A_731 : vector<16xf32>
            %reduce_sum3A_733 = arith.constant true
            %reduce_sum3A_734 = vector.broadcast %reduce_sum3A_733 : i1 to vector<16xi1>
            %reduce_sum3A_735 = tpu.scan <sum>, %mul3A_732 masked %reduce_sum3A_734 : vector<16xf32>, vector<16xi1> -> vector<16xf32>
            %reduce_sum3A_736 = vector.extract %reduce_sum3A_735[15] : f32 from vector<16xf32>
            %mul3A_737 = arith.constant 0.0883883461 : f32
            %mul3A_738 = arith.mulf %reduce_sum3A_736, %mul3A_737 : f32
            %broadcast_in_dim3A_739 = vector.broadcast %mul3A_738 : f32 to vector<16xf32>
            %exp3A_740 = math.exp %broadcast_in_dim3A_739 : vector<16xf32>
            %get3A_741 = arith.index_cast %squeeze3A : i32 to index
            %get3A_742 = arith.constant 64 : index
            %get3A_743 = tpu.vector_load %arg8[%get3A_741, %get3A_742] {strides = array<i32>} : memref<336x128xf32, #tpu.memory_space<vmem>>, vector<16xf32>,
            %get3A_744 = arith.index_cast %scan3A_617 : i32 to index
            %get3A_745 = arith.constant 64 : index
            %get3A_746 = tpu.vector_load %arg11[%get3A_744, %get3A_745] {strides = array<i32>} : memref<192x128xf32, #tpu.memory_space<vmem>>, vector<16xf32>,
            %mul3A_747 = arith.mulf %exp3A_740, %get3A_746 : vector<16xf32>
            %add3A_748 = arith.addf %get3A_743, %mul3A_747 : vector<16xf32>
            %swap3A_749 = arith.index_cast %squeeze3A : i32 to index
            %swap3A_750 = arith.constant 64 : index
            %swap3A_751 = tpu.vector_load %arg8[%swap3A_749, %swap3A_750] {strides = array<i32>} : memref<336x128xf32, #tpu.memory_space<vmem>>, vector<16xf32>,
            tpu.vector_store %arg8[%swap3A_749, %swap3A_750], %add3A_748 {strides = array<i32>} : memref<336x128xf32, #tpu.memory_space<vmem>>, vector<16xf32>,
            %select_n3A_752 = arith.select %eq3A_16, %exp3A_740, %select_n3A_725 : vector<16xi1>, vector<16xf32>
            %get3A_753 = arith.index_cast %scan3A_617 : i32 to index
            %get3A_754 = arith.constant 80 : index
            %get3A_755 = tpu.vector_load %arg10[%get3A_753, %get3A_754] {strides = array<i32>} : memref<192x128xf32, #tpu.memory_space<vmem>>, vector<16xf32>,
            %get3A_756 = arith.index_cast %scan3A_617 : i32 to index
            %get3A_757 = arith.constant 80 : index
            %get3A_758 = tpu.vector_load %arg12[%get3A_756, %get3A_757] {strides = array<i32>} : memref<192x128xf32, #tpu.memory_space<vmem>>, vector<16xf32>,
            %mul3A_759 = arith.mulf %get3A_755, %get3A_758 : vector<16xf32>
            %reduce_sum3A_760 = arith.constant true
            %reduce_sum3A_761 = vector.broadcast %reduce_sum3A_760 : i1 to vector<16xi1>
            %reduce_sum3A_762 = tpu.scan <sum>, %mul3A_759 masked %reduce_sum3A_761 : vector<16xf32>, vector<16xi1> -> vector<16xf32>
            %reduce_sum3A_763 = vector.extract %reduce_sum3A_762[15] : f32 from vector<16xf32>
            %mul3A_764 = arith.constant 0.0883883461 : f32
            %mul3A_765 = arith.mulf %reduce_sum3A_763, %mul3A_764 : f32
            %broadcast_in_dim3A_766 = vector.broadcast %mul3A_765 : f32 to vector<16xf32>
            %exp3A_767 = math.exp %broadcast_in_dim3A_766 : vector<16xf32>
            %get3A_768 = arith.index_cast %squeeze3A : i32 to index
            %get3A_769 = arith.constant 80 : index
            %get3A_770 = tpu.vector_load %arg8[%get3A_768, %get3A_769] {strides = array<i32>} : memref<336x128xf32, #tpu.memory_space<vmem>>, vector<16xf32>,
            %get3A_771 = arith.index_cast %scan3A_617 : i32 to index
            %get3A_772 = arith.constant 80 : index
            %get3A_773 = tpu.vector_load %arg11[%get3A_771, %get3A_772] {strides = array<i32>} : memref<192x128xf32, #tpu.memory_space<vmem>>, vector<16xf32>,
            %mul3A_774 = arith.mulf %exp3A_767, %get3A_773 : vector<16xf32>
            %add3A_775 = arith.addf %get3A_770, %mul3A_774 : vector<16xf32>
            %swap3A_776 = arith.index_cast %squeeze3A : i32 to index
            %swap3A_777 = arith.constant 80 : index
            %swap3A_778 = tpu.vector_load %arg8[%swap3A_776, %swap3A_777] {strides = array<i32>} : memref<336x128xf32, #tpu.memory_space<vmem>>, vector<16xf32>,
            tpu.vector_store %arg8[%swap3A_776, %swap3A_777], %add3A_775 {strides = array<i32>} : memref<336x128xf32, #tpu.memory_space<vmem>>, vector<16xf32>,
            %select_n3A_779 = arith.select %eq3A_19, %exp3A_767, %select_n3A_752 : vector<16xi1>, vector<16xf32>
            %get3A_780 = arith.index_cast %scan3A_617 : i32 to index
            %get3A_781 = arith.constant 96 : index
            %get3A_782 = tpu.vector_load %arg10[%get3A_780, %get3A_781] {strides = array<i32>} : memref<192x128xf32, #tpu.memory_space<vmem>>, vector<16xf32>,
            %get3A_783 = arith.index_cast %scan3A_617 : i32 to index
            %get3A_784 = arith.constant 96 : index
            %get3A_785 = tpu.vector_load %arg12[%get3A_783, %get3A_784] {strides = array<i32>} : memref<192x128xf32, #tpu.memory_space<vmem>>, vector<16xf32>,
            %mul3A_786 = arith.mulf %get3A_782, %get3A_785 : vector<16xf32>
            %reduce_sum3A_787 = arith.constant true
            %reduce_sum3A_788 = vector.broadcast %reduce_sum3A_787 : i1 to vector<16xi1>
            %reduce_sum3A_789 = tpu.scan <sum>, %mul3A_786 masked %reduce_sum3A_788 : vector<16xf32>, vector<16xi1> -> vector<16xf32>
            %reduce_sum3A_790 = vector.extract %reduce_sum3A_789[15] : f32 from vector<16xf32>
            %mul3A_791 = arith.constant 0.0883883461 : f32
            %mul3A_792 = arith.mulf %reduce_sum3A_790, %mul3A_791 : f32
            %broadcast_in_dim3A_793 = vector.broadcast %mul3A_792 : f32 to vector<16xf32>
            %exp3A_794 = math.exp %broadcast_in_dim3A_793 : vector<16xf32>
            %get3A_795 = arith.index_cast %squeeze3A : i32 to index
            %get3A_796 = arith.constant 96 : index
            %get3A_797 = tpu.vector_load %arg8[%get3A_795, %get3A_796] {strides = array<i32>} : memref<336x128xf32, #tpu.memory_space<vmem>>, vector<16xf32>,
            %get3A_798 = arith.index_cast %scan3A_617 : i32 to index
            %get3A_799 = arith.constant 96 : index
            %get3A_800 = tpu.vector_load %arg11[%get3A_798, %get3A_799] {strides = array<i32>} : memref<192x128xf32, #tpu.memory_space<vmem>>, vector<16xf32>,
            %mul3A_801 = arith.mulf %exp3A_794, %get3A_800 : vector<16xf32>
            %add3A_802 = arith.addf %get3A_797, %mul3A_801 : vector<16xf32>
            %swap3A_803 = arith.index_cast %squeeze3A : i32 to index
            %swap3A_804 = arith.constant 96 : index
            %swap3A_805 = tpu.vector_load %arg8[%swap3A_803, %swap3A_804] {strides = array<i32>} : memref<336x128xf32, #tpu.memory_space<vmem>>, vector<16xf32>,
            tpu.vector_store %arg8[%swap3A_803, %swap3A_804], %add3A_802 {strides = array<i32>} : memref<336x128xf32, #tpu.memory_space<vmem>>, vector<16xf32>,
            %select_n3A_806 = arith.select %eq3A_22, %exp3A_794, %select_n3A_779 : vector<16xi1>, vector<16xf32>
            %get3A_807 = arith.index_cast %scan3A_617 : i32 to index
            %get3A_808 = arith.constant 112 : index
            %get3A_809 = tpu.vector_load %arg10[%get3A_807, %get3A_808] {strides = array<i32>} : memref<192x128xf32, #tpu.memory_space<vmem>>, vector<16xf32>,
            %get3A_810 = arith.index_cast %scan3A_617 : i32 to index
            %get3A_811 = arith.constant 112 : index
            %get3A_812 = tpu.vector_load %arg12[%get3A_810, %get3A_811] {strides = array<i32>} : memref<192x128xf32, #tpu.memory_space<vmem>>, vector<16xf32>,
            %mul3A_813 = arith.mulf %get3A_809, %get3A_812 : vector<16xf32>
            %reduce_sum3A_814 = arith.constant true
            %reduce_sum3A_815 = vector.broadcast %reduce_sum3A_814 : i1 to vector<16xi1>
            %reduce_sum3A_816 = tpu.scan <sum>, %mul3A_813 masked %reduce_sum3A_815 : vector<16xf32>, vector<16xi1> -> vector<16xf32>
            %reduce_sum3A_817 = vector.extract %reduce_sum3A_816[15] : f32 from vector<16xf32>
            %mul3A_818 = arith.constant 0.0883883461 : f32
            %mul3A_819 = arith.mulf %reduce_sum3A_817, %mul3A_818 : f32
            %broadcast_in_dim3A_820 = vector.broadcast %mul3A_819 : f32 to vector<16xf32>
            %exp3A_821 = math.exp %broadcast_in_dim3A_820 : vector<16xf32>
            %get3A_822 = arith.index_cast %squeeze3A : i32 to index
            %get3A_823 = arith.constant 112 : index
            %get3A_824 = tpu.vector_load %arg8[%get3A_822, %get3A_823] {strides = array<i32>} : memref<336x128xf32, #tpu.memory_space<vmem>>, vector<16xf32>,
            %get3A_825 = arith.index_cast %scan3A_617 : i32 to index
            %get3A_826 = arith.constant 112 : index
            %get3A_827 = tpu.vector_load %arg11[%get3A_825, %get3A_826] {strides = array<i32>} : memref<192x128xf32, #tpu.memory_space<vmem>>, vector<16xf32>,
            %mul3A_828 = arith.mulf %exp3A_821, %get3A_827 : vector<16xf32>
            %add3A_829 = arith.addf %get3A_824, %mul3A_828 : vector<16xf32>
            %swap3A_830 = arith.index_cast %squeeze3A : i32 to index
            %swap3A_831 = arith.constant 112 : index
            %swap3A_832 = tpu.vector_load %arg8[%swap3A_830, %swap3A_831] {strides = array<i32>} : memref<336x128xf32, #tpu.memory_space<vmem>>, vector<16xf32>,
            tpu.vector_store %arg8[%swap3A_830, %swap3A_831], %add3A_829 {strides = array<i32>} : memref<336x128xf32, #tpu.memory_space<vmem>>, vector<16xf32>,
            %select_n3A_833 = arith.select %eq3A_25, %exp3A_821, %select_n3A_806 : vector<16xi1>, vector<16xf32>
            %mul3A_834 = arith.constant 16 : i32
            %mul3A_835 = arith.muli %squeeze3A, %mul3A_834 : i32
            %get3A_836 = arith.index_cast %mul3A_835 : i32 to index
            %get3A_837 = tpu.vector_load %arg9[%get3A_836] {strides = array<i32>} : memref<5376xf32, #tpu.memory_space<vmem>>, vector<16xf32>,
            %add3A_838 = arith.addf %get3A_837, %select_n3A_833 : vector<16xf32>
            %swap3A_839 = arith.index_cast %mul3A_835 : i32 to index
            %swap3A_840 = tpu.vector_load %arg9[%swap3A_839] {strides = array<i32>} : memref<5376xf32, #tpu.memory_space<vmem>>, vector<16xf32>,
            tpu.vector_store %arg9[%swap3A_839], %add3A_838 {strides = array<i32>} : memref<5376xf32, #tpu.memory_space<vmem>>, vector<16xf32>,
          }
          %scan3A_602 = arith.constant 192 : i32
          %get3A_603 = arith.constant 192 : index
          %get3A_604 = tpu.vector_load %arg14[%get3A_603] {strides = array<i32>} : memref<400xi32, #tpu.memory_space<vmem>>, vector<16xi32>,
          %swap3A_605 = arith.constant 0 : index
          %swap3A_606 = tpu.vector_load %arg14[%swap3A_605] {strides = array<i32>} : memref<400xi32, #tpu.memory_space<vmem>>, vector<16xi32>,
          tpu.vector_store %arg14[%swap3A_605], %get3A_604 {strides = array<i32>} : memref<400xi32, #tpu.memory_space<vmem>>, vector<16xi32>,
          %get3A_607 = arith.constant 192 : index
          %get3A_608 = tpu.vector_load %arg15[%get3A_607] {strides = array<i32>} : memref<400xi32, #tpu.memory_space<vmem>>, vector<16xi32>,
          %swap3A_609 = arith.constant 0 : index
          %swap3A_610 = tpu.vector_load %arg15[%swap3A_609] {strides = array<i32>} : memref<400xi32, #tpu.memory_space<vmem>>, vector<16xi32>,
          tpu.vector_store %arg15[%swap3A_609], %get3A_608 {strides = array<i32>} : memref<400xi32, #tpu.memory_space<vmem>>, vector<16xi32>,
          %get3A_611 = arith.constant 192 : index
          %get3A_612 = tpu.vector_load %arg16[%get3A_611] {strides = array<i32>} : memref<400xi32, #tpu.memory_space<vmem>>, vector<16xi32>,
          %swap3A_613 = arith.constant 0 : index
          %swap3A_614 = tpu.vector_load %arg16[%swap3A_613] {strides = array<i32>} : memref<400xi32, #tpu.memory_space<vmem>>, vector<16xi32>,
          tpu.vector_store %arg16[%swap3A_613], %get3A_612 {strides = array<i32>} : memref<400xi32, #tpu.memory_space<vmem>>, vector<16xi32>,
          %sub3A_615 = arith.constant 192 : i32
          %sub3A_616 = arith.subi %add3A_388, %sub3A_615 : i32
          scf.yield %sub3A_616 : i32
        } else {
          scf.yield %add3A_388 : i32
        }
        %scan3A_395 = arith.constant 1 : i32
        %scan3A_396 = arith.addi %scan3A_355, %scan3A_395 : i32
        %mul3A_397 = arith.constant 16 : i32
        %mul3A_398 = arith.muli %scan3A_396, %mul3A_397 : i32
        %get3A_399 = arith.index_cast %mul3A_398 : i32 to index
        %get3A_400 = tpu.vector_load %arg13[%get3A_399] {strides = array<i32>} : memref<2000xi32, #tpu.memory_space<vmem>>, vector<16xi32>,
        %ge3A_401 = vector.broadcast %mul3A_2 : i32 to vector<16xi32>
        %ge3A_402 = arith.cmpi sge, %get3A_400, %ge3A_401 : vector<16xi32>
        %add3A_403 = arith.constant 320 : i32
        %add3A_404 = arith.addi %mul3A_2, %add3A_403 : i32
        %lt3A_405 = vector.broadcast %add3A_404 : i32 to vector<16xi32>
        %lt3A_406 = arith.cmpi slt, %get3A_400, %lt3A_405 : vector<16xi32>
        %and3A_407 = arith.andi %ge3A_402, %lt3A_406 : vector<16xi1>
        %mul3A_408 = arith.constant 2000 : i32
        %mul3A_409 = arith.muli %scan3A_312, %mul3A_408 : i32
        %mul3A_410 = arith.constant 16 : i32
        %mul3A_411 = arith.muli %scan3A_396, %mul3A_410 : i32
        %add3A_412 = arith.addi %mul3A_409, %mul3A_411 : i32
        %add3A_413 = vector.broadcast %add3A_412 : i32 to vector<16xi32>
        %add3A_414 = arith.addi %add3A_413, %iota3A : vector<16xi32>
        %swap3A_415 = arith.index_cast %cond3A_394 : i32 to index
        %swap3A_416 = tpu.vector_load %arg14[%swap3A_415] masked %and3A_407 {strides = array<i32>} : memref<400xi32, #tpu.memory_space<vmem>>, vector<16xi32>, vector<16xi1>
        tpu.vector_store %arg14[%swap3A_415], %add3A_414 masked %and3A_407 {strides = array<i32>} : memref<400xi32, #tpu.memory_space<vmem>>, vector<16xi32>, vector<16xi1>
        %swap3A_417 = arith.index_cast %cond3A_394 : i32 to index
        %swap3A_418 = tpu.vector_load %arg15[%swap3A_417] masked %and3A_407 {strides = array<i32>} : memref<400xi32, #tpu.memory_space<vmem>>, vector<16xi32>, vector<16xi1>
        tpu.vector_store %arg15[%swap3A_417], %get3A_400 masked %and3A_407 {strides = array<i32>} : memref<400xi32, #tpu.memory_space<vmem>>, vector<16xi32>, vector<16xi1>
        %sub3A_419 = vector.broadcast %mul3A_2 : i32 to vector<16xi32>
        %sub3A_420 = arith.subi %get3A_400, %sub3A_419 : vector<16xi32>
        %swap3A_421 = arith.index_cast %cond3A_394 : i32 to index
        %swap3A_422 = tpu.vector_load %arg16[%swap3A_421] masked %and3A_407 {strides = array<i32>} : memref<400xi32, #tpu.memory_space<vmem>>, vector<16xi32>, vector<16xi1>
        tpu.vector_store %arg16[%swap3A_421], %sub3A_420 masked %and3A_407 {strides = array<i32>} : memref<400xi32, #tpu.memory_space<vmem>>, vector<16xi32>, vector<16xi1>
        %convert_element_type3A_423 = arith.extui %and3A_407 : vector<16xi1> to vector<16xi32>
        %reduce_sum3A_424 = arith.constant true
        %reduce_sum3A_425 = vector.broadcast %reduce_sum3A_424 : i1 to vector<16xi1>
        %reduce_sum3A_426 = tpu.scan <sum>, %convert_element_type3A_423 masked %reduce_sum3A_425 : vector<16xi32>, vector<16xi1> -> vector<16xi32>
        %reduce_sum3A_427 = vector.extract %reduce_sum3A_426[15] : i32 from vector<16xi32>
        %add3A_428 = arith.addi %cond3A_394, %reduce_sum3A_427 : i32
        %ge3A_429 = arith.constant 192 : i32
        %ge3A_430 = arith.cmpi sge, %add3A_428, %ge3A_429 : i32
        %convert_element_type3A_431 = arith.extui %ge3A_430 : i1 to i32
        %cond3A_432 = arith.constant 0 : i32
        %cond3A_433 = arith.cmpi ne, %convert_element_type3A_431, %cond3A_432 : i32
        %cond3A_434 = scf.if %cond3A_433 -> (i32) {
          %get3A_435 = arith.constant 0 : index
          %get3A_436 = tpu.vector_load %arg14[%get3A_435] {strides = array<i32>} : memref<400xi32, #tpu.memory_space<vmem>>, vector<16xi32>,
          %swap3A_437 = arith.constant 0 : index
          %swap3A_438 = tpu.vector_load %arg17[%swap3A_437] {strides = array<i32>} : memref<192xi32, #tpu.memory_space<vmem>>, vector<16xi32>,
          tpu.vector_store %arg17[%swap3A_437], %get3A_436 {strides = array<i32>} : memref<192xi32, #tpu.memory_space<vmem>>, vector<16xi32>,
          %get3A_439 = arith.constant 0 : index
          %get3A_440 = tpu.vector_load %arg15[%get3A_439] {strides = array<i32>} : memref<400xi32, #tpu.memory_space<vmem>>, vector<16xi32>,
          %swap3A_441 = arith.constant 0 : index
          %swap3A_442 = tpu.vector_load %arg18[%swap3A_441] {strides = array<i32>} : memref<192xi32, #tpu.memory_space<vmem>>, vector<16xi32>,
          tpu.vector_store %arg18[%swap3A_441], %get3A_440 {strides = array<i32>} : memref<192xi32, #tpu.memory_space<vmem>>, vector<16xi32>,
          %get3A_443 = arith.constant 0 : index
          %get3A_444 = tpu.vector_load %arg16[%get3A_443] {strides = array<i32>} : memref<400xi32, #tpu.memory_space<vmem>>, vector<16xi32>,
          %swap3A_445 = arith.constant 0 : index
          %swap3A_446 = tpu.vector_load %arg19[%swap3A_445] {strides = array<i32>} : memref<208xi32, #tpu.memory_space<vmem>>, vector<16xi32>,
          tpu.vector_store %arg19[%swap3A_445], %get3A_444 {strides = array<i32>} : memref<208xi32, #tpu.memory_space<vmem>>, vector<16xi32>,
          %get3A_447 = arith.constant 16 : index
          %get3A_448 = tpu.vector_load %arg14[%get3A_447] {strides = array<i32>} : memref<400xi32, #tpu.memory_space<vmem>>, vector<16xi32>,
          %swap3A_449 = arith.constant 16 : index
          %swap3A_450 = tpu.vector_load %arg17[%swap3A_449] {strides = array<i32>} : memref<192xi32, #tpu.memory_space<vmem>>, vector<16xi32>,
          tpu.vector_store %arg17[%swap3A_449], %get3A_448 {strides = array<i32>} : memref<192xi32, #tpu.memory_space<vmem>>, vector<16xi32>,
          %get3A_451 = arith.constant 16 : index
          %get3A_452 = tpu.vector_load %arg15[%get3A_451] {strides = array<i32>} : memref<400xi32, #tpu.memory_space<vmem>>, vector<16xi32>,
          %swap3A_453 = arith.constant 16 : index
          %swap3A_454 = tpu.vector_load %arg18[%swap3A_453] {strides = array<i32>} : memref<192xi32, #tpu.memory_space<vmem>>, vector<16xi32>,
          tpu.vector_store %arg18[%swap3A_453], %get3A_452 {strides = array<i32>} : memref<192xi32, #tpu.memory_space<vmem>>, vector<16xi32>,
          %get3A_455 = arith.constant 16 : index
          %get3A_456 = tpu.vector_load %arg16[%get3A_455] {strides = array<i32>} : memref<400xi32, #tpu.memory_space<vmem>>, vector<16xi32>,
          %swap3A_457 = arith.constant 16 : index
          %swap3A_458 = tpu.vector_load %arg19[%swap3A_457] {strides = array<i32>} : memref<208xi32, #tpu.memory_space<vmem>>, vector<16xi32>,
          tpu.vector_store %arg19[%swap3A_457], %get3A_456 {strides = array<i32>} : memref<208xi32, #tpu.memory_space<vmem>>, vector<16xi32>,
          %get3A_459 = arith.constant 32 : index
          %get3A_460 = tpu.vector_load %arg14[%get3A_459] {strides = array<i32>} : memref<400xi32, #tpu.memory_space<vmem>>, vector<16xi32>,
          %swap3A_461 = arith.constant 32 : index
          %swap3A_462 = tpu.vector_load %arg17[%swap3A_461] {strides = array<i32>} : memref<192xi32, #tpu.memory_space<vmem>>, vector<16xi32>,
          tpu.vector_store %arg17[%swap3A_461], %get3A_460 {strides = array<i32>} : memref<192xi32, #tpu.memory_space<vmem>>, vector<16xi32>,
          %get3A_463 = arith.constant 32 : index
          %get3A_464 = tpu.vector_load %arg15[%get3A_463] {strides = array<i32>} : memref<400xi32, #tpu.memory_space<vmem>>, vector<16xi32>,
          %swap3A_465 = arith.constant 32 : index
          %swap3A_466 = tpu.vector_load %arg18[%swap3A_465] {strides = array<i32>} : memref<192xi32, #tpu.memory_space<vmem>>, vector<16xi32>,
          tpu.vector_store %arg18[%swap3A_465], %get3A_464 {strides = array<i32>} : memref<192xi32, #tpu.memory_space<vmem>>, vector<16xi32>,
          %get3A_467 = arith.constant 32 : index
          %get3A_468 = tpu.vector_load %arg16[%get3A_467] {strides = array<i32>} : memref<400xi32, #tpu.memory_space<vmem>>, vector<16xi32>,
          %swap3A_469 = arith.constant 32 : index
          %swap3A_470 = tpu.vector_load %arg19[%swap3A_469] {strides = array<i32>} : memref<208xi32, #tpu.memory_space<vmem>>, vector<16xi32>,
          tpu.vector_store %arg19[%swap3A_469], %get3A_468 {strides = array<i32>} : memref<208xi32, #tpu.memory_space<vmem>>, vector<16xi32>,
          %get3A_471 = arith.constant 48 : index
          %get3A_472 = tpu.vector_load %arg14[%get3A_471] {strides = array<i32>} : memref<400xi32, #tpu.memory_space<vmem>>, vector<16xi32>,
          %swap3A_473 = arith.constant 48 : index
          %swap3A_474 = tpu.vector_load %arg17[%swap3A_473] {strides = array<i32>} : memref<192xi32, #tpu.memory_space<vmem>>, vector<16xi32>,
          tpu.vector_store %arg17[%swap3A_473], %get3A_472 {strides = array<i32>} : memref<192xi32, #tpu.memory_space<vmem>>, vector<16xi32>,
          %get3A_475 = arith.constant 48 : index
          %get3A_476 = tpu.vector_load %arg15[%get3A_475] {strides = array<i32>} : memref<400xi32, #tpu.memory_space<vmem>>, vector<16xi32>,
          %swap3A_477 = arith.constant 48 : index
          %swap3A_478 = tpu.vector_load %arg18[%swap3A_477] {strides = array<i32>} : memref<192xi32, #tpu.memory_space<vmem>>, vector<16xi32>,
          tpu.vector_store %arg18[%swap3A_477], %get3A_476 {strides = array<i32>} : memref<192xi32, #tpu.memory_space<vmem>>, vector<16xi32>,
          %get3A_479 = arith.constant 48 : index
          %get3A_480 = tpu.vector_load %arg16[%get3A_479] {strides = array<i32>} : memref<400xi32, #tpu.memory_space<vmem>>, vector<16xi32>,
          %swap3A_481 = arith.constant 48 : index
          %swap3A_482 = tpu.vector_load %arg19[%swap3A_481] {strides = array<i32>} : memref<208xi32, #tpu.memory_space<vmem>>, vector<16xi32>,
          tpu.vector_store %arg19[%swap3A_481], %get3A_480 {strides = array<i32>} : memref<208xi32, #tpu.memory_space<vmem>>, vector<16xi32>,
          %get3A_483 = arith.constant 64 : index
          %get3A_484 = tpu.vector_load %arg14[%get3A_483] {strides = array<i32>} : memref<400xi32, #tpu.memory_space<vmem>>, vector<16xi32>,
          %swap3A_485 = arith.constant 64 : index
          %swap3A_486 = tpu.vector_load %arg17[%swap3A_485] {strides = array<i32>} : memref<192xi32, #tpu.memory_space<vmem>>, vector<16xi32>,
          tpu.vector_store %arg17[%swap3A_485], %get3A_484 {strides = array<i32>} : memref<192xi32, #tpu.memory_space<vmem>>, vector<16xi32>,
          %get3A_487 = arith.constant 64 : index
          %get3A_488 = tpu.vector_load %arg15[%get3A_487] {strides = array<i32>} : memref<400xi32, #tpu.memory_space<vmem>>, vector<16xi32>,
          %swap3A_489 = arith.constant 64 : index
          %swap3A_490 = tpu.vector_load %arg18[%swap3A_489] {strides = array<i32>} : memref<192xi32, #tpu.memory_space<vmem>>, vector<16xi32>,
          tpu.vector_store %arg18[%swap3A_489], %get3A_488 {strides = array<i32>} : memref<192xi32, #tpu.memory_space<vmem>>, vector<16xi32>,
          %get3A_491 = arith.constant 64 : index
          %get3A_492 = tpu.vector_load %arg16[%get3A_491] {strides = array<i32>} : memref<400xi32, #tpu.memory_space<vmem>>, vector<16xi32>,
          %swap3A_493 = arith.constant 64 : index
          %swap3A_494 = tpu.vector_load %arg19[%swap3A_493] {strides = array<i32>} : memref<208xi32, #tpu.memory_space<vmem>>, vector<16xi32>,
          tpu.vector_store %arg19[%swap3A_493], %get3A_492 {strides = array<i32>} : memref<208xi32, #tpu.memory_space<vmem>>, vector<16xi32>,
          %get3A_495 = arith.constant 80 : index
          %get3A_496 = tpu.vector_load %arg14[%get3A_495] {strides = array<i32>} : memref<400xi32, #tpu.memory_space<vmem>>, vector<16xi32>,
          %swap3A_497 = arith.constant 80 : index
          %swap3A_498 = tpu.vector_load %arg17[%swap3A_497] {strides = array<i32>} : memref<192xi32, #tpu.memory_space<vmem>>, vector<16xi32>,
          tpu.vector_store %arg17[%swap3A_497], %get3A_496 {strides = array<i32>} : memref<192xi32, #tpu.memory_space<vmem>>, vector<16xi32>,
          %get3A_499 = arith.constant 80 : index
          %get3A_500 = tpu.vector_load %arg15[%get3A_499] {strides = array<i32>} : memref<400xi32, #tpu.memory_space<vmem>>, vector<16xi32>,
          %swap3A_501 = arith.constant 80 : index
          %swap3A_502 = tpu.vector_load %arg18[%swap3A_501] {strides = array<i32>} : memref<192xi32, #tpu.memory_space<vmem>>, vector<16xi32>,
          tpu.vector_store %arg18[%swap3A_501], %get3A_500 {strides = array<i32>} : memref<192xi32, #tpu.memory_space<vmem>>, vector<16xi32>,
          %get3A_503 = arith.constant 80 : index
          %get3A_504 = tpu.vector_load %arg16[%get3A_503] {strides = array<i32>} : memref<400xi32, #tpu.memory_space<vmem>>, vector<16xi32>,
          %swap3A_505 = arith.constant 80 : index
          %swap3A_506 = tpu.vector_load %arg19[%swap3A_505] {strides = array<i32>} : memref<208xi32, #tpu.memory_space<vmem>>, vector<16xi32>,
          tpu.vector_store %arg19[%swap3A_505], %get3A_504 {strides = array<i32>} : memref<208xi32, #tpu.memory_space<vmem>>, vector<16xi32>,
          %get3A_507 = arith.constant 96 : index
          %get3A_508 = tpu.vector_load %arg14[%get3A_507] {strides = array<i32>} : memref<400xi32, #tpu.memory_space<vmem>>, vector<16xi32>,
          %swap3A_509 = arith.constant 96 : index
          %swap3A_510 = tpu.vector_load %arg17[%swap3A_509] {strides = array<i32>} : memref<192xi32, #tpu.memory_space<vmem>>, vector<16xi32>,
          tpu.vector_store %arg17[%swap3A_509], %get3A_508 {strides = array<i32>} : memref<192xi32, #tpu.memory_space<vmem>>, vector<16xi32>,
          %get3A_511 = arith.constant 96 : index
          %get3A_512 = tpu.vector_load %arg15[%get3A_511] {strides = array<i32>} : memref<400xi32, #tpu.memory_space<vmem>>, vector<16xi32>,
          %swap3A_513 = arith.constant 96 : index
          %swap3A_514 = tpu.vector_load %arg18[%swap3A_513] {strides = array<i32>} : memref<192xi32, #tpu.memory_space<vmem>>, vector<16xi32>,
          tpu.vector_store %arg18[%swap3A_513], %get3A_512 {strides = array<i32>} : memref<192xi32, #tpu.memory_space<vmem>>, vector<16xi32>,
          %get3A_515 = arith.constant 96 : index
          %get3A_516 = tpu.vector_load %arg16[%get3A_515] {strides = array<i32>} : memref<400xi32, #tpu.memory_space<vmem>>, vector<16xi32>,
          %swap3A_517 = arith.constant 96 : index
          %swap3A_518 = tpu.vector_load %arg19[%swap3A_517] {strides = array<i32>} : memref<208xi32, #tpu.memory_space<vmem>>, vector<16xi32>,
          tpu.vector_store %arg19[%swap3A_517], %get3A_516 {strides = array<i32>} : memref<208xi32, #tpu.memory_space<vmem>>, vector<16xi32>,
          %get3A_519 = arith.constant 112 : index
          %get3A_520 = tpu.vector_load %arg14[%get3A_519] {strides = array<i32>} : memref<400xi32, #tpu.memory_space<vmem>>, vector<16xi32>,
          %swap3A_521 = arith.constant 112 : index
          %swap3A_522 = tpu.vector_load %arg17[%swap3A_521] {strides = array<i32>} : memref<192xi32, #tpu.memory_space<vmem>>, vector<16xi32>,
          tpu.vector_store %arg17[%swap3A_521], %get3A_520 {strides = array<i32>} : memref<192xi32, #tpu.memory_space<vmem>>, vector<16xi32>,
          %get3A_523 = arith.constant 112 : index
          %get3A_524 = tpu.vector_load %arg15[%get3A_523] {strides = array<i32>} : memref<400xi32, #tpu.memory_space<vmem>>, vector<16xi32>,
          %swap3A_525 = arith.constant 112 : index
          %swap3A_526 = tpu.vector_load %arg18[%swap3A_525] {strides = array<i32>} : memref<192xi32, #tpu.memory_space<vmem>>, vector<16xi32>,
          tpu.vector_store %arg18[%swap3A_525], %get3A_524 {strides = array<i32>} : memref<192xi32, #tpu.memory_space<vmem>>, vector<16xi32>,
          %get3A_527 = arith.constant 112 : index
          %get3A_528 = tpu.vector_load %arg16[%get3A_527] {strides = array<i32>} : memref<400xi32, #tpu.memory_space<vmem>>, vector<16xi32>,
          %swap3A_529 = arith.constant 112 : index
          %swap3A_530 = tpu.vector_load %arg19[%swap3A_529] {strides = array<i32>} : memref<208xi32, #tpu.memory_space<vmem>>, vector<16xi32>,
          tpu.vector_store %arg19[%swap3A_529], %get3A_528 {strides = array<i32>} : memref<208xi32, #tpu.memory_space<vmem>>, vector<16xi32>,
          %get3A_531 = arith.constant 128 : index
          %get3A_532 = tpu.vector_load %arg14[%get3A_531] {strides = array<i32>} : memref<400xi32, #tpu.memory_space<vmem>>, vector<16xi32>,
          %swap3A_533 = arith.constant 128 : index
          %swap3A_534 = tpu.vector_load %arg17[%swap3A_533] {strides = array<i32>} : memref<192xi32, #tpu.memory_space<vmem>>, vector<16xi32>,
          tpu.vector_store %arg17[%swap3A_533], %get3A_532 {strides = array<i32>} : memref<192xi32, #tpu.memory_space<vmem>>, vector<16xi32>,
          %get3A_535 = arith.constant 128 : index
          %get3A_536 = tpu.vector_load %arg15[%get3A_535] {strides = array<i32>} : memref<400xi32, #tpu.memory_space<vmem>>, vector<16xi32>,
          %swap3A_537 = arith.constant 128 : index
          %swap3A_538 = tpu.vector_load %arg18[%swap3A_537] {strides = array<i32>} : memref<192xi32, #tpu.memory_space<vmem>>, vector<16xi32>,
          tpu.vector_store %arg18[%swap3A_537], %get3A_536 {strides = array<i32>} : memref<192xi32, #tpu.memory_space<vmem>>, vector<16xi32>,
          %get3A_539 = arith.constant 128 : index
          %get3A_540 = tpu.vector_load %arg16[%get3A_539] {strides = array<i32>} : memref<400xi32, #tpu.memory_space<vmem>>, vector<16xi32>,
          %swap3A_541 = arith.constant 128 : index
          %swap3A_542 = tpu.vector_load %arg19[%swap3A_541] {strides = array<i32>} : memref<208xi32, #tpu.memory_space<vmem>>, vector<16xi32>,
          tpu.vector_store %arg19[%swap3A_541], %get3A_540 {strides = array<i32>} : memref<208xi32, #tpu.memory_space<vmem>>, vector<16xi32>,
          %get3A_543 = arith.constant 144 : index
          %get3A_544 = tpu.vector_load %arg14[%get3A_543] {strides = array<i32>} : memref<400xi32, #tpu.memory_space<vmem>>, vector<16xi32>,
          %swap3A_545 = arith.constant 144 : index
          %swap3A_546 = tpu.vector_load %arg17[%swap3A_545] {strides = array<i32>} : memref<192xi32, #tpu.memory_space<vmem>>, vector<16xi32>,
          tpu.vector_store %arg17[%swap3A_545], %get3A_544 {strides = array<i32>} : memref<192xi32, #tpu.memory_space<vmem>>, vector<16xi32>,
          %get3A_547 = arith.constant 144 : index
          %get3A_548 = tpu.vector_load %arg15[%get3A_547] {strides = array<i32>} : memref<400xi32, #tpu.memory_space<vmem>>, vector<16xi32>,
          %swap3A_549 = arith.constant 144 : index
          %swap3A_550 = tpu.vector_load %arg18[%swap3A_549] {strides = array<i32>} : memref<192xi32, #tpu.memory_space<vmem>>, vector<16xi32>,
          tpu.vector_store %arg18[%swap3A_549], %get3A_548 {strides = array<i32>} : memref<192xi32, #tpu.memory_space<vmem>>, vector<16xi32>,
          %get3A_551 = arith.constant 144 : index
          %get3A_552 = tpu.vector_load %arg16[%get3A_551] {strides = array<i32>} : memref<400xi32, #tpu.memory_space<vmem>>, vector<16xi32>,
          %swap3A_553 = arith.constant 144 : index
          %swap3A_554 = tpu.vector_load %arg19[%swap3A_553] {strides = array<i32>} : memref<208xi32, #tpu.memory_space<vmem>>, vector<16xi32>,
          tpu.vector_store %arg19[%swap3A_553], %get3A_552 {strides = array<i32>} : memref<208xi32, #tpu.memory_space<vmem>>, vector<16xi32>,
          %get3A_555 = arith.constant 160 : index
          %get3A_556 = tpu.vector_load %arg14[%get3A_555] {strides = array<i32>} : memref<400xi32, #tpu.memory_space<vmem>>, vector<16xi32>,
          %swap3A_557 = arith.constant 160 : index
          %swap3A_558 = tpu.vector_load %arg17[%swap3A_557] {strides = array<i32>} : memref<192xi32, #tpu.memory_space<vmem>>, vector<16xi32>,
          tpu.vector_store %arg17[%swap3A_557], %get3A_556 {strides = array<i32>} : memref<192xi32, #tpu.memory_space<vmem>>, vector<16xi32>,
          %get3A_559 = arith.constant 160 : index
          %get3A_560 = tpu.vector_load %arg15[%get3A_559] {strides = array<i32>} : memref<400xi32, #tpu.memory_space<vmem>>, vector<16xi32>,
          %swap3A_561 = arith.constant 160 : index
          %swap3A_562 = tpu.vector_load %arg18[%swap3A_561] {strides = array<i32>} : memref<192xi32, #tpu.memory_space<vmem>>, vector<16xi32>,
          tpu.vector_store %arg18[%swap3A_561], %get3A_560 {strides = array<i32>} : memref<192xi32, #tpu.memory_space<vmem>>, vector<16xi32>,
          %get3A_563 = arith.constant 160 : index
          %get3A_564 = tpu.vector_load %arg16[%get3A_563] {strides = array<i32>} : memref<400xi32, #tpu.memory_space<vmem>>, vector<16xi32>,
          %swap3A_565 = arith.constant 160 : index
          %swap3A_566 = tpu.vector_load %arg19[%swap3A_565] {strides = array<i32>} : memref<208xi32, #tpu.memory_space<vmem>>, vector<16xi32>,
          tpu.vector_store %arg19[%swap3A_565], %get3A_564 {strides = array<i32>} : memref<208xi32, #tpu.memory_space<vmem>>, vector<16xi32>,
          %get3A_567 = arith.constant 176 : index
          %get3A_568 = tpu.vector_load %arg14[%get3A_567] {strides = array<i32>} : memref<400xi32, #tpu.memory_space<vmem>>, vector<16xi32>,
          %swap3A_569 = arith.constant 176 : index
          %swap3A_570 = tpu.vector_load %arg17[%swap3A_569] {strides = array<i32>} : memref<192xi32, #tpu.memory_space<vmem>>, vector<16xi32>,
          tpu.vector_store %arg17[%swap3A_569], %get3A_568 {strides = array<i32>} : memref<192xi32, #tpu.memory_space<vmem>>, vector<16xi32>,
          %get3A_571 = arith.constant 176 : index
          %get3A_572 = tpu.vector_load %arg15[%get3A_571] {strides = array<i32>} : memref<400xi32, #tpu.memory_space<vmem>>, vector<16xi32>,
          %swap3A_573 = arith.constant 176 : index
          %swap3A_574 = tpu.vector_load %arg18[%swap3A_573] {strides = array<i32>} : memref<192xi32, #tpu.memory_space<vmem>>, vector<16xi32>,
          tpu.vector_store %arg18[%swap3A_573], %get3A_572 {strides = array<i32>} : memref<192xi32, #tpu.memory_space<vmem>>, vector<16xi32>,
          %get3A_575 = arith.constant 176 : index
          %get3A_576 = tpu.vector_load %arg16[%get3A_575] {strides = array<i32>} : memref<400xi32, #tpu.memory_space<vmem>>, vector<16xi32>,
          %swap3A_577 = arith.constant 176 : index
          %swap3A_578 = tpu.vector_load %arg19[%swap3A_577] {strides = array<i32>} : memref<208xi32, #tpu.memory_space<vmem>>, vector<16xi32>,
          tpu.vector_store %arg19[%swap3A_577], %get3A_576 {strides = array<i32>} : memref<208xi32, #tpu.memory_space<vmem>>, vector<16xi32>,
          %dma_start3A_579 = arith.constant 0 : i32
          %dma_start3A_580 = arith.constant 0 : i32
          %dma_start3A_581 = tpu.memref_slice %arg3[%dma_start3A_579, %dma_start3A_580] : memref<320000x128xf32, #tpu.memory_space<hbm>> -> memref<320000x128xf32, #tpu.memory_space<hbm>>
          tpu.enqueue_indirect_dma source(%dma_start3A_581 : memref<320000x128xf32, #tpu.memory_space<hbm>>) target(%arg10 : memref<192x128xf32, #tpu.memory_space<vmem>>) offsets(%arg17 : memref<192xi32, #tpu.memory_space<vmem>>) semaphore(%arg20 : memref<!tpu.dma_semaphore, #tpu.memory_space<semaphore_mem>>)
          %dma_start3A_582 = arith.constant 0 : i32
          %dma_start3A_583 = arith.constant 0 : i32
          %dma_start3A_584 = tpu.memref_slice %arg4[%dma_start3A_582, %dma_start3A_583] : memref<320000x128xf32, #tpu.memory_space<hbm>> -> memref<320000x128xf32, #tpu.memory_space<hbm>>
          tpu.enqueue_indirect_dma source(%dma_start3A_584 : memref<320000x128xf32, #tpu.memory_space<hbm>>) target(%arg11 : memref<192x128xf32, #tpu.memory_space<vmem>>) offsets(%arg17 : memref<192xi32, #tpu.memory_space<vmem>>) semaphore(%arg20 : memref<!tpu.dma_semaphore, #tpu.memory_space<semaphore_mem>>)
          %dma_start3A_585 = arith.constant 0 : i32
          %dma_start3A_586 = arith.constant 0 : i32
          %dma_start3A_587 = tpu.memref_slice %arg2[%dma_start3A_585, %dma_start3A_586] : memref<10000x128xf32, #tpu.memory_space<hbm>> -> memref<10000x128xf32, #tpu.memory_space<hbm>>
          tpu.enqueue_indirect_dma source(%dma_start3A_587 : memref<10000x128xf32, #tpu.memory_space<hbm>>) target(%arg12 : memref<192x128xf32, #tpu.memory_space<vmem>>) offsets(%arg18 : memref<192xi32, #tpu.memory_space<vmem>>) semaphore(%arg20 : memref<!tpu.dma_semaphore, #tpu.memory_space<semaphore_mem>>)
          %dma_wait3A_588 = arith.constant 0 : i32
          %dma_wait3A_589 = arith.constant 0 : i32
          %dma_wait3A_590 = tpu.memref_slice %arg3[%dma_wait3A_588, %dma_wait3A_589] : memref<320000x128xf32, #tpu.memory_space<hbm>> -> memref<320000x128xf32, #tpu.memory_space<hbm>>
          tpu.wait_indirect_dma semaphore(%arg20 : memref<!tpu.dma_semaphore, #tpu.memory_space<semaphore_mem>>) src(%dma_wait3A_590 : memref<320000x128xf32, #tpu.memory_space<hbm>>) dst(%arg10 : memref<192x128xf32, #tpu.memory_space<vmem>>)
          %dma_wait3A_591 = arith.constant 0 : i32
          %dma_wait3A_592 = arith.constant 0 : i32
          %dma_wait3A_593 = tpu.memref_slice %arg4[%dma_wait3A_591, %dma_wait3A_592] : memref<320000x128xf32, #tpu.memory_space<hbm>> -> memref<320000x128xf32, #tpu.memory_space<hbm>>
          tpu.wait_indirect_dma semaphore(%arg20 : memref<!tpu.dma_semaphore, #tpu.memory_space<semaphore_mem>>) src(%dma_wait3A_593 : memref<320000x128xf32, #tpu.memory_space<hbm>>) dst(%arg11 : memref<192x128xf32, #tpu.memory_space<vmem>>)
          %dma_wait3A_594 = arith.constant 0 : i32
          %dma_wait3A_595 = arith.constant 0 : i32
          %dma_wait3A_596 = tpu.memref_slice %arg2[%dma_wait3A_594, %dma_wait3A_595] : memref<10000x128xf32, #tpu.memory_space<hbm>> -> memref<10000x128xf32, #tpu.memory_space<hbm>>
          tpu.wait_indirect_dma semaphore(%arg20 : memref<!tpu.dma_semaphore, #tpu.memory_space<semaphore_mem>>) src(%dma_wait3A_596 : memref<10000x128xf32, #tpu.memory_space<hbm>>) dst(%arg12 : memref<192x128xf32, #tpu.memory_space<vmem>>)
          %scan3A_597 = arith.constant 0 : i32
          %scan3A_598 = arith.constant 0 : i32
          %scan3A_599 = arith.constant 192 : i32
          %scan3A_600 = arith.addi %scan3A_598, %scan3A_599 : i32
          %scan3A_601 = arith.constant 1 : i32
          scf.for %scan3A_617 = %scan3A_598 to %scan3A_600 step %scan3A_601  : i32 {
            %get3A_618 = arith.index_cast %scan3A_617 : i32 to index
            %get3A_619 = tpu.vector_load %arg19[%get3A_618] {strides = array<i32>} : memref<208xi32, #tpu.memory_space<vmem>>, vector<16xi32>,
            %slice3A = vector.extract_strided_slice %get3A_619 {offsets = [0], sizes = [1], strides = [1]} : vector<16xi32> to vector<1xi32>
            %squeeze3A = vector.extract %slice3A[0] : i32 from vector<1xi32>
            %get3A_620 = arith.index_cast %scan3A_617 : i32 to index
            %get3A_621 = arith.constant 0 : index
            %get3A_622 = tpu.vector_load %arg10[%get3A_620, %get3A_621] {strides = array<i32>} : memref<192x128xf32, #tpu.memory_space<vmem>>, vector<16xf32>,
            %get3A_623 = arith.index_cast %scan3A_617 : i32 to index
            %get3A_624 = arith.constant 0 : index
            %get3A_625 = tpu.vector_load %arg12[%get3A_623, %get3A_624] {strides = array<i32>} : memref<192x128xf32, #tpu.memory_space<vmem>>, vector<16xf32>,
            %mul3A_626 = arith.mulf %get3A_622, %get3A_625 : vector<16xf32>
            %reduce_sum3A_627 = arith.constant true
            %reduce_sum3A_628 = vector.broadcast %reduce_sum3A_627 : i1 to vector<16xi1>
            %reduce_sum3A_629 = tpu.scan <sum>, %mul3A_626 masked %reduce_sum3A_628 : vector<16xf32>, vector<16xi1> -> vector<16xf32>
            %reduce_sum3A_630 = vector.extract %reduce_sum3A_629[15] : f32 from vector<16xf32>
            %mul3A_631 = arith.constant 0.0883883461 : f32
            %mul3A_632 = arith.mulf %reduce_sum3A_630, %mul3A_631 : f32
            %broadcast_in_dim3A_633 = vector.broadcast %mul3A_632 : f32 to vector<16xf32>
            %exp3A = math.exp %broadcast_in_dim3A_633 : vector<16xf32>
            %get3A_634 = arith.index_cast %squeeze3A : i32 to index
            %get3A_635 = arith.constant 0 : index
            %get3A_636 = tpu.vector_load %arg8[%get3A_634, %get3A_635] {strides = array<i32>} : memref<336x128xf32, #tpu.memory_space<vmem>>, vector<16xf32>,
            %get3A_637 = arith.index_cast %scan3A_617 : i32 to index
            %get3A_638 = arith.constant 0 : index
            %get3A_639 = tpu.vector_load %arg11[%get3A_637, %get3A_638] {strides = array<i32>} : memref<192x128xf32, #tpu.memory_space<vmem>>, vector<16xf32>,
            %mul3A_640 = arith.mulf %exp3A, %get3A_639 : vector<16xf32>
            %add3A_641 = arith.addf %get3A_636, %mul3A_640 : vector<16xf32>
            %swap3A_642 = arith.index_cast %squeeze3A : i32 to index
            %swap3A_643 = arith.constant 0 : index
            %swap3A_644 = tpu.vector_load %arg8[%swap3A_642, %swap3A_643] {strides = array<i32>} : memref<336x128xf32, #tpu.memory_space<vmem>>, vector<16xf32>,
            tpu.vector_store %arg8[%swap3A_642, %swap3A_643], %add3A_641 {strides = array<i32>} : memref<336x128xf32, #tpu.memory_space<vmem>>, vector<16xf32>,
            %select_n3A = arith.select %eq3A_4, %exp3A, %broadcast_in_dim3A_26 : vector<16xi1>, vector<16xf32>
            %get3A_645 = arith.index_cast %scan3A_617 : i32 to index
            %get3A_646 = arith.constant 16 : index
            %get3A_647 = tpu.vector_load %arg10[%get3A_645, %get3A_646] {strides = array<i32>} : memref<192x128xf32, #tpu.memory_space<vmem>>, vector<16xf32>,
            %get3A_648 = arith.index_cast %scan3A_617 : i32 to index
            %get3A_649 = arith.constant 16 : index
            %get3A_650 = tpu.vector_load %arg12[%get3A_648, %get3A_649] {strides = array<i32>} : memref<192x128xf32, #tpu.memory_space<vmem>>, vector<16xf32>,
            %mul3A_651 = arith.mulf %get3A_647, %get3A_650 : vector<16xf32>
            %reduce_sum3A_652 = arith.constant true
            %reduce_sum3A_653 = vector.broadcast %reduce_sum3A_652 : i1 to vector<16xi1>
            %reduce_sum3A_654 = tpu.scan <sum>, %mul3A_651 masked %reduce_sum3A_653 : vector<16xf32>, vector<16xi1> -> vector<16xf32>
            %reduce_sum3A_655 = vector.extract %reduce_sum3A_654[15] : f32 from vector<16xf32>
            %mul3A_656 = arith.constant 0.0883883461 : f32
            %mul3A_657 = arith.mulf %reduce_sum3A_655, %mul3A_656 : f32
            %broadcast_in_dim3A_658 = vector.broadcast %mul3A_657 : f32 to vector<16xf32>
            %exp3A_659 = math.exp %broadcast_in_dim3A_658 : vector<16xf32>
            %get3A_660 = arith.index_cast %squeeze3A : i32 to index
            %get3A_661 = arith.constant 16 : index
            %get3A_662 = tpu.vector_load %arg8[%get3A_660, %get3A_661] {strides = array<i32>} : memref<336x128xf32, #tpu.memory_space<vmem>>, vector<16xf32>,
            %get3A_663 = arith.index_cast %scan3A_617 : i32 to index
            %get3A_664 = arith.constant 16 : index
            %get3A_665 = tpu.vector_load %arg11[%get3A_663, %get3A_664] {strides = array<i32>} : memref<192x128xf32, #tpu.memory_space<vmem>>, vector<16xf32>,
            %mul3A_666 = arith.mulf %exp3A_659, %get3A_665 : vector<16xf32>
            %add3A_667 = arith.addf %get3A_662, %mul3A_666 : vector<16xf32>
            %swap3A_668 = arith.index_cast %squeeze3A : i32 to index
            %swap3A_669 = arith.constant 16 : index
            %swap3A_670 = tpu.vector_load %arg8[%swap3A_668, %swap3A_669] {strides = array<i32>} : memref<336x128xf32, #tpu.memory_space<vmem>>, vector<16xf32>,
            tpu.vector_store %arg8[%swap3A_668, %swap3A_669], %add3A_667 {strides = array<i32>} : memref<336x128xf32, #tpu.memory_space<vmem>>, vector<16xf32>,
            %select_n3A_671 = arith.select %eq3A_7, %exp3A_659, %select_n3A : vector<16xi1>, vector<16xf32>
            %get3A_672 = arith.index_cast %scan3A_617 : i32 to index
            %get3A_673 = arith.constant 32 : index
            %get3A_674 = tpu.vector_load %arg10[%get3A_672, %get3A_673] {strides = array<i32>} : memref<192x128xf32, #tpu.memory_space<vmem>>, vector<16xf32>,
            %get3A_675 = arith.index_cast %scan3A_617 : i32 to index
            %get3A_676 = arith.constant 32 : index
            %get3A_677 = tpu.vector_load %arg12[%get3A_675, %get3A_676] {strides = array<i32>} : memref<192x128xf32, #tpu.memory_space<vmem>>, vector<16xf32>,
            %mul3A_678 = arith.mulf %get3A_674, %get3A_677 : vector<16xf32>
            %reduce_sum3A_679 = arith.constant true
            %reduce_sum3A_680 = vector.broadcast %reduce_sum3A_679 : i1 to vector<16xi1>
            %reduce_sum3A_681 = tpu.scan <sum>, %mul3A_678 masked %reduce_sum3A_680 : vector<16xf32>, vector<16xi1> -> vector<16xf32>
            %reduce_sum3A_682 = vector.extract %reduce_sum3A_681[15] : f32 from vector<16xf32>
            %mul3A_683 = arith.constant 0.0883883461 : f32
            %mul3A_684 = arith.mulf %reduce_sum3A_682, %mul3A_683 : f32
            %broadcast_in_dim3A_685 = vector.broadcast %mul3A_684 : f32 to vector<16xf32>
            %exp3A_686 = math.exp %broadcast_in_dim3A_685 : vector<16xf32>
            %get3A_687 = arith.index_cast %squeeze3A : i32 to index
            %get3A_688 = arith.constant 32 : index
            %get3A_689 = tpu.vector_load %arg8[%get3A_687, %get3A_688] {strides = array<i32>} : memref<336x128xf32, #tpu.memory_space<vmem>>, vector<16xf32>,
            %get3A_690 = arith.index_cast %scan3A_617 : i32 to index
            %get3A_691 = arith.constant 32 : index
            %get3A_692 = tpu.vector_load %arg11[%get3A_690, %get3A_691] {strides = array<i32>} : memref<192x128xf32, #tpu.memory_space<vmem>>, vector<16xf32>,
            %mul3A_693 = arith.mulf %exp3A_686, %get3A_692 : vector<16xf32>
            %add3A_694 = arith.addf %get3A_689, %mul3A_693 : vector<16xf32>
            %swap3A_695 = arith.index_cast %squeeze3A : i32 to index
            %swap3A_696 = arith.constant 32 : index
            %swap3A_697 = tpu.vector_load %arg8[%swap3A_695, %swap3A_696] {strides = array<i32>} : memref<336x128xf32, #tpu.memory_space<vmem>>, vector<16xf32>,
            tpu.vector_store %arg8[%swap3A_695, %swap3A_696], %add3A_694 {strides = array<i32>} : memref<336x128xf32, #tpu.memory_space<vmem>>, vector<16xf32>,
            %select_n3A_698 = arith.select %eq3A_10, %exp3A_686, %select_n3A_671 : vector<16xi1>, vector<16xf32>
            %get3A_699 = arith.index_cast %scan3A_617 : i32 to index
            %get3A_700 = arith.constant 48 : index
            %get3A_701 = tpu.vector_load %arg10[%get3A_699, %get3A_700] {strides = array<i32>} : memref<192x128xf32, #tpu.memory_space<vmem>>, vector<16xf32>,
            %get3A_702 = arith.index_cast %scan3A_617 : i32 to index
            %get3A_703 = arith.constant 48 : index
            %get3A_704 = tpu.vector_load %arg12[%get3A_702, %get3A_703] {strides = array<i32>} : memref<192x128xf32, #tpu.memory_space<vmem>>, vector<16xf32>,
            %mul3A_705 = arith.mulf %get3A_701, %get3A_704 : vector<16xf32>
            %reduce_sum3A_706 = arith.constant true
            %reduce_sum3A_707 = vector.broadcast %reduce_sum3A_706 : i1 to vector<16xi1>
            %reduce_sum3A_708 = tpu.scan <sum>, %mul3A_705 masked %reduce_sum3A_707 : vector<16xf32>, vector<16xi1> -> vector<16xf32>
            %reduce_sum3A_709 = vector.extract %reduce_sum3A_708[15] : f32 from vector<16xf32>
            %mul3A_710 = arith.constant 0.0883883461 : f32
            %mul3A_711 = arith.mulf %reduce_sum3A_709, %mul3A_710 : f32
            %broadcast_in_dim3A_712 = vector.broadcast %mul3A_711 : f32 to vector<16xf32>
            %exp3A_713 = math.exp %broadcast_in_dim3A_712 : vector<16xf32>
            %get3A_714 = arith.index_cast %squeeze3A : i32 to index
            %get3A_715 = arith.constant 48 : index
            %get3A_716 = tpu.vector_load %arg8[%get3A_714, %get3A_715] {strides = array<i32>} : memref<336x128xf32, #tpu.memory_space<vmem>>, vector<16xf32>,
            %get3A_717 = arith.index_cast %scan3A_617 : i32 to index
            %get3A_718 = arith.constant 48 : index
            %get3A_719 = tpu.vector_load %arg11[%get3A_717, %get3A_718] {strides = array<i32>} : memref<192x128xf32, #tpu.memory_space<vmem>>, vector<16xf32>,
            %mul3A_720 = arith.mulf %exp3A_713, %get3A_719 : vector<16xf32>
            %add3A_721 = arith.addf %get3A_716, %mul3A_720 : vector<16xf32>
            %swap3A_722 = arith.index_cast %squeeze3A : i32 to index
            %swap3A_723 = arith.constant 48 : index
            %swap3A_724 = tpu.vector_load %arg8[%swap3A_722, %swap3A_723] {strides = array<i32>} : memref<336x128xf32, #tpu.memory_space<vmem>>, vector<16xf32>,
            tpu.vector_store %arg8[%swap3A_722, %swap3A_723], %add3A_721 {strides = array<i32>} : memref<336x128xf32, #tpu.memory_space<vmem>>, vector<16xf32>,
            %select_n3A_725 = arith.select %eq3A_13, %exp3A_713, %select_n3A_698 : vector<16xi1>, vector<16xf32>
            %get3A_726 = arith.index_cast %scan3A_617 : i32 to index
            %get3A_727 = arith.constant 64 : index
            %get3A_728 = tpu.vector_load %arg10[%get3A_726, %get3A_727] {strides = array<i32>} : memref<192x128xf32, #tpu.memory_space<vmem>>, vector<16xf32>,
            %get3A_729 = arith.index_cast %scan3A_617 : i32 to index
            %get3A_730 = arith.constant 64 : index
            %get3A_731 = tpu.vector_load %arg12[%get3A_729, %get3A_730] {strides = array<i32>} : memref<192x128xf32, #tpu.memory_space<vmem>>, vector<16xf32>,
            %mul3A_732 = arith.mulf %get3A_728, %get3A_731 : vector<16xf32>
            %reduce_sum3A_733 = arith.constant true
            %reduce_sum3A_734 = vector.broadcast %reduce_sum3A_733 : i1 to vector<16xi1>
            %reduce_sum3A_735 = tpu.scan <sum>, %mul3A_732 masked %reduce_sum3A_734 : vector<16xf32>, vector<16xi1> -> vector<16xf32>
            %reduce_sum3A_736 = vector.extract %reduce_sum3A_735[15] : f32 from vector<16xf32>
            %mul3A_737 = arith.constant 0.0883883461 : f32
            %mul3A_738 = arith.mulf %reduce_sum3A_736, %mul3A_737 : f32
            %broadcast_in_dim3A_739 = vector.broadcast %mul3A_738 : f32 to vector<16xf32>
            %exp3A_740 = math.exp %broadcast_in_dim3A_739 : vector<16xf32>
            %get3A_741 = arith.index_cast %squeeze3A : i32 to index
            %get3A_742 = arith.constant 64 : index
            %get3A_743 = tpu.vector_load %arg8[%get3A_741, %get3A_742] {strides = array<i32>} : memref<336x128xf32, #tpu.memory_space<vmem>>, vector<16xf32>,
            %get3A_744 = arith.index_cast %scan3A_617 : i32 to index
            %get3A_745 = arith.constant 64 : index
            %get3A_746 = tpu.vector_load %arg11[%get3A_744, %get3A_745] {strides = array<i32>} : memref<192x128xf32, #tpu.memory_space<vmem>>, vector<16xf32>,
            %mul3A_747 = arith.mulf %exp3A_740, %get3A_746 : vector<16xf32>
            %add3A_748 = arith.addf %get3A_743, %mul3A_747 : vector<16xf32>
            %swap3A_749 = arith.index_cast %squeeze3A : i32 to index
            %swap3A_750 = arith.constant 64 : index
            %swap3A_751 = tpu.vector_load %arg8[%swap3A_749, %swap3A_750] {strides = array<i32>} : memref<336x128xf32, #tpu.memory_space<vmem>>, vector<16xf32>,
            tpu.vector_store %arg8[%swap3A_749, %swap3A_750], %add3A_748 {strides = array<i32>} : memref<336x128xf32, #tpu.memory_space<vmem>>, vector<16xf32>,
            %select_n3A_752 = arith.select %eq3A_16, %exp3A_740, %select_n3A_725 : vector<16xi1>, vector<16xf32>
            %get3A_753 = arith.index_cast %scan3A_617 : i32 to index
            %get3A_754 = arith.constant 80 : index
            %get3A_755 = tpu.vector_load %arg10[%get3A_753, %get3A_754] {strides = array<i32>} : memref<192x128xf32, #tpu.memory_space<vmem>>, vector<16xf32>,
            %get3A_756 = arith.index_cast %scan3A_617 : i32 to index
            %get3A_757 = arith.constant 80 : index
            %get3A_758 = tpu.vector_load %arg12[%get3A_756, %get3A_757] {strides = array<i32>} : memref<192x128xf32, #tpu.memory_space<vmem>>, vector<16xf32>,
            %mul3A_759 = arith.mulf %get3A_755, %get3A_758 : vector<16xf32>
            %reduce_sum3A_760 = arith.constant true
            %reduce_sum3A_761 = vector.broadcast %reduce_sum3A_760 : i1 to vector<16xi1>
            %reduce_sum3A_762 = tpu.scan <sum>, %mul3A_759 masked %reduce_sum3A_761 : vector<16xf32>, vector<16xi1> -> vector<16xf32>
            %reduce_sum3A_763 = vector.extract %reduce_sum3A_762[15] : f32 from vector<16xf32>
            %mul3A_764 = arith.constant 0.0883883461 : f32
            %mul3A_765 = arith.mulf %reduce_sum3A_763, %mul3A_764 : f32
            %broadcast_in_dim3A_766 = vector.broadcast %mul3A_765 : f32 to vector<16xf32>
            %exp3A_767 = math.exp %broadcast_in_dim3A_766 : vector<16xf32>
            %get3A_768 = arith.index_cast %squeeze3A : i32 to index
            %get3A_769 = arith.constant 80 : index
            %get3A_770 = tpu.vector_load %arg8[%get3A_768, %get3A_769] {strides = array<i32>} : memref<336x128xf32, #tpu.memory_space<vmem>>, vector<16xf32>,
            %get3A_771 = arith.index_cast %scan3A_617 : i32 to index
            %get3A_772 = arith.constant 80 : index
            %get3A_773 = tpu.vector_load %arg11[%get3A_771, %get3A_772] {strides = array<i32>} : memref<192x128xf32, #tpu.memory_space<vmem>>, vector<16xf32>,
            %mul3A_774 = arith.mulf %exp3A_767, %get3A_773 : vector<16xf32>
            %add3A_775 = arith.addf %get3A_770, %mul3A_774 : vector<16xf32>
            %swap3A_776 = arith.index_cast %squeeze3A : i32 to index
            %swap3A_777 = arith.constant 80 : index
            %swap3A_778 = tpu.vector_load %arg8[%swap3A_776, %swap3A_777] {strides = array<i32>} : memref<336x128xf32, #tpu.memory_space<vmem>>, vector<16xf32>,
            tpu.vector_store %arg8[%swap3A_776, %swap3A_777], %add3A_775 {strides = array<i32>} : memref<336x128xf32, #tpu.memory_space<vmem>>, vector<16xf32>,
            %select_n3A_779 = arith.select %eq3A_19, %exp3A_767, %select_n3A_752 : vector<16xi1>, vector<16xf32>
            %get3A_780 = arith.index_cast %scan3A_617 : i32 to index
            %get3A_781 = arith.constant 96 : index
            %get3A_782 = tpu.vector_load %arg10[%get3A_780, %get3A_781] {strides = array<i32>} : memref<192x128xf32, #tpu.memory_space<vmem>>, vector<16xf32>,
            %get3A_783 = arith.index_cast %scan3A_617 : i32 to index
            %get3A_784 = arith.constant 96 : index
            %get3A_785 = tpu.vector_load %arg12[%get3A_783, %get3A_784] {strides = array<i32>} : memref<192x128xf32, #tpu.memory_space<vmem>>, vector<16xf32>,
            %mul3A_786 = arith.mulf %get3A_782, %get3A_785 : vector<16xf32>
            %reduce_sum3A_787 = arith.constant true
            %reduce_sum3A_788 = vector.broadcast %reduce_sum3A_787 : i1 to vector<16xi1>
            %reduce_sum3A_789 = tpu.scan <sum>, %mul3A_786 masked %reduce_sum3A_788 : vector<16xf32>, vector<16xi1> -> vector<16xf32>
            %reduce_sum3A_790 = vector.extract %reduce_sum3A_789[15] : f32 from vector<16xf32>
            %mul3A_791 = arith.constant 0.0883883461 : f32
            %mul3A_792 = arith.mulf %reduce_sum3A_790, %mul3A_791 : f32
            %broadcast_in_dim3A_793 = vector.broadcast %mul3A_792 : f32 to vector<16xf32>
            %exp3A_794 = math.exp %broadcast_in_dim3A_793 : vector<16xf32>
            %get3A_795 = arith.index_cast %squeeze3A : i32 to index
            %get3A_796 = arith.constant 96 : index
            %get3A_797 = tpu.vector_load %arg8[%get3A_795, %get3A_796] {strides = array<i32>} : memref<336x128xf32, #tpu.memory_space<vmem>>, vector<16xf32>,
            %get3A_798 = arith.index_cast %scan3A_617 : i32 to index
            %get3A_799 = arith.constant 96 : index
            %get3A_800 = tpu.vector_load %arg11[%get3A_798, %get3A_799] {strides = array<i32>} : memref<192x128xf32, #tpu.memory_space<vmem>>, vector<16xf32>,
            %mul3A_801 = arith.mulf %exp3A_794, %get3A_800 : vector<16xf32>
            %add3A_802 = arith.addf %get3A_797, %mul3A_801 : vector<16xf32>
            %swap3A_803 = arith.index_cast %squeeze3A : i32 to index
            %swap3A_804 = arith.constant 96 : index
            %swap3A_805 = tpu.vector_load %arg8[%swap3A_803, %swap3A_804] {strides = array<i32>} : memref<336x128xf32, #tpu.memory_space<vmem>>, vector<16xf32>,
            tpu.vector_store %arg8[%swap3A_803, %swap3A_804], %add3A_802 {strides = array<i32>} : memref<336x128xf32, #tpu.memory_space<vmem>>, vector<16xf32>,
            %select_n3A_806 = arith.select %eq3A_22, %exp3A_794, %select_n3A_779 : vector<16xi1>, vector<16xf32>
            %get3A_807 = arith.index_cast %scan3A_617 : i32 to index
            %get3A_808 = arith.constant 112 : index
            %get3A_809 = tpu.vector_load %arg10[%get3A_807, %get3A_808] {strides = array<i32>} : memref<192x128xf32, #tpu.memory_space<vmem>>, vector<16xf32>,
            %get3A_810 = arith.index_cast %scan3A_617 : i32 to index
            %get3A_811 = arith.constant 112 : index
            %get3A_812 = tpu.vector_load %arg12[%get3A_810, %get3A_811] {strides = array<i32>} : memref<192x128xf32, #tpu.memory_space<vmem>>, vector<16xf32>,
            %mul3A_813 = arith.mulf %get3A_809, %get3A_812 : vector<16xf32>
            %reduce_sum3A_814 = arith.constant true
            %reduce_sum3A_815 = vector.broadcast %reduce_sum3A_814 : i1 to vector<16xi1>
            %reduce_sum3A_816 = tpu.scan <sum>, %mul3A_813 masked %reduce_sum3A_815 : vector<16xf32>, vector<16xi1> -> vector<16xf32>
            %reduce_sum3A_817 = vector.extract %reduce_sum3A_816[15] : f32 from vector<16xf32>
            %mul3A_818 = arith.constant 0.0883883461 : f32
            %mul3A_819 = arith.mulf %reduce_sum3A_817, %mul3A_818 : f32
            %broadcast_in_dim3A_820 = vector.broadcast %mul3A_819 : f32 to vector<16xf32>
            %exp3A_821 = math.exp %broadcast_in_dim3A_820 : vector<16xf32>
            %get3A_822 = arith.index_cast %squeeze3A : i32 to index
            %get3A_823 = arith.constant 112 : index
            %get3A_824 = tpu.vector_load %arg8[%get3A_822, %get3A_823] {strides = array<i32>} : memref<336x128xf32, #tpu.memory_space<vmem>>, vector<16xf32>,
            %get3A_825 = arith.index_cast %scan3A_617 : i32 to index
            %get3A_826 = arith.constant 112 : index
            %get3A_827 = tpu.vector_load %arg11[%get3A_825, %get3A_826] {strides = array<i32>} : memref<192x128xf32, #tpu.memory_space<vmem>>, vector<16xf32>,
            %mul3A_828 = arith.mulf %exp3A_821, %get3A_827 : vector<16xf32>
            %add3A_829 = arith.addf %get3A_824, %mul3A_828 : vector<16xf32>
            %swap3A_830 = arith.index_cast %squeeze3A : i32 to index
            %swap3A_831 = arith.constant 112 : index
            %swap3A_832 = tpu.vector_load %arg8[%swap3A_830, %swap3A_831] {strides = array<i32>} : memref<336x128xf32, #tpu.memory_space<vmem>>, vector<16xf32>,
            tpu.vector_store %arg8[%swap3A_830, %swap3A_831], %add3A_829 {strides = array<i32>} : memref<336x128xf32, #tpu.memory_space<vmem>>, vector<16xf32>,
            %select_n3A_833 = arith.select %eq3A_25, %exp3A_821, %select_n3A_806 : vector<16xi1>, vector<16xf32>
            %mul3A_834 = arith.constant 16 : i32
            %mul3A_835 = arith.muli %squeeze3A, %mul3A_834 : i32
            %get3A_836 = arith.index_cast %mul3A_835 : i32 to index
            %get3A_837 = tpu.vector_load %arg9[%get3A_836] {strides = array<i32>} : memref<5376xf32, #tpu.memory_space<vmem>>, vector<16xf32>,
            %add3A_838 = arith.addf %get3A_837, %select_n3A_833 : vector<16xf32>
            %swap3A_839 = arith.index_cast %mul3A_835 : i32 to index
            %swap3A_840 = tpu.vector_load %arg9[%swap3A_839] {strides = array<i32>} : memref<5376xf32, #tpu.memory_space<vmem>>, vector<16xf32>,
            tpu.vector_store %arg9[%swap3A_839], %add3A_838 {strides = array<i32>} : memref<5376xf32, #tpu.memory_space<vmem>>, vector<16xf32>,
          }
          %scan3A_602 = arith.constant 192 : i32
          %get3A_603 = arith.constant 192 : index
          %get3A_604 = tpu.vector_load %arg14[%get3A_603] {strides = array<i32>} : memref<400xi32, #tpu.memory_space<vmem>>, vector<16xi32>,
          %swap3A_605 = arith.constant 0 : index
          %swap3A_606 = tpu.vector_load %arg14[%swap3A_605] {strides = array<i32>} : memref<400xi32, #tpu.memory_space<vmem>>, vector<16xi32>,
          tpu.vector_store %arg14[%swap3A_605], %get3A_604 {strides = array<i32>} : memref<400xi32, #tpu.memory_space<vmem>>, vector<16xi32>,
          %get3A_607 = arith.constant 192 : index
          %get3A_608 = tpu.vector_load %arg15[%get3A_607] {strides = array<i32>} : memref<400xi32, #tpu.memory_space<vmem>>, vector<16xi32>,
          %swap3A_609 = arith.constant 0 : index
          %swap3A_610 = tpu.vector_load %arg15[%swap3A_609] {strides = array<i32>} : memref<400xi32, #tpu.memory_space<vmem>>, vector<16xi32>,
          tpu.vector_store %arg15[%swap3A_609], %get3A_608 {strides = array<i32>} : memref<400xi32, #tpu.memory_space<vmem>>, vector<16xi32>,
          %get3A_611 = arith.constant 192 : index
          %get3A_612 = tpu.vector_load %arg16[%get3A_611] {strides = array<i32>} : memref<400xi32, #tpu.memory_space<vmem>>, vector<16xi32>,
          %swap3A_613 = arith.constant 0 : index
          %swap3A_614 = tpu.vector_load %arg16[%swap3A_613] {strides = array<i32>} : memref<400xi32, #tpu.memory_space<vmem>>, vector<16xi32>,
          tpu.vector_store %arg16[%swap3A_613], %get3A_612 {strides = array<i32>} : memref<400xi32, #tpu.memory_space<vmem>>, vector<16xi32>,
          %sub3A_615 = arith.constant 192 : i32
          %sub3A_616 = arith.subi %add3A_428, %sub3A_615 : i32
          scf.yield %sub3A_616 : i32
        } else {
          scf.yield %add3A_428 : i32
        }
        scf.yield %cond3A_434 : i32
      }
      %scan3A_321 = arith.constant 124 : i32
      %scan3A_322 = arith.addi %scan3A_316, %scan3A_321 : i32
      %mul3A_323 = arith.constant 16 : i32
      %mul3A_324 = arith.muli %scan3A_322, %mul3A_323 : i32
      %get3A_325 = arith.index_cast %mul3A_324 : i32 to index
      %get3A_326 = tpu.vector_load %arg13[%get3A_325] {strides = array<i32>} : memref<2000xi32, #tpu.memory_space<vmem>>, vector<16xi32>,
      %ge3A = vector.broadcast %mul3A_2 : i32 to vector<16xi32>
      %ge3A_327 = arith.cmpi sge, %get3A_326, %ge3A : vector<16xi32>
      %add3A_328 = arith.constant 320 : i32
      %add3A_329 = arith.addi %mul3A_2, %add3A_328 : i32
      %lt3A = vector.broadcast %add3A_329 : i32 to vector<16xi32>
      %lt3A_330 = arith.cmpi slt, %get3A_326, %lt3A : vector<16xi32>
      %and3A = arith.andi %ge3A_327, %lt3A_330 : vector<16xi1>
      %mul3A_331 = arith.constant 2000 : i32
      %mul3A_332 = arith.muli %scan3A_312, %mul3A_331 : i32
      %mul3A_333 = arith.constant 16 : i32
      %mul3A_334 = arith.muli %scan3A_322, %mul3A_333 : i32
      %add3A_335 = arith.addi %mul3A_332, %mul3A_334 : i32
      %add3A_336 = vector.broadcast %add3A_335 : i32 to vector<16xi32>
      %add3A_337 = arith.addi %add3A_336, %iota3A : vector<16xi32>
      %swap3A_338 = arith.index_cast %scan3A_320 : i32 to index
      %swap3A_339 = tpu.vector_load %arg14[%swap3A_338] masked %and3A {strides = array<i32>} : memref<400xi32, #tpu.memory_space<vmem>>, vector<16xi32>, vector<16xi1>
      tpu.vector_store %arg14[%swap3A_338], %add3A_337 masked %and3A {strides = array<i32>} : memref<400xi32, #tpu.memory_space<vmem>>, vector<16xi32>, vector<16xi1>
      %swap3A_340 = arith.index_cast %scan3A_320 : i32 to index
      %swap3A_341 = tpu.vector_load %arg15[%swap3A_340] masked %and3A {strides = array<i32>} : memref<400xi32, #tpu.memory_space<vmem>>, vector<16xi32>, vector<16xi1>
      tpu.vector_store %arg15[%swap3A_340], %get3A_326 masked %and3A {strides = array<i32>} : memref<400xi32, #tpu.memory_space<vmem>>, vector<16xi32>, vector<16xi1>
      %sub3A = vector.broadcast %mul3A_2 : i32 to vector<16xi32>
      %sub3A_342 = arith.subi %get3A_326, %sub3A : vector<16xi32>
      %swap3A_343 = arith.index_cast %scan3A_320 : i32 to index
      %swap3A_344 = tpu.vector_load %arg16[%swap3A_343] masked %and3A {strides = array<i32>} : memref<400xi32, #tpu.memory_space<vmem>>, vector<16xi32>, vector<16xi1>
      tpu.vector_store %arg16[%swap3A_343], %sub3A_342 masked %and3A {strides = array<i32>} : memref<400xi32, #tpu.memory_space<vmem>>, vector<16xi32>, vector<16xi1>
      %convert_element_type3A = arith.extui %and3A : vector<16xi1> to vector<16xi32>
      %reduce_sum3A = arith.constant true
      %reduce_sum3A_345 = vector.broadcast %reduce_sum3A : i1 to vector<16xi1>
      %reduce_sum3A_346 = tpu.scan <sum>, %convert_element_type3A masked %reduce_sum3A_345 : vector<16xi32>, vector<16xi1> -> vector<16xi32>
      %reduce_sum3A_347 = vector.extract %reduce_sum3A_346[15] : i32 from vector<16xi32>
      %add3A_348 = arith.addi %scan3A_320, %reduce_sum3A_347 : i32
      %ge3A_349 = arith.constant 192 : i32
      %ge3A_350 = arith.cmpi sge, %add3A_348, %ge3A_349 : i32
      %convert_element_type3A_351 = arith.extui %ge3A_350 : i1 to i32
      %cond3A = arith.constant 0 : i32
      %cond3A_352 = arith.cmpi ne, %convert_element_type3A_351, %cond3A : i32
      %cond3A_353 = scf.if %cond3A_352 -> (i32) {
        %get3A_355 = arith.constant 0 : index
        %get3A_356 = tpu.vector_load %arg14[%get3A_355] {strides = array<i32>} : memref<400xi32, #tpu.memory_space<vmem>>, vector<16xi32>,
        %swap3A_357 = arith.constant 0 : index
        %swap3A_358 = tpu.vector_load %arg17[%swap3A_357] {strides = array<i32>} : memref<192xi32, #tpu.memory_space<vmem>>, vector<16xi32>,
        tpu.vector_store %arg17[%swap3A_357], %get3A_356 {strides = array<i32>} : memref<192xi32, #tpu.memory_space<vmem>>, vector<16xi32>,
        %get3A_359 = arith.constant 0 : index
        %get3A_360 = tpu.vector_load %arg15[%get3A_359] {strides = array<i32>} : memref<400xi32, #tpu.memory_space<vmem>>, vector<16xi32>,
        %swap3A_361 = arith.constant 0 : index
        %swap3A_362 = tpu.vector_load %arg18[%swap3A_361] {strides = array<i32>} : memref<192xi32, #tpu.memory_space<vmem>>, vector<16xi32>,
        tpu.vector_store %arg18[%swap3A_361], %get3A_360 {strides = array<i32>} : memref<192xi32, #tpu.memory_space<vmem>>, vector<16xi32>,
        %get3A_363 = arith.constant 0 : index
        %get3A_364 = tpu.vector_load %arg16[%get3A_363] {strides = array<i32>} : memref<400xi32, #tpu.memory_space<vmem>>, vector<16xi32>,
        %swap3A_365 = arith.constant 0 : index
        %swap3A_366 = tpu.vector_load %arg19[%swap3A_365] {strides = array<i32>} : memref<208xi32, #tpu.memory_space<vmem>>, vector<16xi32>,
        tpu.vector_store %arg19[%swap3A_365], %get3A_364 {strides = array<i32>} : memref<208xi32, #tpu.memory_space<vmem>>, vector<16xi32>,
        %get3A_367 = arith.constant 16 : index
        %get3A_368 = tpu.vector_load %arg14[%get3A_367] {strides = array<i32>} : memref<400xi32, #tpu.memory_space<vmem>>, vector<16xi32>,
        %swap3A_369 = arith.constant 16 : index
        %swap3A_370 = tpu.vector_load %arg17[%swap3A_369] {strides = array<i32>} : memref<192xi32, #tpu.memory_space<vmem>>, vector<16xi32>,
        tpu.vector_store %arg17[%swap3A_369], %get3A_368 {strides = array<i32>} : memref<192xi32, #tpu.memory_space<vmem>>, vector<16xi32>,
        %get3A_371 = arith.constant 16 : index
        %get3A_372 = tpu.vector_load %arg15[%get3A_371] {strides = array<i32>} : memref<400xi32, #tpu.memory_space<vmem>>, vector<16xi32>,
        %swap3A_373 = arith.constant 16 : index
        %swap3A_374 = tpu.vector_load %arg18[%swap3A_373] {strides = array<i32>} : memref<192xi32, #tpu.memory_space<vmem>>, vector<16xi32>,
        tpu.vector_store %arg18[%swap3A_373], %get3A_372 {strides = array<i32>} : memref<192xi32, #tpu.memory_space<vmem>>, vector<16xi32>,
        %get3A_375 = arith.constant 16 : index
        %get3A_376 = tpu.vector_load %arg16[%get3A_375] {strides = array<i32>} : memref<400xi32, #tpu.memory_space<vmem>>, vector<16xi32>,
        %swap3A_377 = arith.constant 16 : index
        %swap3A_378 = tpu.vector_load %arg19[%swap3A_377] {strides = array<i32>} : memref<208xi32, #tpu.memory_space<vmem>>, vector<16xi32>,
        tpu.vector_store %arg19[%swap3A_377], %get3A_376 {strides = array<i32>} : memref<208xi32, #tpu.memory_space<vmem>>, vector<16xi32>,
        %get3A_379 = arith.constant 32 : index
        %get3A_380 = tpu.vector_load %arg14[%get3A_379] {strides = array<i32>} : memref<400xi32, #tpu.memory_space<vmem>>, vector<16xi32>,
        %swap3A_381 = arith.constant 32 : index
        %swap3A_382 = tpu.vector_load %arg17[%swap3A_381] {strides = array<i32>} : memref<192xi32, #tpu.memory_space<vmem>>, vector<16xi32>,
        tpu.vector_store %arg17[%swap3A_381], %get3A_380 {strides = array<i32>} : memref<192xi32, #tpu.memory_space<vmem>>, vector<16xi32>,
        %get3A_383 = arith.constant 32 : index
        %get3A_384 = tpu.vector_load %arg15[%get3A_383] {strides = array<i32>} : memref<400xi32, #tpu.memory_space<vmem>>, vector<16xi32>,
        %swap3A_385 = arith.constant 32 : index
        %swap3A_386 = tpu.vector_load %arg18[%swap3A_385] {strides = array<i32>} : memref<192xi32, #tpu.memory_space<vmem>>, vector<16xi32>,
        tpu.vector_store %arg18[%swap3A_385], %get3A_384 {strides = array<i32>} : memref<192xi32, #tpu.memory_space<vmem>>, vector<16xi32>,
        %get3A_387 = arith.constant 32 : index
        %get3A_388 = tpu.vector_load %arg16[%get3A_387] {strides = array<i32>} : memref<400xi32, #tpu.memory_space<vmem>>, vector<16xi32>,
        %swap3A_389 = arith.constant 32 : index
        %swap3A_390 = tpu.vector_load %arg19[%swap3A_389] {strides = array<i32>} : memref<208xi32, #tpu.memory_space<vmem>>, vector<16xi32>,
        tpu.vector_store %arg19[%swap3A_389], %get3A_388 {strides = array<i32>} : memref<208xi32, #tpu.memory_space<vmem>>, vector<16xi32>,
        %get3A_391 = arith.constant 48 : index
        %get3A_392 = tpu.vector_load %arg14[%get3A_391] {strides = array<i32>} : memref<400xi32, #tpu.memory_space<vmem>>, vector<16xi32>,
        %swap3A_393 = arith.constant 48 : index
        %swap3A_394 = tpu.vector_load %arg17[%swap3A_393] {strides = array<i32>} : memref<192xi32, #tpu.memory_space<vmem>>, vector<16xi32>,
        tpu.vector_store %arg17[%swap3A_393], %get3A_392 {strides = array<i32>} : memref<192xi32, #tpu.memory_space<vmem>>, vector<16xi32>,
        %get3A_395 = arith.constant 48 : index
        %get3A_396 = tpu.vector_load %arg15[%get3A_395] {strides = array<i32>} : memref<400xi32, #tpu.memory_space<vmem>>, vector<16xi32>,
        %swap3A_397 = arith.constant 48 : index
        %swap3A_398 = tpu.vector_load %arg18[%swap3A_397] {strides = array<i32>} : memref<192xi32, #tpu.memory_space<vmem>>, vector<16xi32>,
        tpu.vector_store %arg18[%swap3A_397], %get3A_396 {strides = array<i32>} : memref<192xi32, #tpu.memory_space<vmem>>, vector<16xi32>,
        %get3A_399 = arith.constant 48 : index
        %get3A_400 = tpu.vector_load %arg16[%get3A_399] {strides = array<i32>} : memref<400xi32, #tpu.memory_space<vmem>>, vector<16xi32>,
        %swap3A_401 = arith.constant 48 : index
        %swap3A_402 = tpu.vector_load %arg19[%swap3A_401] {strides = array<i32>} : memref<208xi32, #tpu.memory_space<vmem>>, vector<16xi32>,
        tpu.vector_store %arg19[%swap3A_401], %get3A_400 {strides = array<i32>} : memref<208xi32, #tpu.memory_space<vmem>>, vector<16xi32>,
        %get3A_403 = arith.constant 64 : index
        %get3A_404 = tpu.vector_load %arg14[%get3A_403] {strides = array<i32>} : memref<400xi32, #tpu.memory_space<vmem>>, vector<16xi32>,
        %swap3A_405 = arith.constant 64 : index
        %swap3A_406 = tpu.vector_load %arg17[%swap3A_405] {strides = array<i32>} : memref<192xi32, #tpu.memory_space<vmem>>, vector<16xi32>,
        tpu.vector_store %arg17[%swap3A_405], %get3A_404 {strides = array<i32>} : memref<192xi32, #tpu.memory_space<vmem>>, vector<16xi32>,
        %get3A_407 = arith.constant 64 : index
        %get3A_408 = tpu.vector_load %arg15[%get3A_407] {strides = array<i32>} : memref<400xi32, #tpu.memory_space<vmem>>, vector<16xi32>,
        %swap3A_409 = arith.constant 64 : index
        %swap3A_410 = tpu.vector_load %arg18[%swap3A_409] {strides = array<i32>} : memref<192xi32, #tpu.memory_space<vmem>>, vector<16xi32>,
        tpu.vector_store %arg18[%swap3A_409], %get3A_408 {strides = array<i32>} : memref<192xi32, #tpu.memory_space<vmem>>, vector<16xi32>,
        %get3A_411 = arith.constant 64 : index
        %get3A_412 = tpu.vector_load %arg16[%get3A_411] {strides = array<i32>} : memref<400xi32, #tpu.memory_space<vmem>>, vector<16xi32>,
        %swap3A_413 = arith.constant 64 : index
        %swap3A_414 = tpu.vector_load %arg19[%swap3A_413] {strides = array<i32>} : memref<208xi32, #tpu.memory_space<vmem>>, vector<16xi32>,
        tpu.vector_store %arg19[%swap3A_413], %get3A_412 {strides = array<i32>} : memref<208xi32, #tpu.memory_space<vmem>>, vector<16xi32>,
        %get3A_415 = arith.constant 80 : index
        %get3A_416 = tpu.vector_load %arg14[%get3A_415] {strides = array<i32>} : memref<400xi32, #tpu.memory_space<vmem>>, vector<16xi32>,
        %swap3A_417 = arith.constant 80 : index
        %swap3A_418 = tpu.vector_load %arg17[%swap3A_417] {strides = array<i32>} : memref<192xi32, #tpu.memory_space<vmem>>, vector<16xi32>,
        tpu.vector_store %arg17[%swap3A_417], %get3A_416 {strides = array<i32>} : memref<192xi32, #tpu.memory_space<vmem>>, vector<16xi32>,
        %get3A_419 = arith.constant 80 : index
        %get3A_420 = tpu.vector_load %arg15[%get3A_419] {strides = array<i32>} : memref<400xi32, #tpu.memory_space<vmem>>, vector<16xi32>,
        %swap3A_421 = arith.constant 80 : index
        %swap3A_422 = tpu.vector_load %arg18[%swap3A_421] {strides = array<i32>} : memref<192xi32, #tpu.memory_space<vmem>>, vector<16xi32>,
        tpu.vector_store %arg18[%swap3A_421], %get3A_420 {strides = array<i32>} : memref<192xi32, #tpu.memory_space<vmem>>, vector<16xi32>,
        %get3A_423 = arith.constant 80 : index
        %get3A_424 = tpu.vector_load %arg16[%get3A_423] {strides = array<i32>} : memref<400xi32, #tpu.memory_space<vmem>>, vector<16xi32>,
        %swap3A_425 = arith.constant 80 : index
        %swap3A_426 = tpu.vector_load %arg19[%swap3A_425] {strides = array<i32>} : memref<208xi32, #tpu.memory_space<vmem>>, vector<16xi32>,
        tpu.vector_store %arg19[%swap3A_425], %get3A_424 {strides = array<i32>} : memref<208xi32, #tpu.memory_space<vmem>>, vector<16xi32>,
        %get3A_427 = arith.constant 96 : index
        %get3A_428 = tpu.vector_load %arg14[%get3A_427] {strides = array<i32>} : memref<400xi32, #tpu.memory_space<vmem>>, vector<16xi32>,
        %swap3A_429 = arith.constant 96 : index
        %swap3A_430 = tpu.vector_load %arg17[%swap3A_429] {strides = array<i32>} : memref<192xi32, #tpu.memory_space<vmem>>, vector<16xi32>,
        tpu.vector_store %arg17[%swap3A_429], %get3A_428 {strides = array<i32>} : memref<192xi32, #tpu.memory_space<vmem>>, vector<16xi32>,
        %get3A_431 = arith.constant 96 : index
        %get3A_432 = tpu.vector_load %arg15[%get3A_431] {strides = array<i32>} : memref<400xi32, #tpu.memory_space<vmem>>, vector<16xi32>,
        %swap3A_433 = arith.constant 96 : index
        %swap3A_434 = tpu.vector_load %arg18[%swap3A_433] {strides = array<i32>} : memref<192xi32, #tpu.memory_space<vmem>>, vector<16xi32>,
        tpu.vector_store %arg18[%swap3A_433], %get3A_432 {strides = array<i32>} : memref<192xi32, #tpu.memory_space<vmem>>, vector<16xi32>,
        %get3A_435 = arith.constant 96 : index
        %get3A_436 = tpu.vector_load %arg16[%get3A_435] {strides = array<i32>} : memref<400xi32, #tpu.memory_space<vmem>>, vector<16xi32>,
        %swap3A_437 = arith.constant 96 : index
        %swap3A_438 = tpu.vector_load %arg19[%swap3A_437] {strides = array<i32>} : memref<208xi32, #tpu.memory_space<vmem>>, vector<16xi32>,
        tpu.vector_store %arg19[%swap3A_437], %get3A_436 {strides = array<i32>} : memref<208xi32, #tpu.memory_space<vmem>>, vector<16xi32>,
        %get3A_439 = arith.constant 112 : index
        %get3A_440 = tpu.vector_load %arg14[%get3A_439] {strides = array<i32>} : memref<400xi32, #tpu.memory_space<vmem>>, vector<16xi32>,
        %swap3A_441 = arith.constant 112 : index
        %swap3A_442 = tpu.vector_load %arg17[%swap3A_441] {strides = array<i32>} : memref<192xi32, #tpu.memory_space<vmem>>, vector<16xi32>,
        tpu.vector_store %arg17[%swap3A_441], %get3A_440 {strides = array<i32>} : memref<192xi32, #tpu.memory_space<vmem>>, vector<16xi32>,
        %get3A_443 = arith.constant 112 : index
        %get3A_444 = tpu.vector_load %arg15[%get3A_443] {strides = array<i32>} : memref<400xi32, #tpu.memory_space<vmem>>, vector<16xi32>,
        %swap3A_445 = arith.constant 112 : index
        %swap3A_446 = tpu.vector_load %arg18[%swap3A_445] {strides = array<i32>} : memref<192xi32, #tpu.memory_space<vmem>>, vector<16xi32>,
        tpu.vector_store %arg18[%swap3A_445], %get3A_444 {strides = array<i32>} : memref<192xi32, #tpu.memory_space<vmem>>, vector<16xi32>,
        %get3A_447 = arith.constant 112 : index
        %get3A_448 = tpu.vector_load %arg16[%get3A_447] {strides = array<i32>} : memref<400xi32, #tpu.memory_space<vmem>>, vector<16xi32>,
        %swap3A_449 = arith.constant 112 : index
        %swap3A_450 = tpu.vector_load %arg19[%swap3A_449] {strides = array<i32>} : memref<208xi32, #tpu.memory_space<vmem>>, vector<16xi32>,
        tpu.vector_store %arg19[%swap3A_449], %get3A_448 {strides = array<i32>} : memref<208xi32, #tpu.memory_space<vmem>>, vector<16xi32>,
        %get3A_451 = arith.constant 128 : index
        %get3A_452 = tpu.vector_load %arg14[%get3A_451] {strides = array<i32>} : memref<400xi32, #tpu.memory_space<vmem>>, vector<16xi32>,
        %swap3A_453 = arith.constant 128 : index
        %swap3A_454 = tpu.vector_load %arg17[%swap3A_453] {strides = array<i32>} : memref<192xi32, #tpu.memory_space<vmem>>, vector<16xi32>,
        tpu.vector_store %arg17[%swap3A_453], %get3A_452 {strides = array<i32>} : memref<192xi32, #tpu.memory_space<vmem>>, vector<16xi32>,
        %get3A_455 = arith.constant 128 : index
        %get3A_456 = tpu.vector_load %arg15[%get3A_455] {strides = array<i32>} : memref<400xi32, #tpu.memory_space<vmem>>, vector<16xi32>,
        %swap3A_457 = arith.constant 128 : index
        %swap3A_458 = tpu.vector_load %arg18[%swap3A_457] {strides = array<i32>} : memref<192xi32, #tpu.memory_space<vmem>>, vector<16xi32>,
        tpu.vector_store %arg18[%swap3A_457], %get3A_456 {strides = array<i32>} : memref<192xi32, #tpu.memory_space<vmem>>, vector<16xi32>,
        %get3A_459 = arith.constant 128 : index
        %get3A_460 = tpu.vector_load %arg16[%get3A_459] {strides = array<i32>} : memref<400xi32, #tpu.memory_space<vmem>>, vector<16xi32>,
        %swap3A_461 = arith.constant 128 : index
        %swap3A_462 = tpu.vector_load %arg19[%swap3A_461] {strides = array<i32>} : memref<208xi32, #tpu.memory_space<vmem>>, vector<16xi32>,
        tpu.vector_store %arg19[%swap3A_461], %get3A_460 {strides = array<i32>} : memref<208xi32, #tpu.memory_space<vmem>>, vector<16xi32>,
        %get3A_463 = arith.constant 144 : index
        %get3A_464 = tpu.vector_load %arg14[%get3A_463] {strides = array<i32>} : memref<400xi32, #tpu.memory_space<vmem>>, vector<16xi32>,
        %swap3A_465 = arith.constant 144 : index
        %swap3A_466 = tpu.vector_load %arg17[%swap3A_465] {strides = array<i32>} : memref<192xi32, #tpu.memory_space<vmem>>, vector<16xi32>,
        tpu.vector_store %arg17[%swap3A_465], %get3A_464 {strides = array<i32>} : memref<192xi32, #tpu.memory_space<vmem>>, vector<16xi32>,
        %get3A_467 = arith.constant 144 : index
        %get3A_468 = tpu.vector_load %arg15[%get3A_467] {strides = array<i32>} : memref<400xi32, #tpu.memory_space<vmem>>, vector<16xi32>,
        %swap3A_469 = arith.constant 144 : index
        %swap3A_470 = tpu.vector_load %arg18[%swap3A_469] {strides = array<i32>} : memref<192xi32, #tpu.memory_space<vmem>>, vector<16xi32>,
        tpu.vector_store %arg18[%swap3A_469], %get3A_468 {strides = array<i32>} : memref<192xi32, #tpu.memory_space<vmem>>, vector<16xi32>,
        %get3A_471 = arith.constant 144 : index
        %get3A_472 = tpu.vector_load %arg16[%get3A_471] {strides = array<i32>} : memref<400xi32, #tpu.memory_space<vmem>>, vector<16xi32>,
        %swap3A_473 = arith.constant 144 : index
        %swap3A_474 = tpu.vector_load %arg19[%swap3A_473] {strides = array<i32>} : memref<208xi32, #tpu.memory_space<vmem>>, vector<16xi32>,
        tpu.vector_store %arg19[%swap3A_473], %get3A_472 {strides = array<i32>} : memref<208xi32, #tpu.memory_space<vmem>>, vector<16xi32>,
        %get3A_475 = arith.constant 160 : index
        %get3A_476 = tpu.vector_load %arg14[%get3A_475] {strides = array<i32>} : memref<400xi32, #tpu.memory_space<vmem>>, vector<16xi32>,
        %swap3A_477 = arith.constant 160 : index
        %swap3A_478 = tpu.vector_load %arg17[%swap3A_477] {strides = array<i32>} : memref<192xi32, #tpu.memory_space<vmem>>, vector<16xi32>,
        tpu.vector_store %arg17[%swap3A_477], %get3A_476 {strides = array<i32>} : memref<192xi32, #tpu.memory_space<vmem>>, vector<16xi32>,
        %get3A_479 = arith.constant 160 : index
        %get3A_480 = tpu.vector_load %arg15[%get3A_479] {strides = array<i32>} : memref<400xi32, #tpu.memory_space<vmem>>, vector<16xi32>,
        %swap3A_481 = arith.constant 160 : index
        %swap3A_482 = tpu.vector_load %arg18[%swap3A_481] {strides = array<i32>} : memref<192xi32, #tpu.memory_space<vmem>>, vector<16xi32>,
        tpu.vector_store %arg18[%swap3A_481], %get3A_480 {strides = array<i32>} : memref<192xi32, #tpu.memory_space<vmem>>, vector<16xi32>,
        %get3A_483 = arith.constant 160 : index
        %get3A_484 = tpu.vector_load %arg16[%get3A_483] {strides = array<i32>} : memref<400xi32, #tpu.memory_space<vmem>>, vector<16xi32>,
        %swap3A_485 = arith.constant 160 : index
        %swap3A_486 = tpu.vector_load %arg19[%swap3A_485] {strides = array<i32>} : memref<208xi32, #tpu.memory_space<vmem>>, vector<16xi32>,
        tpu.vector_store %arg19[%swap3A_485], %get3A_484 {strides = array<i32>} : memref<208xi32, #tpu.memory_space<vmem>>, vector<16xi32>,
        %get3A_487 = arith.constant 176 : index
        %get3A_488 = tpu.vector_load %arg14[%get3A_487] {strides = array<i32>} : memref<400xi32, #tpu.memory_space<vmem>>, vector<16xi32>,
        %swap3A_489 = arith.constant 176 : index
        %swap3A_490 = tpu.vector_load %arg17[%swap3A_489] {strides = array<i32>} : memref<192xi32, #tpu.memory_space<vmem>>, vector<16xi32>,
        tpu.vector_store %arg17[%swap3A_489], %get3A_488 {strides = array<i32>} : memref<192xi32, #tpu.memory_space<vmem>>, vector<16xi32>,
        %get3A_491 = arith.constant 176 : index
        %get3A_492 = tpu.vector_load %arg15[%get3A_491] {strides = array<i32>} : memref<400xi32, #tpu.memory_space<vmem>>, vector<16xi32>,
        %swap3A_493 = arith.constant 176 : index
        %swap3A_494 = tpu.vector_load %arg18[%swap3A_493] {strides = array<i32>} : memref<192xi32, #tpu.memory_space<vmem>>, vector<16xi32>,
        tpu.vector_store %arg18[%swap3A_493], %get3A_492 {strides = array<i32>} : memref<192xi32, #tpu.memory_space<vmem>>, vector<16xi32>,
        %get3A_495 = arith.constant 176 : index
        %get3A_496 = tpu.vector_load %arg16[%get3A_495] {strides = array<i32>} : memref<400xi32, #tpu.memory_space<vmem>>, vector<16xi32>,
        %swap3A_497 = arith.constant 176 : index
        %swap3A_498 = tpu.vector_load %arg19[%swap3A_497] {strides = array<i32>} : memref<208xi32, #tpu.memory_space<vmem>>, vector<16xi32>,
        tpu.vector_store %arg19[%swap3A_497], %get3A_496 {strides = array<i32>} : memref<208xi32, #tpu.memory_space<vmem>>, vector<16xi32>,
        %dma_start3A_499 = arith.constant 0 : i32
        %dma_start3A_500 = arith.constant 0 : i32
        %dma_start3A_501 = tpu.memref_slice %arg3[%dma_start3A_499, %dma_start3A_500] : memref<320000x128xf32, #tpu.memory_space<hbm>> -> memref<320000x128xf32, #tpu.memory_space<hbm>>
        tpu.enqueue_indirect_dma source(%dma_start3A_501 : memref<320000x128xf32, #tpu.memory_space<hbm>>) target(%arg10 : memref<192x128xf32, #tpu.memory_space<vmem>>) offsets(%arg17 : memref<192xi32, #tpu.memory_space<vmem>>) semaphore(%arg20 : memref<!tpu.dma_semaphore, #tpu.memory_space<semaphore_mem>>)
        %dma_start3A_502 = arith.constant 0 : i32
        %dma_start3A_503 = arith.constant 0 : i32
        %dma_start3A_504 = tpu.memref_slice %arg4[%dma_start3A_502, %dma_start3A_503] : memref<320000x128xf32, #tpu.memory_space<hbm>> -> memref<320000x128xf32, #tpu.memory_space<hbm>>
        tpu.enqueue_indirect_dma source(%dma_start3A_504 : memref<320000x128xf32, #tpu.memory_space<hbm>>) target(%arg11 : memref<192x128xf32, #tpu.memory_space<vmem>>) offsets(%arg17 : memref<192xi32, #tpu.memory_space<vmem>>) semaphore(%arg20 : memref<!tpu.dma_semaphore, #tpu.memory_space<semaphore_mem>>)
        %dma_start3A_505 = arith.constant 0 : i32
        %dma_start3A_506 = arith.constant 0 : i32
        %dma_start3A_507 = tpu.memref_slice %arg2[%dma_start3A_505, %dma_start3A_506] : memref<10000x128xf32, #tpu.memory_space<hbm>> -> memref<10000x128xf32, #tpu.memory_space<hbm>>
        tpu.enqueue_indirect_dma source(%dma_start3A_507 : memref<10000x128xf32, #tpu.memory_space<hbm>>) target(%arg12 : memref<192x128xf32, #tpu.memory_space<vmem>>) offsets(%arg18 : memref<192xi32, #tpu.memory_space<vmem>>) semaphore(%arg20 : memref<!tpu.dma_semaphore, #tpu.memory_space<semaphore_mem>>)
        %dma_wait3A_508 = arith.constant 0 : i32
        %dma_wait3A_509 = arith.constant 0 : i32
        %dma_wait3A_510 = tpu.memref_slice %arg3[%dma_wait3A_508, %dma_wait3A_509] : memref<320000x128xf32, #tpu.memory_space<hbm>> -> memref<320000x128xf32, #tpu.memory_space<hbm>>
        tpu.wait_indirect_dma semaphore(%arg20 : memref<!tpu.dma_semaphore, #tpu.memory_space<semaphore_mem>>) src(%dma_wait3A_510 : memref<320000x128xf32, #tpu.memory_space<hbm>>) dst(%arg10 : memref<192x128xf32, #tpu.memory_space<vmem>>)
        %dma_wait3A_511 = arith.constant 0 : i32
        %dma_wait3A_512 = arith.constant 0 : i32
        %dma_wait3A_513 = tpu.memref_slice %arg4[%dma_wait3A_511, %dma_wait3A_512] : memref<320000x128xf32, #tpu.memory_space<hbm>> -> memref<320000x128xf32, #tpu.memory_space<hbm>>
        tpu.wait_indirect_dma semaphore(%arg20 : memref<!tpu.dma_semaphore, #tpu.memory_space<semaphore_mem>>) src(%dma_wait3A_513 : memref<320000x128xf32, #tpu.memory_space<hbm>>) dst(%arg11 : memref<192x128xf32, #tpu.memory_space<vmem>>)
        %dma_wait3A_514 = arith.constant 0 : i32
        %dma_wait3A_515 = arith.constant 0 : i32
        %dma_wait3A_516 = tpu.memref_slice %arg2[%dma_wait3A_514, %dma_wait3A_515] : memref<10000x128xf32, #tpu.memory_space<hbm>> -> memref<10000x128xf32, #tpu.memory_space<hbm>>
        tpu.wait_indirect_dma semaphore(%arg20 : memref<!tpu.dma_semaphore, #tpu.memory_space<semaphore_mem>>) src(%dma_wait3A_516 : memref<10000x128xf32, #tpu.memory_space<hbm>>) dst(%arg12 : memref<192x128xf32, #tpu.memory_space<vmem>>)
        %scan3A_517 = arith.constant 0 : i32
        %scan3A_518 = arith.constant 0 : i32
        %scan3A_519 = arith.constant 192 : i32
        %scan3A_520 = arith.addi %scan3A_518, %scan3A_519 : i32
        %scan3A_521 = arith.constant 1 : i32
        scf.for %scan3A_537 = %scan3A_518 to %scan3A_520 step %scan3A_521  : i32 {
          %get3A_538 = arith.index_cast %scan3A_537 : i32 to index
          %get3A_539 = tpu.vector_load %arg19[%get3A_538] {strides = array<i32>} : memref<208xi32, #tpu.memory_space<vmem>>, vector<16xi32>,
          %slice3A = vector.extract_strided_slice %get3A_539 {offsets = [0], sizes = [1], strides = [1]} : vector<16xi32> to vector<1xi32>
          %squeeze3A = vector.extract %slice3A[0] : i32 from vector<1xi32>
          %get3A_540 = arith.index_cast %scan3A_537 : i32 to index
          %get3A_541 = arith.constant 0 : index
          %get3A_542 = tpu.vector_load %arg10[%get3A_540, %get3A_541] {strides = array<i32>} : memref<192x128xf32, #tpu.memory_space<vmem>>, vector<16xf32>,
          %get3A_543 = arith.index_cast %scan3A_537 : i32 to index
          %get3A_544 = arith.constant 0 : index
          %get3A_545 = tpu.vector_load %arg12[%get3A_543, %get3A_544] {strides = array<i32>} : memref<192x128xf32, #tpu.memory_space<vmem>>, vector<16xf32>,
          %mul3A_546 = arith.mulf %get3A_542, %get3A_545 : vector<16xf32>
          %reduce_sum3A_547 = arith.constant true
          %reduce_sum3A_548 = vector.broadcast %reduce_sum3A_547 : i1 to vector<16xi1>
          %reduce_sum3A_549 = tpu.scan <sum>, %mul3A_546 masked %reduce_sum3A_548 : vector<16xf32>, vector<16xi1> -> vector<16xf32>
          %reduce_sum3A_550 = vector.extract %reduce_sum3A_549[15] : f32 from vector<16xf32>
          %mul3A_551 = arith.constant 0.0883883461 : f32
          %mul3A_552 = arith.mulf %reduce_sum3A_550, %mul3A_551 : f32
          %broadcast_in_dim3A_553 = vector.broadcast %mul3A_552 : f32 to vector<16xf32>
          %exp3A = math.exp %broadcast_in_dim3A_553 : vector<16xf32>
          %get3A_554 = arith.index_cast %squeeze3A : i32 to index
          %get3A_555 = arith.constant 0 : index
          %get3A_556 = tpu.vector_load %arg8[%get3A_554, %get3A_555] {strides = array<i32>} : memref<336x128xf32, #tpu.memory_space<vmem>>, vector<16xf32>,
          %get3A_557 = arith.index_cast %scan3A_537 : i32 to index
          %get3A_558 = arith.constant 0 : index
          %get3A_559 = tpu.vector_load %arg11[%get3A_557, %get3A_558] {strides = array<i32>} : memref<192x128xf32, #tpu.memory_space<vmem>>, vector<16xf32>,
          %mul3A_560 = arith.mulf %exp3A, %get3A_559 : vector<16xf32>
          %add3A_561 = arith.addf %get3A_556, %mul3A_560 : vector<16xf32>
          %swap3A_562 = arith.index_cast %squeeze3A : i32 to index
          %swap3A_563 = arith.constant 0 : index
          %swap3A_564 = tpu.vector_load %arg8[%swap3A_562, %swap3A_563] {strides = array<i32>} : memref<336x128xf32, #tpu.memory_space<vmem>>, vector<16xf32>,
          tpu.vector_store %arg8[%swap3A_562, %swap3A_563], %add3A_561 {strides = array<i32>} : memref<336x128xf32, #tpu.memory_space<vmem>>, vector<16xf32>,
          %select_n3A = arith.select %eq3A_4, %exp3A, %broadcast_in_dim3A_26 : vector<16xi1>, vector<16xf32>
          %get3A_565 = arith.index_cast %scan3A_537 : i32 to index
          %get3A_566 = arith.constant 16 : index
          %get3A_567 = tpu.vector_load %arg10[%get3A_565, %get3A_566] {strides = array<i32>} : memref<192x128xf32, #tpu.memory_space<vmem>>, vector<16xf32>,
          %get3A_568 = arith.index_cast %scan3A_537 : i32 to index
          %get3A_569 = arith.constant 16 : index
          %get3A_570 = tpu.vector_load %arg12[%get3A_568, %get3A_569] {strides = array<i32>} : memref<192x128xf32, #tpu.memory_space<vmem>>, vector<16xf32>,
          %mul3A_571 = arith.mulf %get3A_567, %get3A_570 : vector<16xf32>
          %reduce_sum3A_572 = arith.constant true
          %reduce_sum3A_573 = vector.broadcast %reduce_sum3A_572 : i1 to vector<16xi1>
          %reduce_sum3A_574 = tpu.scan <sum>, %mul3A_571 masked %reduce_sum3A_573 : vector<16xf32>, vector<16xi1> -> vector<16xf32>
          %reduce_sum3A_575 = vector.extract %reduce_sum3A_574[15] : f32 from vector<16xf32>
          %mul3A_576 = arith.constant 0.0883883461 : f32
          %mul3A_577 = arith.mulf %reduce_sum3A_575, %mul3A_576 : f32
          %broadcast_in_dim3A_578 = vector.broadcast %mul3A_577 : f32 to vector<16xf32>
          %exp3A_579 = math.exp %broadcast_in_dim3A_578 : vector<16xf32>
          %get3A_580 = arith.index_cast %squeeze3A : i32 to index
          %get3A_581 = arith.constant 16 : index
          %get3A_582 = tpu.vector_load %arg8[%get3A_580, %get3A_581] {strides = array<i32>} : memref<336x128xf32, #tpu.memory_space<vmem>>, vector<16xf32>,
          %get3A_583 = arith.index_cast %scan3A_537 : i32 to index
          %get3A_584 = arith.constant 16 : index
          %get3A_585 = tpu.vector_load %arg11[%get3A_583, %get3A_584] {strides = array<i32>} : memref<192x128xf32, #tpu.memory_space<vmem>>, vector<16xf32>,
          %mul3A_586 = arith.mulf %exp3A_579, %get3A_585 : vector<16xf32>
          %add3A_587 = arith.addf %get3A_582, %mul3A_586 : vector<16xf32>
          %swap3A_588 = arith.index_cast %squeeze3A : i32 to index
          %swap3A_589 = arith.constant 16 : index
          %swap3A_590 = tpu.vector_load %arg8[%swap3A_588, %swap3A_589] {strides = array<i32>} : memref<336x128xf32, #tpu.memory_space<vmem>>, vector<16xf32>,
          tpu.vector_store %arg8[%swap3A_588, %swap3A_589], %add3A_587 {strides = array<i32>} : memref<336x128xf32, #tpu.memory_space<vmem>>, vector<16xf32>,
          %select_n3A_591 = arith.select %eq3A_7, %exp3A_579, %select_n3A : vector<16xi1>, vector<16xf32>
          %get3A_592 = arith.index_cast %scan3A_537 : i32 to index
          %get3A_593 = arith.constant 32 : index
          %get3A_594 = tpu.vector_load %arg10[%get3A_592, %get3A_593] {strides = array<i32>} : memref<192x128xf32, #tpu.memory_space<vmem>>, vector<16xf32>,
          %get3A_595 = arith.index_cast %scan3A_537 : i32 to index
          %get3A_596 = arith.constant 32 : index
          %get3A_597 = tpu.vector_load %arg12[%get3A_595, %get3A_596] {strides = array<i32>} : memref<192x128xf32, #tpu.memory_space<vmem>>, vector<16xf32>,
          %mul3A_598 = arith.mulf %get3A_594, %get3A_597 : vector<16xf32>
          %reduce_sum3A_599 = arith.constant true
          %reduce_sum3A_600 = vector.broadcast %reduce_sum3A_599 : i1 to vector<16xi1>
          %reduce_sum3A_601 = tpu.scan <sum>, %mul3A_598 masked %reduce_sum3A_600 : vector<16xf32>, vector<16xi1> -> vector<16xf32>
          %reduce_sum3A_602 = vector.extract %reduce_sum3A_601[15] : f32 from vector<16xf32>
          %mul3A_603 = arith.constant 0.0883883461 : f32
          %mul3A_604 = arith.mulf %reduce_sum3A_602, %mul3A_603 : f32
          %broadcast_in_dim3A_605 = vector.broadcast %mul3A_604 : f32 to vector<16xf32>
          %exp3A_606 = math.exp %broadcast_in_dim3A_605 : vector<16xf32>
          %get3A_607 = arith.index_cast %squeeze3A : i32 to index
          %get3A_608 = arith.constant 32 : index
          %get3A_609 = tpu.vector_load %arg8[%get3A_607, %get3A_608] {strides = array<i32>} : memref<336x128xf32, #tpu.memory_space<vmem>>, vector<16xf32>,
          %get3A_610 = arith.index_cast %scan3A_537 : i32 to index
          %get3A_611 = arith.constant 32 : index
          %get3A_612 = tpu.vector_load %arg11[%get3A_610, %get3A_611] {strides = array<i32>} : memref<192x128xf32, #tpu.memory_space<vmem>>, vector<16xf32>,
          %mul3A_613 = arith.mulf %exp3A_606, %get3A_612 : vector<16xf32>
          %add3A_614 = arith.addf %get3A_609, %mul3A_613 : vector<16xf32>
          %swap3A_615 = arith.index_cast %squeeze3A : i32 to index
          %swap3A_616 = arith.constant 32 : index
          %swap3A_617 = tpu.vector_load %arg8[%swap3A_615, %swap3A_616] {strides = array<i32>} : memref<336x128xf32, #tpu.memory_space<vmem>>, vector<16xf32>,
          tpu.vector_store %arg8[%swap3A_615, %swap3A_616], %add3A_614 {strides = array<i32>} : memref<336x128xf32, #tpu.memory_space<vmem>>, vector<16xf32>,
          %select_n3A_618 = arith.select %eq3A_10, %exp3A_606, %select_n3A_591 : vector<16xi1>, vector<16xf32>
          %get3A_619 = arith.index_cast %scan3A_537 : i32 to index
          %get3A_620 = arith.constant 48 : index
          %get3A_621 = tpu.vector_load %arg10[%get3A_619, %get3A_620] {strides = array<i32>} : memref<192x128xf32, #tpu.memory_space<vmem>>, vector<16xf32>,
          %get3A_622 = arith.index_cast %scan3A_537 : i32 to index
          %get3A_623 = arith.constant 48 : index
          %get3A_624 = tpu.vector_load %arg12[%get3A_622, %get3A_623] {strides = array<i32>} : memref<192x128xf32, #tpu.memory_space<vmem>>, vector<16xf32>,
          %mul3A_625 = arith.mulf %get3A_621, %get3A_624 : vector<16xf32>
          %reduce_sum3A_626 = arith.constant true
          %reduce_sum3A_627 = vector.broadcast %reduce_sum3A_626 : i1 to vector<16xi1>
          %reduce_sum3A_628 = tpu.scan <sum>, %mul3A_625 masked %reduce_sum3A_627 : vector<16xf32>, vector<16xi1> -> vector<16xf32>
          %reduce_sum3A_629 = vector.extract %reduce_sum3A_628[15] : f32 from vector<16xf32>
          %mul3A_630 = arith.constant 0.0883883461 : f32
          %mul3A_631 = arith.mulf %reduce_sum3A_629, %mul3A_630 : f32
          %broadcast_in_dim3A_632 = vector.broadcast %mul3A_631 : f32 to vector<16xf32>
          %exp3A_633 = math.exp %broadcast_in_dim3A_632 : vector<16xf32>
          %get3A_634 = arith.index_cast %squeeze3A : i32 to index
          %get3A_635 = arith.constant 48 : index
          %get3A_636 = tpu.vector_load %arg8[%get3A_634, %get3A_635] {strides = array<i32>} : memref<336x128xf32, #tpu.memory_space<vmem>>, vector<16xf32>,
          %get3A_637 = arith.index_cast %scan3A_537 : i32 to index
          %get3A_638 = arith.constant 48 : index
          %get3A_639 = tpu.vector_load %arg11[%get3A_637, %get3A_638] {strides = array<i32>} : memref<192x128xf32, #tpu.memory_space<vmem>>, vector<16xf32>,
          %mul3A_640 = arith.mulf %exp3A_633, %get3A_639 : vector<16xf32>
          %add3A_641 = arith.addf %get3A_636, %mul3A_640 : vector<16xf32>
          %swap3A_642 = arith.index_cast %squeeze3A : i32 to index
          %swap3A_643 = arith.constant 48 : index
          %swap3A_644 = tpu.vector_load %arg8[%swap3A_642, %swap3A_643] {strides = array<i32>} : memref<336x128xf32, #tpu.memory_space<vmem>>, vector<16xf32>,
          tpu.vector_store %arg8[%swap3A_642, %swap3A_643], %add3A_641 {strides = array<i32>} : memref<336x128xf32, #tpu.memory_space<vmem>>, vector<16xf32>,
          %select_n3A_645 = arith.select %eq3A_13, %exp3A_633, %select_n3A_618 : vector<16xi1>, vector<16xf32>
          %get3A_646 = arith.index_cast %scan3A_537 : i32 to index
          %get3A_647 = arith.constant 64 : index
          %get3A_648 = tpu.vector_load %arg10[%get3A_646, %get3A_647] {strides = array<i32>} : memref<192x128xf32, #tpu.memory_space<vmem>>, vector<16xf32>,
          %get3A_649 = arith.index_cast %scan3A_537 : i32 to index
          %get3A_650 = arith.constant 64 : index
          %get3A_651 = tpu.vector_load %arg12[%get3A_649, %get3A_650] {strides = array<i32>} : memref<192x128xf32, #tpu.memory_space<vmem>>, vector<16xf32>,
          %mul3A_652 = arith.mulf %get3A_648, %get3A_651 : vector<16xf32>
          %reduce_sum3A_653 = arith.constant true
          %reduce_sum3A_654 = vector.broadcast %reduce_sum3A_653 : i1 to vector<16xi1>
          %reduce_sum3A_655 = tpu.scan <sum>, %mul3A_652 masked %reduce_sum3A_654 : vector<16xf32>, vector<16xi1> -> vector<16xf32>
          %reduce_sum3A_656 = vector.extract %reduce_sum3A_655[15] : f32 from vector<16xf32>
          %mul3A_657 = arith.constant 0.0883883461 : f32
          %mul3A_658 = arith.mulf %reduce_sum3A_656, %mul3A_657 : f32
          %broadcast_in_dim3A_659 = vector.broadcast %mul3A_658 : f32 to vector<16xf32>
          %exp3A_660 = math.exp %broadcast_in_dim3A_659 : vector<16xf32>
          %get3A_661 = arith.index_cast %squeeze3A : i32 to index
          %get3A_662 = arith.constant 64 : index
          %get3A_663 = tpu.vector_load %arg8[%get3A_661, %get3A_662] {strides = array<i32>} : memref<336x128xf32, #tpu.memory_space<vmem>>, vector<16xf32>,
          %get3A_664 = arith.index_cast %scan3A_537 : i32 to index
          %get3A_665 = arith.constant 64 : index
          %get3A_666 = tpu.vector_load %arg11[%get3A_664, %get3A_665] {strides = array<i32>} : memref<192x128xf32, #tpu.memory_space<vmem>>, vector<16xf32>,
          %mul3A_667 = arith.mulf %exp3A_660, %get3A_666 : vector<16xf32>
          %add3A_668 = arith.addf %get3A_663, %mul3A_667 : vector<16xf32>
          %swap3A_669 = arith.index_cast %squeeze3A : i32 to index
          %swap3A_670 = arith.constant 64 : index
          %swap3A_671 = tpu.vector_load %arg8[%swap3A_669, %swap3A_670] {strides = array<i32>} : memref<336x128xf32, #tpu.memory_space<vmem>>, vector<16xf32>,
          tpu.vector_store %arg8[%swap3A_669, %swap3A_670], %add3A_668 {strides = array<i32>} : memref<336x128xf32, #tpu.memory_space<vmem>>, vector<16xf32>,
          %select_n3A_672 = arith.select %eq3A_16, %exp3A_660, %select_n3A_645 : vector<16xi1>, vector<16xf32>
          %get3A_673 = arith.index_cast %scan3A_537 : i32 to index
          %get3A_674 = arith.constant 80 : index
          %get3A_675 = tpu.vector_load %arg10[%get3A_673, %get3A_674] {strides = array<i32>} : memref<192x128xf32, #tpu.memory_space<vmem>>, vector<16xf32>,
          %get3A_676 = arith.index_cast %scan3A_537 : i32 to index
          %get3A_677 = arith.constant 80 : index
          %get3A_678 = tpu.vector_load %arg12[%get3A_676, %get3A_677] {strides = array<i32>} : memref<192x128xf32, #tpu.memory_space<vmem>>, vector<16xf32>,
          %mul3A_679 = arith.mulf %get3A_675, %get3A_678 : vector<16xf32>
          %reduce_sum3A_680 = arith.constant true
          %reduce_sum3A_681 = vector.broadcast %reduce_sum3A_680 : i1 to vector<16xi1>
          %reduce_sum3A_682 = tpu.scan <sum>, %mul3A_679 masked %reduce_sum3A_681 : vector<16xf32>, vector<16xi1> -> vector<16xf32>
          %reduce_sum3A_683 = vector.extract %reduce_sum3A_682[15] : f32 from vector<16xf32>
          %mul3A_684 = arith.constant 0.0883883461 : f32
          %mul3A_685 = arith.mulf %reduce_sum3A_683, %mul3A_684 : f32
          %broadcast_in_dim3A_686 = vector.broadcast %mul3A_685 : f32 to vector<16xf32>
          %exp3A_687 = math.exp %broadcast_in_dim3A_686 : vector<16xf32>
          %get3A_688 = arith.index_cast %squeeze3A : i32 to index
          %get3A_689 = arith.constant 80 : index
          %get3A_690 = tpu.vector_load %arg8[%get3A_688, %get3A_689] {strides = array<i32>} : memref<336x128xf32, #tpu.memory_space<vmem>>, vector<16xf32>,
          %get3A_691 = arith.index_cast %scan3A_537 : i32 to index
          %get3A_692 = arith.constant 80 : index
          %get3A_693 = tpu.vector_load %arg11[%get3A_691, %get3A_692] {strides = array<i32>} : memref<192x128xf32, #tpu.memory_space<vmem>>, vector<16xf32>,
          %mul3A_694 = arith.mulf %exp3A_687, %get3A_693 : vector<16xf32>
          %add3A_695 = arith.addf %get3A_690, %mul3A_694 : vector<16xf32>
          %swap3A_696 = arith.index_cast %squeeze3A : i32 to index
          %swap3A_697 = arith.constant 80 : index
          %swap3A_698 = tpu.vector_load %arg8[%swap3A_696, %swap3A_697] {strides = array<i32>} : memref<336x128xf32, #tpu.memory_space<vmem>>, vector<16xf32>,
          tpu.vector_store %arg8[%swap3A_696, %swap3A_697], %add3A_695 {strides = array<i32>} : memref<336x128xf32, #tpu.memory_space<vmem>>, vector<16xf32>,
          %select_n3A_699 = arith.select %eq3A_19, %exp3A_687, %select_n3A_672 : vector<16xi1>, vector<16xf32>
          %get3A_700 = arith.index_cast %scan3A_537 : i32 to index
          %get3A_701 = arith.constant 96 : index
          %get3A_702 = tpu.vector_load %arg10[%get3A_700, %get3A_701] {strides = array<i32>} : memref<192x128xf32, #tpu.memory_space<vmem>>, vector<16xf32>,
          %get3A_703 = arith.index_cast %scan3A_537 : i32 to index
          %get3A_704 = arith.constant 96 : index
          %get3A_705 = tpu.vector_load %arg12[%get3A_703, %get3A_704] {strides = array<i32>} : memref<192x128xf32, #tpu.memory_space<vmem>>, vector<16xf32>,
          %mul3A_706 = arith.mulf %get3A_702, %get3A_705 : vector<16xf32>
          %reduce_sum3A_707 = arith.constant true
          %reduce_sum3A_708 = vector.broadcast %reduce_sum3A_707 : i1 to vector<16xi1>
          %reduce_sum3A_709 = tpu.scan <sum>, %mul3A_706 masked %reduce_sum3A_708 : vector<16xf32>, vector<16xi1> -> vector<16xf32>
          %reduce_sum3A_710 = vector.extract %reduce_sum3A_709[15] : f32 from vector<16xf32>
          %mul3A_711 = arith.constant 0.0883883461 : f32
          %mul3A_712 = arith.mulf %reduce_sum3A_710, %mul3A_711 : f32
          %broadcast_in_dim3A_713 = vector.broadcast %mul3A_712 : f32 to vector<16xf32>
          %exp3A_714 = math.exp %broadcast_in_dim3A_713 : vector<16xf32>
          %get3A_715 = arith.index_cast %squeeze3A : i32 to index
          %get3A_716 = arith.constant 96 : index
          %get3A_717 = tpu.vector_load %arg8[%get3A_715, %get3A_716] {strides = array<i32>} : memref<336x128xf32, #tpu.memory_space<vmem>>, vector<16xf32>,
          %get3A_718 = arith.index_cast %scan3A_537 : i32 to index
          %get3A_719 = arith.constant 96 : index
          %get3A_720 = tpu.vector_load %arg11[%get3A_718, %get3A_719] {strides = array<i32>} : memref<192x128xf32, #tpu.memory_space<vmem>>, vector<16xf32>,
          %mul3A_721 = arith.mulf %exp3A_714, %get3A_720 : vector<16xf32>
          %add3A_722 = arith.addf %get3A_717, %mul3A_721 : vector<16xf32>
          %swap3A_723 = arith.index_cast %squeeze3A : i32 to index
          %swap3A_724 = arith.constant 96 : index
          %swap3A_725 = tpu.vector_load %arg8[%swap3A_723, %swap3A_724] {strides = array<i32>} : memref<336x128xf32, #tpu.memory_space<vmem>>, vector<16xf32>,
          tpu.vector_store %arg8[%swap3A_723, %swap3A_724], %add3A_722 {strides = array<i32>} : memref<336x128xf32, #tpu.memory_space<vmem>>, vector<16xf32>,
          %select_n3A_726 = arith.select %eq3A_22, %exp3A_714, %select_n3A_699 : vector<16xi1>, vector<16xf32>
          %get3A_727 = arith.index_cast %scan3A_537 : i32 to index
          %get3A_728 = arith.constant 112 : index
          %get3A_729 = tpu.vector_load %arg10[%get3A_727, %get3A_728] {strides = array<i32>} : memref<192x128xf32, #tpu.memory_space<vmem>>, vector<16xf32>,
          %get3A_730 = arith.index_cast %scan3A_537 : i32 to index
          %get3A_731 = arith.constant 112 : index
          %get3A_732 = tpu.vector_load %arg12[%get3A_730, %get3A_731] {strides = array<i32>} : memref<192x128xf32, #tpu.memory_space<vmem>>, vector<16xf32>,
          %mul3A_733 = arith.mulf %get3A_729, %get3A_732 : vector<16xf32>
          %reduce_sum3A_734 = arith.constant true
          %reduce_sum3A_735 = vector.broadcast %reduce_sum3A_734 : i1 to vector<16xi1>
          %reduce_sum3A_736 = tpu.scan <sum>, %mul3A_733 masked %reduce_sum3A_735 : vector<16xf32>, vector<16xi1> -> vector<16xf32>
          %reduce_sum3A_737 = vector.extract %reduce_sum3A_736[15] : f32 from vector<16xf32>
          %mul3A_738 = arith.constant 0.0883883461 : f32
          %mul3A_739 = arith.mulf %reduce_sum3A_737, %mul3A_738 : f32
          %broadcast_in_dim3A_740 = vector.broadcast %mul3A_739 : f32 to vector<16xf32>
          %exp3A_741 = math.exp %broadcast_in_dim3A_740 : vector<16xf32>
          %get3A_742 = arith.index_cast %squeeze3A : i32 to index
          %get3A_743 = arith.constant 112 : index
          %get3A_744 = tpu.vector_load %arg8[%get3A_742, %get3A_743] {strides = array<i32>} : memref<336x128xf32, #tpu.memory_space<vmem>>, vector<16xf32>,
          %get3A_745 = arith.index_cast %scan3A_537 : i32 to index
          %get3A_746 = arith.constant 112 : index
          %get3A_747 = tpu.vector_load %arg11[%get3A_745, %get3A_746] {strides = array<i32>} : memref<192x128xf32, #tpu.memory_space<vmem>>, vector<16xf32>,
          %mul3A_748 = arith.mulf %exp3A_741, %get3A_747 : vector<16xf32>
          %add3A_749 = arith.addf %get3A_744, %mul3A_748 : vector<16xf32>
          %swap3A_750 = arith.index_cast %squeeze3A : i32 to index
          %swap3A_751 = arith.constant 112 : index
          %swap3A_752 = tpu.vector_load %arg8[%swap3A_750, %swap3A_751] {strides = array<i32>} : memref<336x128xf32, #tpu.memory_space<vmem>>, vector<16xf32>,
          tpu.vector_store %arg8[%swap3A_750, %swap3A_751], %add3A_749 {strides = array<i32>} : memref<336x128xf32, #tpu.memory_space<vmem>>, vector<16xf32>,
          %select_n3A_753 = arith.select %eq3A_25, %exp3A_741, %select_n3A_726 : vector<16xi1>, vector<16xf32>
          %mul3A_754 = arith.constant 16 : i32
          %mul3A_755 = arith.muli %squeeze3A, %mul3A_754 : i32
          %get3A_756 = arith.index_cast %mul3A_755 : i32 to index
          %get3A_757 = tpu.vector_load %arg9[%get3A_756] {strides = array<i32>} : memref<5376xf32, #tpu.memory_space<vmem>>, vector<16xf32>,
          %add3A_758 = arith.addf %get3A_757, %select_n3A_753 : vector<16xf32>
          %swap3A_759 = arith.index_cast %mul3A_755 : i32 to index
          %swap3A_760 = tpu.vector_load %arg9[%swap3A_759] {strides = array<i32>} : memref<5376xf32, #tpu.memory_space<vmem>>, vector<16xf32>,
          tpu.vector_store %arg9[%swap3A_759], %add3A_758 {strides = array<i32>} : memref<5376xf32, #tpu.memory_space<vmem>>, vector<16xf32>,
        }
        %scan3A_522 = arith.constant 192 : i32
        %get3A_523 = arith.constant 192 : index
        %get3A_524 = tpu.vector_load %arg14[%get3A_523] {strides = array<i32>} : memref<400xi32, #tpu.memory_space<vmem>>, vector<16xi32>,
        %swap3A_525 = arith.constant 0 : index
        %swap3A_526 = tpu.vector_load %arg14[%swap3A_525] {strides = array<i32>} : memref<400xi32, #tpu.memory_space<vmem>>, vector<16xi32>,
        tpu.vector_store %arg14[%swap3A_525], %get3A_524 {strides = array<i32>} : memref<400xi32, #tpu.memory_space<vmem>>, vector<16xi32>,
        %get3A_527 = arith.constant 192 : index
        %get3A_528 = tpu.vector_load %arg15[%get3A_527] {strides = array<i32>} : memref<400xi32, #tpu.memory_space<vmem>>, vector<16xi32>,
        %swap3A_529 = arith.constant 0 : index
        %swap3A_530 = tpu.vector_load %arg15[%swap3A_529] {strides = array<i32>} : memref<400xi32, #tpu.memory_space<vmem>>, vector<16xi32>,
        tpu.vector_store %arg15[%swap3A_529], %get3A_528 {strides = array<i32>} : memref<400xi32, #tpu.memory_space<vmem>>, vector<16xi32>,
        %get3A_531 = arith.constant 192 : index
        %get3A_532 = tpu.vector_load %arg16[%get3A_531] {strides = array<i32>} : memref<400xi32, #tpu.memory_space<vmem>>, vector<16xi32>,
        %swap3A_533 = arith.constant 0 : index
        %swap3A_534 = tpu.vector_load %arg16[%swap3A_533] {strides = array<i32>} : memref<400xi32, #tpu.memory_space<vmem>>, vector<16xi32>,
        tpu.vector_store %arg16[%swap3A_533], %get3A_532 {strides = array<i32>} : memref<400xi32, #tpu.memory_space<vmem>>, vector<16xi32>,
        %sub3A_535 = arith.constant 192 : i32
        %sub3A_536 = arith.subi %add3A_348, %sub3A_535 : i32
        scf.yield %sub3A_536 : i32
      } else {
        scf.yield %add3A_348 : i32
      }
      %scan3A_354 = arith.constant 125 : i32
      scf.yield %cond3A_353 : i32
    }
    %scan3A_44 = arith.constant 160 : i32
    %broadcast_in_dim3A_45 = vector.broadcast %mul3A_2 : i32 to vector<16xi32>
    %broadcast_in_dim3A_46 = arith.constant 320 : i32
    %broadcast_in_dim3A_47 = vector.broadcast %broadcast_in_dim3A_46 : i32 to vector<16xi32>
    %broadcast_in_dim3A_48 = arith.constant 0 : i32
    %broadcast_in_dim3A_49 = vector.broadcast %broadcast_in_dim3A_48 : i32 to vector<16xi32>
    %add3A_50 = arith.constant 0 : i32
    %add3A_51 = arith.addi %scan3A_43, %add3A_50 : i32
    %swap3A = arith.index_cast %add3A_51 : i32 to index
    %swap3A_52 = tpu.vector_load %arg14[%swap3A] {strides = array<i32>} : memref<400xi32, #tpu.memory_space<vmem>>, vector<16xi32>,
    tpu.vector_store %arg14[%swap3A], %broadcast_in_dim3A_49 {strides = array<i32>} : memref<400xi32, #tpu.memory_space<vmem>>, vector<16xi32>,
    %swap3A_53 = arith.index_cast %add3A_51 : i32 to index
    %swap3A_54 = tpu.vector_load %arg15[%swap3A_53] {strides = array<i32>} : memref<400xi32, #tpu.memory_space<vmem>>, vector<16xi32>,
    tpu.vector_store %arg15[%swap3A_53], %broadcast_in_dim3A_45 {strides = array<i32>} : memref<400xi32, #tpu.memory_space<vmem>>, vector<16xi32>,
    %swap3A_55 = arith.index_cast %add3A_51 : i32 to index
    %swap3A_56 = tpu.vector_load %arg16[%swap3A_55] {strides = array<i32>} : memref<400xi32, #tpu.memory_space<vmem>>, vector<16xi32>,
    tpu.vector_store %arg16[%swap3A_55], %broadcast_in_dim3A_47 {strides = array<i32>} : memref<400xi32, #tpu.memory_space<vmem>>, vector<16xi32>,
    %add3A_57 = arith.constant 16 : i32
    %add3A_58 = arith.addi %scan3A_43, %add3A_57 : i32
    %swap3A_59 = arith.index_cast %add3A_58 : i32 to index
    %swap3A_60 = tpu.vector_load %arg14[%swap3A_59] {strides = array<i32>} : memref<400xi32, #tpu.memory_space<vmem>>, vector<16xi32>,
    tpu.vector_store %arg14[%swap3A_59], %broadcast_in_dim3A_49 {strides = array<i32>} : memref<400xi32, #tpu.memory_space<vmem>>, vector<16xi32>,
    %swap3A_61 = arith.index_cast %add3A_58 : i32 to index
    %swap3A_62 = tpu.vector_load %arg15[%swap3A_61] {strides = array<i32>} : memref<400xi32, #tpu.memory_space<vmem>>, vector<16xi32>,
    tpu.vector_store %arg15[%swap3A_61], %broadcast_in_dim3A_45 {strides = array<i32>} : memref<400xi32, #tpu.memory_space<vmem>>, vector<16xi32>,
    %swap3A_63 = arith.index_cast %add3A_58 : i32 to index
    %swap3A_64 = tpu.vector_load %arg16[%swap3A_63] {strides = array<i32>} : memref<400xi32, #tpu.memory_space<vmem>>, vector<16xi32>,
    tpu.vector_store %arg16[%swap3A_63], %broadcast_in_dim3A_47 {strides = array<i32>} : memref<400xi32, #tpu.memory_space<vmem>>, vector<16xi32>,
    %add3A_65 = arith.constant 32 : i32
    %add3A_66 = arith.addi %scan3A_43, %add3A_65 : i32
    %swap3A_67 = arith.index_cast %add3A_66 : i32 to index
    %swap3A_68 = tpu.vector_load %arg14[%swap3A_67] {strides = array<i32>} : memref<400xi32, #tpu.memory_space<vmem>>, vector<16xi32>,
    tpu.vector_store %arg14[%swap3A_67], %broadcast_in_dim3A_49 {strides = array<i32>} : memref<400xi32, #tpu.memory_space<vmem>>, vector<16xi32>,
    %swap3A_69 = arith.index_cast %add3A_66 : i32 to index
    %swap3A_70 = tpu.vector_load %arg15[%swap3A_69] {strides = array<i32>} : memref<400xi32, #tpu.memory_space<vmem>>, vector<16xi32>,
    tpu.vector_store %arg15[%swap3A_69], %broadcast_in_dim3A_45 {strides = array<i32>} : memref<400xi32, #tpu.memory_space<vmem>>, vector<16xi32>,
    %swap3A_71 = arith.index_cast %add3A_66 : i32 to index
    %swap3A_72 = tpu.vector_load %arg16[%swap3A_71] {strides = array<i32>} : memref<400xi32, #tpu.memory_space<vmem>>, vector<16xi32>,
    tpu.vector_store %arg16[%swap3A_71], %broadcast_in_dim3A_47 {strides = array<i32>} : memref<400xi32, #tpu.memory_space<vmem>>, vector<16xi32>,
    %add3A_73 = arith.constant 48 : i32
    %add3A_74 = arith.addi %scan3A_43, %add3A_73 : i32
    %swap3A_75 = arith.index_cast %add3A_74 : i32 to index
    %swap3A_76 = tpu.vector_load %arg14[%swap3A_75] {strides = array<i32>} : memref<400xi32, #tpu.memory_space<vmem>>, vector<16xi32>,
    tpu.vector_store %arg14[%swap3A_75], %broadcast_in_dim3A_49 {strides = array<i32>} : memref<400xi32, #tpu.memory_space<vmem>>, vector<16xi32>,
    %swap3A_77 = arith.index_cast %add3A_74 : i32 to index
    %swap3A_78 = tpu.vector_load %arg15[%swap3A_77] {strides = array<i32>} : memref<400xi32, #tpu.memory_space<vmem>>, vector<16xi32>,
    tpu.vector_store %arg15[%swap3A_77], %broadcast_in_dim3A_45 {strides = array<i32>} : memref<400xi32, #tpu.memory_space<vmem>>, vector<16xi32>,
    %swap3A_79 = arith.index_cast %add3A_74 : i32 to index
    %swap3A_80 = tpu.vector_load %arg16[%swap3A_79] {strides = array<i32>} : memref<400xi32, #tpu.memory_space<vmem>>, vector<16xi32>,
    tpu.vector_store %arg16[%swap3A_79], %broadcast_in_dim3A_47 {strides = array<i32>} : memref<400xi32, #tpu.memory_space<vmem>>, vector<16xi32>,
    %add3A_81 = arith.constant 64 : i32
    %add3A_82 = arith.addi %scan3A_43, %add3A_81 : i32
    %swap3A_83 = arith.index_cast %add3A_82 : i32 to index
    %swap3A_84 = tpu.vector_load %arg14[%swap3A_83] {strides = array<i32>} : memref<400xi32, #tpu.memory_space<vmem>>, vector<16xi32>,
    tpu.vector_store %arg14[%swap3A_83], %broadcast_in_dim3A_49 {strides = array<i32>} : memref<400xi32, #tpu.memory_space<vmem>>, vector<16xi32>,
    %swap3A_85 = arith.index_cast %add3A_82 : i32 to index
    %swap3A_86 = tpu.vector_load %arg15[%swap3A_85] {strides = array<i32>} : memref<400xi32, #tpu.memory_space<vmem>>, vector<16xi32>,
    tpu.vector_store %arg15[%swap3A_85], %broadcast_in_dim3A_45 {strides = array<i32>} : memref<400xi32, #tpu.memory_space<vmem>>, vector<16xi32>,
    %swap3A_87 = arith.index_cast %add3A_82 : i32 to index
    %swap3A_88 = tpu.vector_load %arg16[%swap3A_87] {strides = array<i32>} : memref<400xi32, #tpu.memory_space<vmem>>, vector<16xi32>,
    tpu.vector_store %arg16[%swap3A_87], %broadcast_in_dim3A_47 {strides = array<i32>} : memref<400xi32, #tpu.memory_space<vmem>>, vector<16xi32>,
    %add3A_89 = arith.constant 80 : i32
    %add3A_90 = arith.addi %scan3A_43, %add3A_89 : i32
    %swap3A_91 = arith.index_cast %add3A_90 : i32 to index
    %swap3A_92 = tpu.vector_load %arg14[%swap3A_91] {strides = array<i32>} : memref<400xi32, #tpu.memory_space<vmem>>, vector<16xi32>,
    tpu.vector_store %arg14[%swap3A_91], %broadcast_in_dim3A_49 {strides = array<i32>} : memref<400xi32, #tpu.memory_space<vmem>>, vector<16xi32>,
    %swap3A_93 = arith.index_cast %add3A_90 : i32 to index
    %swap3A_94 = tpu.vector_load %arg15[%swap3A_93] {strides = array<i32>} : memref<400xi32, #tpu.memory_space<vmem>>, vector<16xi32>,
    tpu.vector_store %arg15[%swap3A_93], %broadcast_in_dim3A_45 {strides = array<i32>} : memref<400xi32, #tpu.memory_space<vmem>>, vector<16xi32>,
    %swap3A_95 = arith.index_cast %add3A_90 : i32 to index
    %swap3A_96 = tpu.vector_load %arg16[%swap3A_95] {strides = array<i32>} : memref<400xi32, #tpu.memory_space<vmem>>, vector<16xi32>,
    tpu.vector_store %arg16[%swap3A_95], %broadcast_in_dim3A_47 {strides = array<i32>} : memref<400xi32, #tpu.memory_space<vmem>>, vector<16xi32>,
    %add3A_97 = arith.constant 96 : i32
    %add3A_98 = arith.addi %scan3A_43, %add3A_97 : i32
    %swap3A_99 = arith.index_cast %add3A_98 : i32 to index
    %swap3A_100 = tpu.vector_load %arg14[%swap3A_99] {strides = array<i32>} : memref<400xi32, #tpu.memory_space<vmem>>, vector<16xi32>,
    tpu.vector_store %arg14[%swap3A_99], %broadcast_in_dim3A_49 {strides = array<i32>} : memref<400xi32, #tpu.memory_space<vmem>>, vector<16xi32>,
    %swap3A_101 = arith.index_cast %add3A_98 : i32 to index
    %swap3A_102 = tpu.vector_load %arg15[%swap3A_101] {strides = array<i32>} : memref<400xi32, #tpu.memory_space<vmem>>, vector<16xi32>,
    tpu.vector_store %arg15[%swap3A_101], %broadcast_in_dim3A_45 {strides = array<i32>} : memref<400xi32, #tpu.memory_space<vmem>>, vector<16xi32>,
    %swap3A_103 = arith.index_cast %add3A_98 : i32 to index
    %swap3A_104 = tpu.vector_load %arg16[%swap3A_103] {strides = array<i32>} : memref<400xi32, #tpu.memory_space<vmem>>, vector<16xi32>,
    tpu.vector_store %arg16[%swap3A_103], %broadcast_in_dim3A_47 {strides = array<i32>} : memref<400xi32, #tpu.memory_space<vmem>>, vector<16xi32>,
    %add3A_105 = arith.constant 112 : i32
    %add3A_106 = arith.addi %scan3A_43, %add3A_105 : i32
    %swap3A_107 = arith.index_cast %add3A_106 : i32 to index
    %swap3A_108 = tpu.vector_load %arg14[%swap3A_107] {strides = array<i32>} : memref<400xi32, #tpu.memory_space<vmem>>, vector<16xi32>,
    tpu.vector_store %arg14[%swap3A_107], %broadcast_in_dim3A_49 {strides = array<i32>} : memref<400xi32, #tpu.memory_space<vmem>>, vector<16xi32>,
    %swap3A_109 = arith.index_cast %add3A_106 : i32 to index
    %swap3A_110 = tpu.vector_load %arg15[%swap3A_109] {strides = array<i32>} : memref<400xi32, #tpu.memory_space<vmem>>, vector<16xi32>,
    tpu.vector_store %arg15[%swap3A_109], %broadcast_in_dim3A_45 {strides = array<i32>} : memref<400xi32, #tpu.memory_space<vmem>>, vector<16xi32>,
    %swap3A_111 = arith.index_cast %add3A_106 : i32 to index
    %swap3A_112 = tpu.vector_load %arg16[%swap3A_111] {strides = array<i32>} : memref<400xi32, #tpu.memory_space<vmem>>, vector<16xi32>,
    tpu.vector_store %arg16[%swap3A_111], %broadcast_in_dim3A_47 {strides = array<i32>} : memref<400xi32, #tpu.memory_space<vmem>>, vector<16xi32>,
    %add3A_113 = arith.constant 128 : i32
    %add3A_114 = arith.addi %scan3A_43, %add3A_113 : i32
    %swap3A_115 = arith.index_cast %add3A_114 : i32 to index
    %swap3A_116 = tpu.vector_load %arg14[%swap3A_115] {strides = array<i32>} : memref<400xi32, #tpu.memory_space<vmem>>, vector<16xi32>,
    tpu.vector_store %arg14[%swap3A_115], %broadcast_in_dim3A_49 {strides = array<i32>} : memref<400xi32, #tpu.memory_space<vmem>>, vector<16xi32>,
    %swap3A_117 = arith.index_cast %add3A_114 : i32 to index
    %swap3A_118 = tpu.vector_load %arg15[%swap3A_117] {strides = array<i32>} : memref<400xi32, #tpu.memory_space<vmem>>, vector<16xi32>,
    tpu.vector_store %arg15[%swap3A_117], %broadcast_in_dim3A_45 {strides = array<i32>} : memref<400xi32, #tpu.memory_space<vmem>>, vector<16xi32>,
    %swap3A_119 = arith.index_cast %add3A_114 : i32 to index
    %swap3A_120 = tpu.vector_load %arg16[%swap3A_119] {strides = array<i32>} : memref<400xi32, #tpu.memory_space<vmem>>, vector<16xi32>,
    tpu.vector_store %arg16[%swap3A_119], %broadcast_in_dim3A_47 {strides = array<i32>} : memref<400xi32, #tpu.memory_space<vmem>>, vector<16xi32>,
    %add3A_121 = arith.constant 144 : i32
    %add3A_122 = arith.addi %scan3A_43, %add3A_121 : i32
    %swap3A_123 = arith.index_cast %add3A_122 : i32 to index
    %swap3A_124 = tpu.vector_load %arg14[%swap3A_123] {strides = array<i32>} : memref<400xi32, #tpu.memory_space<vmem>>, vector<16xi32>,
    tpu.vector_store %arg14[%swap3A_123], %broadcast_in_dim3A_49 {strides = array<i32>} : memref<400xi32, #tpu.memory_space<vmem>>, vector<16xi32>,
    %swap3A_125 = arith.index_cast %add3A_122 : i32 to index
    %swap3A_126 = tpu.vector_load %arg15[%swap3A_125] {strides = array<i32>} : memref<400xi32, #tpu.memory_space<vmem>>, vector<16xi32>,
    tpu.vector_store %arg15[%swap3A_125], %broadcast_in_dim3A_45 {strides = array<i32>} : memref<400xi32, #tpu.memory_space<vmem>>, vector<16xi32>,
    %swap3A_127 = arith.index_cast %add3A_122 : i32 to index
    %swap3A_128 = tpu.vector_load %arg16[%swap3A_127] {strides = array<i32>} : memref<400xi32, #tpu.memory_space<vmem>>, vector<16xi32>,
    tpu.vector_store %arg16[%swap3A_127], %broadcast_in_dim3A_47 {strides = array<i32>} : memref<400xi32, #tpu.memory_space<vmem>>, vector<16xi32>,
    %add3A_129 = arith.constant 160 : i32
    %add3A_130 = arith.addi %scan3A_43, %add3A_129 : i32
    %swap3A_131 = arith.index_cast %add3A_130 : i32 to index
    %swap3A_132 = tpu.vector_load %arg14[%swap3A_131] {strides = array<i32>} : memref<400xi32, #tpu.memory_space<vmem>>, vector<16xi32>,
    tpu.vector_store %arg14[%swap3A_131], %broadcast_in_dim3A_49 {strides = array<i32>} : memref<400xi32, #tpu.memory_space<vmem>>, vector<16xi32>,
    %swap3A_133 = arith.index_cast %add3A_130 : i32 to index
    %swap3A_134 = tpu.vector_load %arg15[%swap3A_133] {strides = array<i32>} : memref<400xi32, #tpu.memory_space<vmem>>, vector<16xi32>,
    tpu.vector_store %arg15[%swap3A_133], %broadcast_in_dim3A_45 {strides = array<i32>} : memref<400xi32, #tpu.memory_space<vmem>>, vector<16xi32>,
    %swap3A_135 = arith.index_cast %add3A_130 : i32 to index
    %swap3A_136 = tpu.vector_load %arg16[%swap3A_135] {strides = array<i32>} : memref<400xi32, #tpu.memory_space<vmem>>, vector<16xi32>,
    tpu.vector_store %arg16[%swap3A_135], %broadcast_in_dim3A_47 {strides = array<i32>} : memref<400xi32, #tpu.memory_space<vmem>>, vector<16xi32>,
    %add3A_137 = arith.constant 176 : i32
    %add3A_138 = arith.addi %scan3A_43, %add3A_137 : i32
    %swap3A_139 = arith.index_cast %add3A_138 : i32 to index
    %swap3A_140 = tpu.vector_load %arg14[%swap3A_139] {strides = array<i32>} : memref<400xi32, #tpu.memory_space<vmem>>, vector<16xi32>,
    tpu.vector_store %arg14[%swap3A_139], %broadcast_in_dim3A_49 {strides = array<i32>} : memref<400xi32, #tpu.memory_space<vmem>>, vector<16xi32>,
    %swap3A_141 = arith.index_cast %add3A_138 : i32 to index
    %swap3A_142 = tpu.vector_load %arg15[%swap3A_141] {strides = array<i32>} : memref<400xi32, #tpu.memory_space<vmem>>, vector<16xi32>,
    tpu.vector_store %arg15[%swap3A_141], %broadcast_in_dim3A_45 {strides = array<i32>} : memref<400xi32, #tpu.memory_space<vmem>>, vector<16xi32>,
    %swap3A_143 = arith.index_cast %add3A_138 : i32 to index
    %swap3A_144 = tpu.vector_load %arg16[%swap3A_143] {strides = array<i32>} : memref<400xi32, #tpu.memory_space<vmem>>, vector<16xi32>,
    tpu.vector_store %arg16[%swap3A_143], %broadcast_in_dim3A_47 {strides = array<i32>} : memref<400xi32, #tpu.memory_space<vmem>>, vector<16xi32>,
    %get3A = arith.constant 0 : index
    %get3A_145 = tpu.vector_load %arg14[%get3A] {strides = array<i32>} : memref<400xi32, #tpu.memory_space<vmem>>, vector<16xi32>,
    %swap3A_146 = arith.constant 0 : index
    %swap3A_147 = tpu.vector_load %arg17[%swap3A_146] {strides = array<i32>} : memref<192xi32, #tpu.memory_space<vmem>>, vector<16xi32>,
    tpu.vector_store %arg17[%swap3A_146], %get3A_145 {strides = array<i32>} : memref<192xi32, #tpu.memory_space<vmem>>, vector<16xi32>,
    %get3A_148 = arith.constant 0 : index
    %get3A_149 = tpu.vector_load %arg15[%get3A_148] {strides = array<i32>} : memref<400xi32, #tpu.memory_space<vmem>>, vector<16xi32>,
    %swap3A_150 = arith.constant 0 : index
    %swap3A_151 = tpu.vector_load %arg18[%swap3A_150] {strides = array<i32>} : memref<192xi32, #tpu.memory_space<vmem>>, vector<16xi32>,
    tpu.vector_store %arg18[%swap3A_150], %get3A_149 {strides = array<i32>} : memref<192xi32, #tpu.memory_space<vmem>>, vector<16xi32>,
    %get3A_152 = arith.constant 0 : index
    %get3A_153 = tpu.vector_load %arg16[%get3A_152] {strides = array<i32>} : memref<400xi32, #tpu.memory_space<vmem>>, vector<16xi32>,
    %swap3A_154 = arith.constant 0 : index
    %swap3A_155 = tpu.vector_load %arg19[%swap3A_154] {strides = array<i32>} : memref<208xi32, #tpu.memory_space<vmem>>, vector<16xi32>,
    tpu.vector_store %arg19[%swap3A_154], %get3A_153 {strides = array<i32>} : memref<208xi32, #tpu.memory_space<vmem>>, vector<16xi32>,
    %get3A_156 = arith.constant 16 : index
    %get3A_157 = tpu.vector_load %arg14[%get3A_156] {strides = array<i32>} : memref<400xi32, #tpu.memory_space<vmem>>, vector<16xi32>,
    %swap3A_158 = arith.constant 16 : index
    %swap3A_159 = tpu.vector_load %arg17[%swap3A_158] {strides = array<i32>} : memref<192xi32, #tpu.memory_space<vmem>>, vector<16xi32>,
    tpu.vector_store %arg17[%swap3A_158], %get3A_157 {strides = array<i32>} : memref<192xi32, #tpu.memory_space<vmem>>, vector<16xi32>,
    %get3A_160 = arith.constant 16 : index
    %get3A_161 = tpu.vector_load %arg15[%get3A_160] {strides = array<i32>} : memref<400xi32, #tpu.memory_space<vmem>>, vector<16xi32>,
    %swap3A_162 = arith.constant 16 : index
    %swap3A_163 = tpu.vector_load %arg18[%swap3A_162] {strides = array<i32>} : memref<192xi32, #tpu.memory_space<vmem>>, vector<16xi32>,
    tpu.vector_store %arg18[%swap3A_162], %get3A_161 {strides = array<i32>} : memref<192xi32, #tpu.memory_space<vmem>>, vector<16xi32>,
    %get3A_164 = arith.constant 16 : index
    %get3A_165 = tpu.vector_load %arg16[%get3A_164] {strides = array<i32>} : memref<400xi32, #tpu.memory_space<vmem>>, vector<16xi32>,
    %swap3A_166 = arith.constant 16 : index
    %swap3A_167 = tpu.vector_load %arg19[%swap3A_166] {strides = array<i32>} : memref<208xi32, #tpu.memory_space<vmem>>, vector<16xi32>,
    tpu.vector_store %arg19[%swap3A_166], %get3A_165 {strides = array<i32>} : memref<208xi32, #tpu.memory_space<vmem>>, vector<16xi32>,
    %get3A_168 = arith.constant 32 : index
    %get3A_169 = tpu.vector_load %arg14[%get3A_168] {strides = array<i32>} : memref<400xi32, #tpu.memory_space<vmem>>, vector<16xi32>,
    %swap3A_170 = arith.constant 32 : index
    %swap3A_171 = tpu.vector_load %arg17[%swap3A_170] {strides = array<i32>} : memref<192xi32, #tpu.memory_space<vmem>>, vector<16xi32>,
    tpu.vector_store %arg17[%swap3A_170], %get3A_169 {strides = array<i32>} : memref<192xi32, #tpu.memory_space<vmem>>, vector<16xi32>,
    %get3A_172 = arith.constant 32 : index
    %get3A_173 = tpu.vector_load %arg15[%get3A_172] {strides = array<i32>} : memref<400xi32, #tpu.memory_space<vmem>>, vector<16xi32>,
    %swap3A_174 = arith.constant 32 : index
    %swap3A_175 = tpu.vector_load %arg18[%swap3A_174] {strides = array<i32>} : memref<192xi32, #tpu.memory_space<vmem>>, vector<16xi32>,
    tpu.vector_store %arg18[%swap3A_174], %get3A_173 {strides = array<i32>} : memref<192xi32, #tpu.memory_space<vmem>>, vector<16xi32>,
    %get3A_176 = arith.constant 32 : index
    %get3A_177 = tpu.vector_load %arg16[%get3A_176] {strides = array<i32>} : memref<400xi32, #tpu.memory_space<vmem>>, vector<16xi32>,
    %swap3A_178 = arith.constant 32 : index
    %swap3A_179 = tpu.vector_load %arg19[%swap3A_178] {strides = array<i32>} : memref<208xi32, #tpu.memory_space<vmem>>, vector<16xi32>,
    tpu.vector_store %arg19[%swap3A_178], %get3A_177 {strides = array<i32>} : memref<208xi32, #tpu.memory_space<vmem>>, vector<16xi32>,
    %get3A_180 = arith.constant 48 : index
    %get3A_181 = tpu.vector_load %arg14[%get3A_180] {strides = array<i32>} : memref<400xi32, #tpu.memory_space<vmem>>, vector<16xi32>,
    %swap3A_182 = arith.constant 48 : index
    %swap3A_183 = tpu.vector_load %arg17[%swap3A_182] {strides = array<i32>} : memref<192xi32, #tpu.memory_space<vmem>>, vector<16xi32>,
    tpu.vector_store %arg17[%swap3A_182], %get3A_181 {strides = array<i32>} : memref<192xi32, #tpu.memory_space<vmem>>, vector<16xi32>,
    %get3A_184 = arith.constant 48 : index
    %get3A_185 = tpu.vector_load %arg15[%get3A_184] {strides = array<i32>} : memref<400xi32, #tpu.memory_space<vmem>>, vector<16xi32>,
    %swap3A_186 = arith.constant 48 : index
    %swap3A_187 = tpu.vector_load %arg18[%swap3A_186] {strides = array<i32>} : memref<192xi32, #tpu.memory_space<vmem>>, vector<16xi32>,
    tpu.vector_store %arg18[%swap3A_186], %get3A_185 {strides = array<i32>} : memref<192xi32, #tpu.memory_space<vmem>>, vector<16xi32>,
    %get3A_188 = arith.constant 48 : index
    %get3A_189 = tpu.vector_load %arg16[%get3A_188] {strides = array<i32>} : memref<400xi32, #tpu.memory_space<vmem>>, vector<16xi32>,
    %swap3A_190 = arith.constant 48 : index
    %swap3A_191 = tpu.vector_load %arg19[%swap3A_190] {strides = array<i32>} : memref<208xi32, #tpu.memory_space<vmem>>, vector<16xi32>,
    tpu.vector_store %arg19[%swap3A_190], %get3A_189 {strides = array<i32>} : memref<208xi32, #tpu.memory_space<vmem>>, vector<16xi32>,
    %get3A_192 = arith.constant 64 : index
    %get3A_193 = tpu.vector_load %arg14[%get3A_192] {strides = array<i32>} : memref<400xi32, #tpu.memory_space<vmem>>, vector<16xi32>,
    %swap3A_194 = arith.constant 64 : index
    %swap3A_195 = tpu.vector_load %arg17[%swap3A_194] {strides = array<i32>} : memref<192xi32, #tpu.memory_space<vmem>>, vector<16xi32>,
    tpu.vector_store %arg17[%swap3A_194], %get3A_193 {strides = array<i32>} : memref<192xi32, #tpu.memory_space<vmem>>, vector<16xi32>,
    %get3A_196 = arith.constant 64 : index
    %get3A_197 = tpu.vector_load %arg15[%get3A_196] {strides = array<i32>} : memref<400xi32, #tpu.memory_space<vmem>>, vector<16xi32>,
    %swap3A_198 = arith.constant 64 : index
    %swap3A_199 = tpu.vector_load %arg18[%swap3A_198] {strides = array<i32>} : memref<192xi32, #tpu.memory_space<vmem>>, vector<16xi32>,
    tpu.vector_store %arg18[%swap3A_198], %get3A_197 {strides = array<i32>} : memref<192xi32, #tpu.memory_space<vmem>>, vector<16xi32>,
    %get3A_200 = arith.constant 64 : index
    %get3A_201 = tpu.vector_load %arg16[%get3A_200] {strides = array<i32>} : memref<400xi32, #tpu.memory_space<vmem>>, vector<16xi32>,
    %swap3A_202 = arith.constant 64 : index
    %swap3A_203 = tpu.vector_load %arg19[%swap3A_202] {strides = array<i32>} : memref<208xi32, #tpu.memory_space<vmem>>, vector<16xi32>,
    tpu.vector_store %arg19[%swap3A_202], %get3A_201 {strides = array<i32>} : memref<208xi32, #tpu.memory_space<vmem>>, vector<16xi32>,
    %get3A_204 = arith.constant 80 : index
    %get3A_205 = tpu.vector_load %arg14[%get3A_204] {strides = array<i32>} : memref<400xi32, #tpu.memory_space<vmem>>, vector<16xi32>,
    %swap3A_206 = arith.constant 80 : index
    %swap3A_207 = tpu.vector_load %arg17[%swap3A_206] {strides = array<i32>} : memref<192xi32, #tpu.memory_space<vmem>>, vector<16xi32>,
    tpu.vector_store %arg17[%swap3A_206], %get3A_205 {strides = array<i32>} : memref<192xi32, #tpu.memory_space<vmem>>, vector<16xi32>,
    %get3A_208 = arith.constant 80 : index
    %get3A_209 = tpu.vector_load %arg15[%get3A_208] {strides = array<i32>} : memref<400xi32, #tpu.memory_space<vmem>>, vector<16xi32>,
    %swap3A_210 = arith.constant 80 : index
    %swap3A_211 = tpu.vector_load %arg18[%swap3A_210] {strides = array<i32>} : memref<192xi32, #tpu.memory_space<vmem>>, vector<16xi32>,
    tpu.vector_store %arg18[%swap3A_210], %get3A_209 {strides = array<i32>} : memref<192xi32, #tpu.memory_space<vmem>>, vector<16xi32>,
    %get3A_212 = arith.constant 80 : index
    %get3A_213 = tpu.vector_load %arg16[%get3A_212] {strides = array<i32>} : memref<400xi32, #tpu.memory_space<vmem>>, vector<16xi32>,
    %swap3A_214 = arith.constant 80 : index
    %swap3A_215 = tpu.vector_load %arg19[%swap3A_214] {strides = array<i32>} : memref<208xi32, #tpu.memory_space<vmem>>, vector<16xi32>,
    tpu.vector_store %arg19[%swap3A_214], %get3A_213 {strides = array<i32>} : memref<208xi32, #tpu.memory_space<vmem>>, vector<16xi32>,
    %get3A_216 = arith.constant 96 : index
    %get3A_217 = tpu.vector_load %arg14[%get3A_216] {strides = array<i32>} : memref<400xi32, #tpu.memory_space<vmem>>, vector<16xi32>,
    %swap3A_218 = arith.constant 96 : index
    %swap3A_219 = tpu.vector_load %arg17[%swap3A_218] {strides = array<i32>} : memref<192xi32, #tpu.memory_space<vmem>>, vector<16xi32>,
    tpu.vector_store %arg17[%swap3A_218], %get3A_217 {strides = array<i32>} : memref<192xi32, #tpu.memory_space<vmem>>, vector<16xi32>,
    %get3A_220 = arith.constant 96 : index
    %get3A_221 = tpu.vector_load %arg15[%get3A_220] {strides = array<i32>} : memref<400xi32, #tpu.memory_space<vmem>>, vector<16xi32>,
    %swap3A_222 = arith.constant 96 : index
    %swap3A_223 = tpu.vector_load %arg18[%swap3A_222] {strides = array<i32>} : memref<192xi32, #tpu.memory_space<vmem>>, vector<16xi32>,
    tpu.vector_store %arg18[%swap3A_222], %get3A_221 {strides = array<i32>} : memref<192xi32, #tpu.memory_space<vmem>>, vector<16xi32>,
    %get3A_224 = arith.constant 96 : index
    %get3A_225 = tpu.vector_load %arg16[%get3A_224] {strides = array<i32>} : memref<400xi32, #tpu.memory_space<vmem>>, vector<16xi32>,
    %swap3A_226 = arith.constant 96 : index
    %swap3A_227 = tpu.vector_load %arg19[%swap3A_226] {strides = array<i32>} : memref<208xi32, #tpu.memory_space<vmem>>, vector<16xi32>,
    tpu.vector_store %arg19[%swap3A_226], %get3A_225 {strides = array<i32>} : memref<208xi32, #tpu.memory_space<vmem>>, vector<16xi32>,
    %get3A_228 = arith.constant 112 : index
    %get3A_229 = tpu.vector_load %arg14[%get3A_228] {strides = array<i32>} : memref<400xi32, #tpu.memory_space<vmem>>, vector<16xi32>,
    %swap3A_230 = arith.constant 112 : index
    %swap3A_231 = tpu.vector_load %arg17[%swap3A_230] {strides = array<i32>} : memref<192xi32, #tpu.memory_space<vmem>>, vector<16xi32>,
    tpu.vector_store %arg17[%swap3A_230], %get3A_229 {strides = array<i32>} : memref<192xi32, #tpu.memory_space<vmem>>, vector<16xi32>,
    %get3A_232 = arith.constant 112 : index
    %get3A_233 = tpu.vector_load %arg15[%get3A_232] {strides = array<i32>} : memref<400xi32, #tpu.memory_space<vmem>>, vector<16xi32>,
    %swap3A_234 = arith.constant 112 : index
    %swap3A_235 = tpu.vector_load %arg18[%swap3A_234] {strides = array<i32>} : memref<192xi32, #tpu.memory_space<vmem>>, vector<16xi32>,
    tpu.vector_store %arg18[%swap3A_234], %get3A_233 {strides = array<i32>} : memref<192xi32, #tpu.memory_space<vmem>>, vector<16xi32>,
    %get3A_236 = arith.constant 112 : index
    %get3A_237 = tpu.vector_load %arg16[%get3A_236] {strides = array<i32>} : memref<400xi32, #tpu.memory_space<vmem>>, vector<16xi32>,
    %swap3A_238 = arith.constant 112 : index
    %swap3A_239 = tpu.vector_load %arg19[%swap3A_238] {strides = array<i32>} : memref<208xi32, #tpu.memory_space<vmem>>, vector<16xi32>,
    tpu.vector_store %arg19[%swap3A_238], %get3A_237 {strides = array<i32>} : memref<208xi32, #tpu.memory_space<vmem>>, vector<16xi32>,
    %get3A_240 = arith.constant 128 : index
    %get3A_241 = tpu.vector_load %arg14[%get3A_240] {strides = array<i32>} : memref<400xi32, #tpu.memory_space<vmem>>, vector<16xi32>,
    %swap3A_242 = arith.constant 128 : index
    %swap3A_243 = tpu.vector_load %arg17[%swap3A_242] {strides = array<i32>} : memref<192xi32, #tpu.memory_space<vmem>>, vector<16xi32>,
    tpu.vector_store %arg17[%swap3A_242], %get3A_241 {strides = array<i32>} : memref<192xi32, #tpu.memory_space<vmem>>, vector<16xi32>,
    %get3A_244 = arith.constant 128 : index
    %get3A_245 = tpu.vector_load %arg15[%get3A_244] {strides = array<i32>} : memref<400xi32, #tpu.memory_space<vmem>>, vector<16xi32>,
    %swap3A_246 = arith.constant 128 : index
    %swap3A_247 = tpu.vector_load %arg18[%swap3A_246] {strides = array<i32>} : memref<192xi32, #tpu.memory_space<vmem>>, vector<16xi32>,
    tpu.vector_store %arg18[%swap3A_246], %get3A_245 {strides = array<i32>} : memref<192xi32, #tpu.memory_space<vmem>>, vector<16xi32>,
    %get3A_248 = arith.constant 128 : index
    %get3A_249 = tpu.vector_load %arg16[%get3A_248] {strides = array<i32>} : memref<400xi32, #tpu.memory_space<vmem>>, vector<16xi32>,
    %swap3A_250 = arith.constant 128 : index
    %swap3A_251 = tpu.vector_load %arg19[%swap3A_250] {strides = array<i32>} : memref<208xi32, #tpu.memory_space<vmem>>, vector<16xi32>,
    tpu.vector_store %arg19[%swap3A_250], %get3A_249 {strides = array<i32>} : memref<208xi32, #tpu.memory_space<vmem>>, vector<16xi32>,
    %get3A_252 = arith.constant 144 : index
    %get3A_253 = tpu.vector_load %arg14[%get3A_252] {strides = array<i32>} : memref<400xi32, #tpu.memory_space<vmem>>, vector<16xi32>,
    %swap3A_254 = arith.constant 144 : index
    %swap3A_255 = tpu.vector_load %arg17[%swap3A_254] {strides = array<i32>} : memref<192xi32, #tpu.memory_space<vmem>>, vector<16xi32>,
    tpu.vector_store %arg17[%swap3A_254], %get3A_253 {strides = array<i32>} : memref<192xi32, #tpu.memory_space<vmem>>, vector<16xi32>,
    %get3A_256 = arith.constant 144 : index
    %get3A_257 = tpu.vector_load %arg15[%get3A_256] {strides = array<i32>} : memref<400xi32, #tpu.memory_space<vmem>>, vector<16xi32>,
    %swap3A_258 = arith.constant 144 : index
    %swap3A_259 = tpu.vector_load %arg18[%swap3A_258] {strides = array<i32>} : memref<192xi32, #tpu.memory_space<vmem>>, vector<16xi32>,
    tpu.vector_store %arg18[%swap3A_258], %get3A_257 {strides = array<i32>} : memref<192xi32, #tpu.memory_space<vmem>>, vector<16xi32>,
    %get3A_260 = arith.constant 144 : index
    %get3A_261 = tpu.vector_load %arg16[%get3A_260] {strides = array<i32>} : memref<400xi32, #tpu.memory_space<vmem>>, vector<16xi32>,
    %swap3A_262 = arith.constant 144 : index
    %swap3A_263 = tpu.vector_load %arg19[%swap3A_262] {strides = array<i32>} : memref<208xi32, #tpu.memory_space<vmem>>, vector<16xi32>,
    tpu.vector_store %arg19[%swap3A_262], %get3A_261 {strides = array<i32>} : memref<208xi32, #tpu.memory_space<vmem>>, vector<16xi32>,
    %get3A_264 = arith.constant 160 : index
    %get3A_265 = tpu.vector_load %arg14[%get3A_264] {strides = array<i32>} : memref<400xi32, #tpu.memory_space<vmem>>, vector<16xi32>,
    %swap3A_266 = arith.constant 160 : index
    %swap3A_267 = tpu.vector_load %arg17[%swap3A_266] {strides = array<i32>} : memref<192xi32, #tpu.memory_space<vmem>>, vector<16xi32>,
    tpu.vector_store %arg17[%swap3A_266], %get3A_265 {strides = array<i32>} : memref<192xi32, #tpu.memory_space<vmem>>, vector<16xi32>,
    %get3A_268 = arith.constant 160 : index
    %get3A_269 = tpu.vector_load %arg15[%get3A_268] {strides = array<i32>} : memref<400xi32, #tpu.memory_space<vmem>>, vector<16xi32>,
    %swap3A_270 = arith.constant 160 : index
    %swap3A_271 = tpu.vector_load %arg18[%swap3A_270] {strides = array<i32>} : memref<192xi32, #tpu.memory_space<vmem>>, vector<16xi32>,
    tpu.vector_store %arg18[%swap3A_270], %get3A_269 {strides = array<i32>} : memref<192xi32, #tpu.memory_space<vmem>>, vector<16xi32>,
    %get3A_272 = arith.constant 160 : index
    %get3A_273 = tpu.vector_load %arg16[%get3A_272] {strides = array<i32>} : memref<400xi32, #tpu.memory_space<vmem>>, vector<16xi32>,
    %swap3A_274 = arith.constant 160 : index
    %swap3A_275 = tpu.vector_load %arg19[%swap3A_274] {strides = array<i32>} : memref<208xi32, #tpu.memory_space<vmem>>, vector<16xi32>,
    tpu.vector_store %arg19[%swap3A_274], %get3A_273 {strides = array<i32>} : memref<208xi32, #tpu.memory_space<vmem>>, vector<16xi32>,
    %get3A_276 = arith.constant 176 : index
    %get3A_277 = tpu.vector_load %arg14[%get3A_276] {strides = array<i32>} : memref<400xi32, #tpu.memory_space<vmem>>, vector<16xi32>,
    %swap3A_278 = arith.constant 176 : index
    %swap3A_279 = tpu.vector_load %arg17[%swap3A_278] {strides = array<i32>} : memref<192xi32, #tpu.memory_space<vmem>>, vector<16xi32>,
    tpu.vector_store %arg17[%swap3A_278], %get3A_277 {strides = array<i32>} : memref<192xi32, #tpu.memory_space<vmem>>, vector<16xi32>,
    %get3A_280 = arith.constant 176 : index
    %get3A_281 = tpu.vector_load %arg15[%get3A_280] {strides = array<i32>} : memref<400xi32, #tpu.memory_space<vmem>>, vector<16xi32>,
    %swap3A_282 = arith.constant 176 : index
    %swap3A_283 = tpu.vector_load %arg18[%swap3A_282] {strides = array<i32>} : memref<192xi32, #tpu.memory_space<vmem>>, vector<16xi32>,
    tpu.vector_store %arg18[%swap3A_282], %get3A_281 {strides = array<i32>} : memref<192xi32, #tpu.memory_space<vmem>>, vector<16xi32>,
    %get3A_284 = arith.constant 176 : index
    %get3A_285 = tpu.vector_load %arg16[%get3A_284] {strides = array<i32>} : memref<400xi32, #tpu.memory_space<vmem>>, vector<16xi32>,
    %swap3A_286 = arith.constant 176 : index
    %swap3A_287 = tpu.vector_load %arg19[%swap3A_286] {strides = array<i32>} : memref<208xi32, #tpu.memory_space<vmem>>, vector<16xi32>,
    tpu.vector_store %arg19[%swap3A_286], %get3A_285 {strides = array<i32>} : memref<208xi32, #tpu.memory_space<vmem>>, vector<16xi32>,
    %dma_start3A = arith.constant 0 : i32
    %dma_start3A_288 = arith.constant 0 : i32
    %dma_start3A_289 = tpu.memref_slice %arg3[%dma_start3A, %dma_start3A_288] : memref<320000x128xf32, #tpu.memory_space<hbm>> -> memref<320000x128xf32, #tpu.memory_space<hbm>>
    tpu.enqueue_indirect_dma source(%dma_start3A_289 : memref<320000x128xf32, #tpu.memory_space<hbm>>) target(%arg10 : memref<192x128xf32, #tpu.memory_space<vmem>>) offsets(%arg17 : memref<192xi32, #tpu.memory_space<vmem>>) semaphore(%arg20 : memref<!tpu.dma_semaphore, #tpu.memory_space<semaphore_mem>>)
    %dma_start3A_290 = arith.constant 0 : i32
    %dma_start3A_291 = arith.constant 0 : i32
    %dma_start3A_292 = tpu.memref_slice %arg4[%dma_start3A_290, %dma_start3A_291] : memref<320000x128xf32, #tpu.memory_space<hbm>> -> memref<320000x128xf32, #tpu.memory_space<hbm>>
    tpu.enqueue_indirect_dma source(%dma_start3A_292 : memref<320000x128xf32, #tpu.memory_space<hbm>>) target(%arg11 : memref<192x128xf32, #tpu.memory_space<vmem>>) offsets(%arg17 : memref<192xi32, #tpu.memory_space<vmem>>) semaphore(%arg20 : memref<!tpu.dma_semaphore, #tpu.memory_space<semaphore_mem>>)
    %dma_start3A_293 = arith.constant 0 : i32
    %dma_start3A_294 = arith.constant 0 : i32
    %dma_start3A_295 = tpu.memref_slice %arg2[%dma_start3A_293, %dma_start3A_294] : memref<10000x128xf32, #tpu.memory_space<hbm>> -> memref<10000x128xf32, #tpu.memory_space<hbm>>
    tpu.enqueue_indirect_dma source(%dma_start3A_295 : memref<10000x128xf32, #tpu.memory_space<hbm>>) target(%arg12 : memref<192x128xf32, #tpu.memory_space<vmem>>) offsets(%arg18 : memref<192xi32, #tpu.memory_space<vmem>>) semaphore(%arg20 : memref<!tpu.dma_semaphore, #tpu.memory_space<semaphore_mem>>)
    %dma_wait3A = arith.constant 0 : i32
    %dma_wait3A_296 = arith.constant 0 : i32
    %dma_wait3A_297 = tpu.memref_slice %arg3[%dma_wait3A, %dma_wait3A_296] : memref<320000x128xf32, #tpu.memory_space<hbm>> -> memref<320000x128xf32, #tpu.memory_space<hbm>>
    tpu.wait_indirect_dma semaphore(%arg20 : memref<!tpu.dma_semaphore, #tpu.memory_space<semaphore_mem>>) src(%dma_wait3A_297 : memref<320000x128xf32, #tpu.memory_space<hbm>>) dst(%arg10 : memref<192x128xf32, #tpu.memory_space<vmem>>)
    %dma_wait3A_298 = arith.constant 0 : i32
    %dma_wait3A_299 = arith.constant 0 : i32
    %dma_wait3A_300 = tpu.memref_slice %arg4[%dma_wait3A_298, %dma_wait3A_299] : memref<320000x128xf32, #tpu.memory_space<hbm>> -> memref<320000x128xf32, #tpu.memory_space<hbm>>
    tpu.wait_indirect_dma semaphore(%arg20 : memref<!tpu.dma_semaphore, #tpu.memory_space<semaphore_mem>>) src(%dma_wait3A_300 : memref<320000x128xf32, #tpu.memory_space<hbm>>) dst(%arg11 : memref<192x128xf32, #tpu.memory_space<vmem>>)
    %dma_wait3A_301 = arith.constant 0 : i32
    %dma_wait3A_302 = arith.constant 0 : i32
    %dma_wait3A_303 = tpu.memref_slice %arg2[%dma_wait3A_301, %dma_wait3A_302] : memref<10000x128xf32, #tpu.memory_space<hbm>> -> memref<10000x128xf32, #tpu.memory_space<hbm>>
    tpu.wait_indirect_dma semaphore(%arg20 : memref<!tpu.dma_semaphore, #tpu.memory_space<semaphore_mem>>) src(%dma_wait3A_303 : memref<10000x128xf32, #tpu.memory_space<hbm>>) dst(%arg12 : memref<192x128xf32, #tpu.memory_space<vmem>>)
    %scan3A_304 = arith.constant 0 : i32
    %scan3A_305 = arith.constant 0 : i32
    %scan3A_306 = arith.constant 192 : i32
    %scan3A_307 = arith.addi %scan3A_305, %scan3A_306 : i32
    %scan3A_308 = arith.constant 1 : i32
    scf.for %scan3A_312 = %scan3A_305 to %scan3A_307 step %scan3A_308  : i32 {
      %get3A_313 = arith.index_cast %scan3A_312 : i32 to index
      %get3A_314 = tpu.vector_load %arg19[%get3A_313] {strides = array<i32>} : memref<208xi32, #tpu.memory_space<vmem>>, vector<16xi32>,
      %slice3A = vector.extract_strided_slice %get3A_314 {offsets = [0], sizes = [1], strides = [1]} : vector<16xi32> to vector<1xi32>
      %squeeze3A = vector.extract %slice3A[0] : i32 from vector<1xi32>
      %get3A_315 = arith.index_cast %scan3A_312 : i32 to index
      %get3A_316 = arith.constant 0 : index
      %get3A_317 = tpu.vector_load %arg10[%get3A_315, %get3A_316] {strides = array<i32>} : memref<192x128xf32, #tpu.memory_space<vmem>>, vector<16xf32>,
      %get3A_318 = arith.index_cast %scan3A_312 : i32 to index
      %get3A_319 = arith.constant 0 : index
      %get3A_320 = tpu.vector_load %arg12[%get3A_318, %get3A_319] {strides = array<i32>} : memref<192x128xf32, #tpu.memory_space<vmem>>, vector<16xf32>,
      %mul3A_321 = arith.mulf %get3A_317, %get3A_320 : vector<16xf32>
      %reduce_sum3A = arith.constant true
      %reduce_sum3A_322 = vector.broadcast %reduce_sum3A : i1 to vector<16xi1>
      %reduce_sum3A_323 = tpu.scan <sum>, %mul3A_321 masked %reduce_sum3A_322 : vector<16xf32>, vector<16xi1> -> vector<16xf32>
      %reduce_sum3A_324 = vector.extract %reduce_sum3A_323[15] : f32 from vector<16xf32>
      %mul3A_325 = arith.constant 0.0883883461 : f32
      %mul3A_326 = arith.mulf %reduce_sum3A_324, %mul3A_325 : f32
      %broadcast_in_dim3A_327 = vector.broadcast %mul3A_326 : f32 to vector<16xf32>
      %exp3A = math.exp %broadcast_in_dim3A_327 : vector<16xf32>
      %get3A_328 = arith.index_cast %squeeze3A : i32 to index
      %get3A_329 = arith.constant 0 : index
      %get3A_330 = tpu.vector_load %arg8[%get3A_328, %get3A_329] {strides = array<i32>} : memref<336x128xf32, #tpu.memory_space<vmem>>, vector<16xf32>,
      %get3A_331 = arith.index_cast %scan3A_312 : i32 to index
      %get3A_332 = arith.constant 0 : index
      %get3A_333 = tpu.vector_load %arg11[%get3A_331, %get3A_332] {strides = array<i32>} : memref<192x128xf32, #tpu.memory_space<vmem>>, vector<16xf32>,
      %mul3A_334 = arith.mulf %exp3A, %get3A_333 : vector<16xf32>
      %add3A_335 = arith.addf %get3A_330, %mul3A_334 : vector<16xf32>
      %swap3A_336 = arith.index_cast %squeeze3A : i32 to index
      %swap3A_337 = arith.constant 0 : index
      %swap3A_338 = tpu.vector_load %arg8[%swap3A_336, %swap3A_337] {strides = array<i32>} : memref<336x128xf32, #tpu.memory_space<vmem>>, vector<16xf32>,
      tpu.vector_store %arg8[%swap3A_336, %swap3A_337], %add3A_335 {strides = array<i32>} : memref<336x128xf32, #tpu.memory_space<vmem>>, vector<16xf32>,
      %select_n3A = arith.select %eq3A_4, %exp3A, %broadcast_in_dim3A_26 : vector<16xi1>, vector<16xf32>
      %get3A_339 = arith.index_cast %scan3A_312 : i32 to index
      %get3A_340 = arith.constant 16 : index
      %get3A_341 = tpu.vector_load %arg10[%get3A_339, %get3A_340] {strides = array<i32>} : memref<192x128xf32, #tpu.memory_space<vmem>>, vector<16xf32>,
      %get3A_342 = arith.index_cast %scan3A_312 : i32 to index
      %get3A_343 = arith.constant 16 : index
      %get3A_344 = tpu.vector_load %arg12[%get3A_342, %get3A_343] {strides = array<i32>} : memref<192x128xf32, #tpu.memory_space<vmem>>, vector<16xf32>,
      %mul3A_345 = arith.mulf %get3A_341, %get3A_344 : vector<16xf32>
      %reduce_sum3A_346 = arith.constant true
      %reduce_sum3A_347 = vector.broadcast %reduce_sum3A_346 : i1 to vector<16xi1>
      %reduce_sum3A_348 = tpu.scan <sum>, %mul3A_345 masked %reduce_sum3A_347 : vector<16xf32>, vector<16xi1> -> vector<16xf32>
      %reduce_sum3A_349 = vector.extract %reduce_sum3A_348[15] : f32 from vector<16xf32>
      %mul3A_350 = arith.constant 0.0883883461 : f32
      %mul3A_351 = arith.mulf %reduce_sum3A_349, %mul3A_350 : f32
      %broadcast_in_dim3A_352 = vector.broadcast %mul3A_351 : f32 to vector<16xf32>
      %exp3A_353 = math.exp %broadcast_in_dim3A_352 : vector<16xf32>
      %get3A_354 = arith.index_cast %squeeze3A : i32 to index
      %get3A_355 = arith.constant 16 : index
      %get3A_356 = tpu.vector_load %arg8[%get3A_354, %get3A_355] {strides = array<i32>} : memref<336x128xf32, #tpu.memory_space<vmem>>, vector<16xf32>,
      %get3A_357 = arith.index_cast %scan3A_312 : i32 to index
      %get3A_358 = arith.constant 16 : index
      %get3A_359 = tpu.vector_load %arg11[%get3A_357, %get3A_358] {strides = array<i32>} : memref<192x128xf32, #tpu.memory_space<vmem>>, vector<16xf32>,
      %mul3A_360 = arith.mulf %exp3A_353, %get3A_359 : vector<16xf32>
      %add3A_361 = arith.addf %get3A_356, %mul3A_360 : vector<16xf32>
      %swap3A_362 = arith.index_cast %squeeze3A : i32 to index
      %swap3A_363 = arith.constant 16 : index
      %swap3A_364 = tpu.vector_load %arg8[%swap3A_362, %swap3A_363] {strides = array<i32>} : memref<336x128xf32, #tpu.memory_space<vmem>>, vector<16xf32>,
      tpu.vector_store %arg8[%swap3A_362, %swap3A_363], %add3A_361 {strides = array<i32>} : memref<336x128xf32, #tpu.memory_space<vmem>>, vector<16xf32>,
      %select_n3A_365 = arith.select %eq3A_7, %exp3A_353, %select_n3A : vector<16xi1>, vector<16xf32>
      %get3A_366 = arith.index_cast %scan3A_312 : i32 to index
      %get3A_367 = arith.constant 32 : index
      %get3A_368 = tpu.vector_load %arg10[%get3A_366, %get3A_367] {strides = array<i32>} : memref<192x128xf32, #tpu.memory_space<vmem>>, vector<16xf32>,
      %get3A_369 = arith.index_cast %scan3A_312 : i32 to index
      %get3A_370 = arith.constant 32 : index
      %get3A_371 = tpu.vector_load %arg12[%get3A_369, %get3A_370] {strides = array<i32>} : memref<192x128xf32, #tpu.memory_space<vmem>>, vector<16xf32>,
      %mul3A_372 = arith.mulf %get3A_368, %get3A_371 : vector<16xf32>
      %reduce_sum3A_373 = arith.constant true
      %reduce_sum3A_374 = vector.broadcast %reduce_sum3A_373 : i1 to vector<16xi1>
      %reduce_sum3A_375 = tpu.scan <sum>, %mul3A_372 masked %reduce_sum3A_374 : vector<16xf32>, vector<16xi1> -> vector<16xf32>
      %reduce_sum3A_376 = vector.extract %reduce_sum3A_375[15] : f32 from vector<16xf32>
      %mul3A_377 = arith.constant 0.0883883461 : f32
      %mul3A_378 = arith.mulf %reduce_sum3A_376, %mul3A_377 : f32
      %broadcast_in_dim3A_379 = vector.broadcast %mul3A_378 : f32 to vector<16xf32>
      %exp3A_380 = math.exp %broadcast_in_dim3A_379 : vector<16xf32>
      %get3A_381 = arith.index_cast %squeeze3A : i32 to index
      %get3A_382 = arith.constant 32 : index
      %get3A_383 = tpu.vector_load %arg8[%get3A_381, %get3A_382] {strides = array<i32>} : memref<336x128xf32, #tpu.memory_space<vmem>>, vector<16xf32>,
      %get3A_384 = arith.index_cast %scan3A_312 : i32 to index
      %get3A_385 = arith.constant 32 : index
      %get3A_386 = tpu.vector_load %arg11[%get3A_384, %get3A_385] {strides = array<i32>} : memref<192x128xf32, #tpu.memory_space<vmem>>, vector<16xf32>,
      %mul3A_387 = arith.mulf %exp3A_380, %get3A_386 : vector<16xf32>
      %add3A_388 = arith.addf %get3A_383, %mul3A_387 : vector<16xf32>
      %swap3A_389 = arith.index_cast %squeeze3A : i32 to index
      %swap3A_390 = arith.constant 32 : index
      %swap3A_391 = tpu.vector_load %arg8[%swap3A_389, %swap3A_390] {strides = array<i32>} : memref<336x128xf32, #tpu.memory_space<vmem>>, vector<16xf32>,
      tpu.vector_store %arg8[%swap3A_389, %swap3A_390], %add3A_388 {strides = array<i32>} : memref<336x128xf32, #tpu.memory_space<vmem>>, vector<16xf32>,
      %select_n3A_392 = arith.select %eq3A_10, %exp3A_380, %select_n3A_365 : vector<16xi1>, vector<16xf32>
      %get3A_393 = arith.index_cast %scan3A_312 : i32 to index
      %get3A_394 = arith.constant 48 : index
      %get3A_395 = tpu.vector_load %arg10[%get3A_393, %get3A_394] {strides = array<i32>} : memref<192x128xf32, #tpu.memory_space<vmem>>, vector<16xf32>,
      %get3A_396 = arith.index_cast %scan3A_312 : i32 to index
      %get3A_397 = arith.constant 48 : index
      %get3A_398 = tpu.vector_load %arg12[%get3A_396, %get3A_397] {strides = array<i32>} : memref<192x128xf32, #tpu.memory_space<vmem>>, vector<16xf32>,
      %mul3A_399 = arith.mulf %get3A_395, %get3A_398 : vector<16xf32>
      %reduce_sum3A_400 = arith.constant true
      %reduce_sum3A_401 = vector.broadcast %reduce_sum3A_400 : i1 to vector<16xi1>
      %reduce_sum3A_402 = tpu.scan <sum>, %mul3A_399 masked %reduce_sum3A_401 : vector<16xf32>, vector<16xi1> -> vector<16xf32>
      %reduce_sum3A_403 = vector.extract %reduce_sum3A_402[15] : f32 from vector<16xf32>
      %mul3A_404 = arith.constant 0.0883883461 : f32
      %mul3A_405 = arith.mulf %reduce_sum3A_403, %mul3A_404 : f32
      %broadcast_in_dim3A_406 = vector.broadcast %mul3A_405 : f32 to vector<16xf32>
      %exp3A_407 = math.exp %broadcast_in_dim3A_406 : vector<16xf32>
      %get3A_408 = arith.index_cast %squeeze3A : i32 to index
      %get3A_409 = arith.constant 48 : index
      %get3A_410 = tpu.vector_load %arg8[%get3A_408, %get3A_409] {strides = array<i32>} : memref<336x128xf32, #tpu.memory_space<vmem>>, vector<16xf32>,
      %get3A_411 = arith.index_cast %scan3A_312 : i32 to index
      %get3A_412 = arith.constant 48 : index
      %get3A_413 = tpu.vector_load %arg11[%get3A_411, %get3A_412] {strides = array<i32>} : memref<192x128xf32, #tpu.memory_space<vmem>>, vector<16xf32>,
      %mul3A_414 = arith.mulf %exp3A_407, %get3A_413 : vector<16xf32>
      %add3A_415 = arith.addf %get3A_410, %mul3A_414 : vector<16xf32>
      %swap3A_416 = arith.index_cast %squeeze3A : i32 to index
      %swap3A_417 = arith.constant 48 : index
      %swap3A_418 = tpu.vector_load %arg8[%swap3A_416, %swap3A_417] {strides = array<i32>} : memref<336x128xf32, #tpu.memory_space<vmem>>, vector<16xf32>,
      tpu.vector_store %arg8[%swap3A_416, %swap3A_417], %add3A_415 {strides = array<i32>} : memref<336x128xf32, #tpu.memory_space<vmem>>, vector<16xf32>,
      %select_n3A_419 = arith.select %eq3A_13, %exp3A_407, %select_n3A_392 : vector<16xi1>, vector<16xf32>
      %get3A_420 = arith.index_cast %scan3A_312 : i32 to index
      %get3A_421 = arith.constant 64 : index
      %get3A_422 = tpu.vector_load %arg10[%get3A_420, %get3A_421] {strides = array<i32>} : memref<192x128xf32, #tpu.memory_space<vmem>>, vector<16xf32>,
      %get3A_423 = arith.index_cast %scan3A_312 : i32 to index
      %get3A_424 = arith.constant 64 : index
      %get3A_425 = tpu.vector_load %arg12[%get3A_423, %get3A_424] {strides = array<i32>} : memref<192x128xf32, #tpu.memory_space<vmem>>, vector<16xf32>,
      %mul3A_426 = arith.mulf %get3A_422, %get3A_425 : vector<16xf32>
      %reduce_sum3A_427 = arith.constant true
      %reduce_sum3A_428 = vector.broadcast %reduce_sum3A_427 : i1 to vector<16xi1>
      %reduce_sum3A_429 = tpu.scan <sum>, %mul3A_426 masked %reduce_sum3A_428 : vector<16xf32>, vector<16xi1> -> vector<16xf32>
      %reduce_sum3A_430 = vector.extract %reduce_sum3A_429[15] : f32 from vector<16xf32>
      %mul3A_431 = arith.constant 0.0883883461 : f32
      %mul3A_432 = arith.mulf %reduce_sum3A_430, %mul3A_431 : f32
      %broadcast_in_dim3A_433 = vector.broadcast %mul3A_432 : f32 to vector<16xf32>
      %exp3A_434 = math.exp %broadcast_in_dim3A_433 : vector<16xf32>
      %get3A_435 = arith.index_cast %squeeze3A : i32 to index
      %get3A_436 = arith.constant 64 : index
      %get3A_437 = tpu.vector_load %arg8[%get3A_435, %get3A_436] {strides = array<i32>} : memref<336x128xf32, #tpu.memory_space<vmem>>, vector<16xf32>,
      %get3A_438 = arith.index_cast %scan3A_312 : i32 to index
      %get3A_439 = arith.constant 64 : index
      %get3A_440 = tpu.vector_load %arg11[%get3A_438, %get3A_439] {strides = array<i32>} : memref<192x128xf32, #tpu.memory_space<vmem>>, vector<16xf32>,
      %mul3A_441 = arith.mulf %exp3A_434, %get3A_440 : vector<16xf32>
      %add3A_442 = arith.addf %get3A_437, %mul3A_441 : vector<16xf32>
      %swap3A_443 = arith.index_cast %squeeze3A : i32 to index
      %swap3A_444 = arith.constant 64 : index
      %swap3A_445 = tpu.vector_load %arg8[%swap3A_443, %swap3A_444] {strides = array<i32>} : memref<336x128xf32, #tpu.memory_space<vmem>>, vector<16xf32>,
      tpu.vector_store %arg8[%swap3A_443, %swap3A_444], %add3A_442 {strides = array<i32>} : memref<336x128xf32, #tpu.memory_space<vmem>>, vector<16xf32>,
      %select_n3A_446 = arith.select %eq3A_16, %exp3A_434, %select_n3A_419 : vector<16xi1>, vector<16xf32>
      %get3A_447 = arith.index_cast %scan3A_312 : i32 to index
      %get3A_448 = arith.constant 80 : index
      %get3A_449 = tpu.vector_load %arg10[%get3A_447, %get3A_448] {strides = array<i32>} : memref<192x128xf32, #tpu.memory_space<vmem>>, vector<16xf32>,
      %get3A_450 = arith.index_cast %scan3A_312 : i32 to index
      %get3A_451 = arith.constant 80 : index
      %get3A_452 = tpu.vector_load %arg12[%get3A_450, %get3A_451] {strides = array<i32>} : memref<192x128xf32, #tpu.memory_space<vmem>>, vector<16xf32>,
      %mul3A_453 = arith.mulf %get3A_449, %get3A_452 : vector<16xf32>
      %reduce_sum3A_454 = arith.constant true
      %reduce_sum3A_455 = vector.broadcast %reduce_sum3A_454 : i1 to vector<16xi1>
      %reduce_sum3A_456 = tpu.scan <sum>, %mul3A_453 masked %reduce_sum3A_455 : vector<16xf32>, vector<16xi1> -> vector<16xf32>
      %reduce_sum3A_457 = vector.extract %reduce_sum3A_456[15] : f32 from vector<16xf32>
      %mul3A_458 = arith.constant 0.0883883461 : f32
      %mul3A_459 = arith.mulf %reduce_sum3A_457, %mul3A_458 : f32
      %broadcast_in_dim3A_460 = vector.broadcast %mul3A_459 : f32 to vector<16xf32>
      %exp3A_461 = math.exp %broadcast_in_dim3A_460 : vector<16xf32>
      %get3A_462 = arith.index_cast %squeeze3A : i32 to index
      %get3A_463 = arith.constant 80 : index
      %get3A_464 = tpu.vector_load %arg8[%get3A_462, %get3A_463] {strides = array<i32>} : memref<336x128xf32, #tpu.memory_space<vmem>>, vector<16xf32>,
      %get3A_465 = arith.index_cast %scan3A_312 : i32 to index
      %get3A_466 = arith.constant 80 : index
      %get3A_467 = tpu.vector_load %arg11[%get3A_465, %get3A_466] {strides = array<i32>} : memref<192x128xf32, #tpu.memory_space<vmem>>, vector<16xf32>,
      %mul3A_468 = arith.mulf %exp3A_461, %get3A_467 : vector<16xf32>
      %add3A_469 = arith.addf %get3A_464, %mul3A_468 : vector<16xf32>
      %swap3A_470 = arith.index_cast %squeeze3A : i32 to index
      %swap3A_471 = arith.constant 80 : index
      %swap3A_472 = tpu.vector_load %arg8[%swap3A_470, %swap3A_471] {strides = array<i32>} : memref<336x128xf32, #tpu.memory_space<vmem>>, vector<16xf32>,
      tpu.vector_store %arg8[%swap3A_470, %swap3A_471], %add3A_469 {strides = array<i32>} : memref<336x128xf32, #tpu.memory_space<vmem>>, vector<16xf32>,
      %select_n3A_473 = arith.select %eq3A_19, %exp3A_461, %select_n3A_446 : vector<16xi1>, vector<16xf32>
      %get3A_474 = arith.index_cast %scan3A_312 : i32 to index
      %get3A_475 = arith.constant 96 : index
      %get3A_476 = tpu.vector_load %arg10[%get3A_474, %get3A_475] {strides = array<i32>} : memref<192x128xf32, #tpu.memory_space<vmem>>, vector<16xf32>,
      %get3A_477 = arith.index_cast %scan3A_312 : i32 to index
      %get3A_478 = arith.constant 96 : index
      %get3A_479 = tpu.vector_load %arg12[%get3A_477, %get3A_478] {strides = array<i32>} : memref<192x128xf32, #tpu.memory_space<vmem>>, vector<16xf32>,
      %mul3A_480 = arith.mulf %get3A_476, %get3A_479 : vector<16xf32>
      %reduce_sum3A_481 = arith.constant true
      %reduce_sum3A_482 = vector.broadcast %reduce_sum3A_481 : i1 to vector<16xi1>
      %reduce_sum3A_483 = tpu.scan <sum>, %mul3A_480 masked %reduce_sum3A_482 : vector<16xf32>, vector<16xi1> -> vector<16xf32>
      %reduce_sum3A_484 = vector.extract %reduce_sum3A_483[15] : f32 from vector<16xf32>
      %mul3A_485 = arith.constant 0.0883883461 : f32
      %mul3A_486 = arith.mulf %reduce_sum3A_484, %mul3A_485 : f32
      %broadcast_in_dim3A_487 = vector.broadcast %mul3A_486 : f32 to vector<16xf32>
      %exp3A_488 = math.exp %broadcast_in_dim3A_487 : vector<16xf32>
      %get3A_489 = arith.index_cast %squeeze3A : i32 to index
      %get3A_490 = arith.constant 96 : index
      %get3A_491 = tpu.vector_load %arg8[%get3A_489, %get3A_490] {strides = array<i32>} : memref<336x128xf32, #tpu.memory_space<vmem>>, vector<16xf32>,
      %get3A_492 = arith.index_cast %scan3A_312 : i32 to index
      %get3A_493 = arith.constant 96 : index
      %get3A_494 = tpu.vector_load %arg11[%get3A_492, %get3A_493] {strides = array<i32>} : memref<192x128xf32, #tpu.memory_space<vmem>>, vector<16xf32>,
      %mul3A_495 = arith.mulf %exp3A_488, %get3A_494 : vector<16xf32>
      %add3A_496 = arith.addf %get3A_491, %mul3A_495 : vector<16xf32>
      %swap3A_497 = arith.index_cast %squeeze3A : i32 to index
      %swap3A_498 = arith.constant 96 : index
      %swap3A_499 = tpu.vector_load %arg8[%swap3A_497, %swap3A_498] {strides = array<i32>} : memref<336x128xf32, #tpu.memory_space<vmem>>, vector<16xf32>,
      tpu.vector_store %arg8[%swap3A_497, %swap3A_498], %add3A_496 {strides = array<i32>} : memref<336x128xf32, #tpu.memory_space<vmem>>, vector<16xf32>,
      %select_n3A_500 = arith.select %eq3A_22, %exp3A_488, %select_n3A_473 : vector<16xi1>, vector<16xf32>
      %get3A_501 = arith.index_cast %scan3A_312 : i32 to index
      %get3A_502 = arith.constant 112 : index
      %get3A_503 = tpu.vector_load %arg10[%get3A_501, %get3A_502] {strides = array<i32>} : memref<192x128xf32, #tpu.memory_space<vmem>>, vector<16xf32>,
      %get3A_504 = arith.index_cast %scan3A_312 : i32 to index
      %get3A_505 = arith.constant 112 : index
      %get3A_506 = tpu.vector_load %arg12[%get3A_504, %get3A_505] {strides = array<i32>} : memref<192x128xf32, #tpu.memory_space<vmem>>, vector<16xf32>,
      %mul3A_507 = arith.mulf %get3A_503, %get3A_506 : vector<16xf32>
      %reduce_sum3A_508 = arith.constant true
      %reduce_sum3A_509 = vector.broadcast %reduce_sum3A_508 : i1 to vector<16xi1>
      %reduce_sum3A_510 = tpu.scan <sum>, %mul3A_507 masked %reduce_sum3A_509 : vector<16xf32>, vector<16xi1> -> vector<16xf32>
      %reduce_sum3A_511 = vector.extract %reduce_sum3A_510[15] : f32 from vector<16xf32>
      %mul3A_512 = arith.constant 0.0883883461 : f32
      %mul3A_513 = arith.mulf %reduce_sum3A_511, %mul3A_512 : f32
      %broadcast_in_dim3A_514 = vector.broadcast %mul3A_513 : f32 to vector<16xf32>
      %exp3A_515 = math.exp %broadcast_in_dim3A_514 : vector<16xf32>
      %get3A_516 = arith.index_cast %squeeze3A : i32 to index
      %get3A_517 = arith.constant 112 : index
      %get3A_518 = tpu.vector_load %arg8[%get3A_516, %get3A_517] {strides = array<i32>} : memref<336x128xf32, #tpu.memory_space<vmem>>, vector<16xf32>,
      %get3A_519 = arith.index_cast %scan3A_312 : i32 to index
      %get3A_520 = arith.constant 112 : index
      %get3A_521 = tpu.vector_load %arg11[%get3A_519, %get3A_520] {strides = array<i32>} : memref<192x128xf32, #tpu.memory_space<vmem>>, vector<16xf32>,
      %mul3A_522 = arith.mulf %exp3A_515, %get3A_521 : vector<16xf32>
      %add3A_523 = arith.addf %get3A_518, %mul3A_522 : vector<16xf32>
      %swap3A_524 = arith.index_cast %squeeze3A : i32 to index
      %swap3A_525 = arith.constant 112 : index
      %swap3A_526 = tpu.vector_load %arg8[%swap3A_524, %swap3A_525] {strides = array<i32>} : memref<336x128xf32, #tpu.memory_space<vmem>>, vector<16xf32>,
      tpu.vector_store %arg8[%swap3A_524, %swap3A_525], %add3A_523 {strides = array<i32>} : memref<336x128xf32, #tpu.memory_space<vmem>>, vector<16xf32>,
      %select_n3A_527 = arith.select %eq3A_25, %exp3A_515, %select_n3A_500 : vector<16xi1>, vector<16xf32>
      %mul3A_528 = arith.constant 16 : i32
      %mul3A_529 = arith.muli %squeeze3A, %mul3A_528 : i32
      %get3A_530 = arith.index_cast %mul3A_529 : i32 to index
      %get3A_531 = tpu.vector_load %arg9[%get3A_530] {strides = array<i32>} : memref<5376xf32, #tpu.memory_space<vmem>>, vector<16xf32>,
      %add3A_532 = arith.addf %get3A_531, %select_n3A_527 : vector<16xf32>
      %swap3A_533 = arith.index_cast %mul3A_529 : i32 to index
      %swap3A_534 = tpu.vector_load %arg9[%swap3A_533] {strides = array<i32>} : memref<5376xf32, #tpu.memory_space<vmem>>, vector<16xf32>,
      tpu.vector_store %arg9[%swap3A_533], %add3A_532 {strides = array<i32>} : memref<5376xf32, #tpu.memory_space<vmem>>, vector<16xf32>,
    }
    %scan3A_309 = arith.constant 192 : i32
    "tpu.region"() ({
      %run_scoped3A = tpu.sem_alloc : memref<!tpu.dma_semaphore, #tpu.memory_space<semaphore_mem>>
      %dma_start3A_312 = arith.constant 0 : i32
      %dma_start3A_313 = arith.constant 0 : i32
      %dma_start3A_314 = tpu.memref_slice %arg8[%dma_start3A_312, %dma_start3A_313] : memref<336x128xf32, #tpu.memory_space<vmem>> -> memref<320x128xf32, #tpu.memory_space<vmem>>
      %dma_start3A_315 = arith.constant 0 : i32
      %dma_start3A_316 = tpu.memref_slice %arg6[%mul3A_2, %dma_start3A_315] : memref<10240x128xf32, #tpu.memory_space<hbm>> -> memref<320x128xf32, #tpu.memory_space<hbm>>
      %dma_start3A_317 = arith.constant 0 : i32
      %dma_start3A_318 = tpu.memref_slice %arg6[%mul3A_2, %dma_start3A_317] : memref<10240x128xf32, #tpu.memory_space<hbm>> -> memref<320x128xf32, #tpu.memory_space<hbm>>
      %dma_start3A_319 = arith.constant 0 : i32
      %dma_start3A_320 = arith.constant 0 : i32
      %dma_start3A_321 = tpu.memref_slice %arg8[%dma_start3A_319, %dma_start3A_320] : memref<336x128xf32, #tpu.memory_space<vmem>> -> memref<320x128xf32, #tpu.memory_space<vmem>>
      tpu.enqueue_dma source(%dma_start3A_321 : memref<320x128xf32, #tpu.memory_space<vmem>>) target(%dma_start3A_318 : memref<320x128xf32, #tpu.memory_space<hbm>>) target_semaphore(%run_scoped3A : memref<!tpu.dma_semaphore, #tpu.memory_space<semaphore_mem>>)
      %dma_wait3A_322 = arith.constant 0 : i32
      %dma_wait3A_323 = arith.constant 0 : i32
      %dma_wait3A_324 = tpu.memref_slice %arg8[%dma_wait3A_322, %dma_wait3A_323] : memref<336x128xf32, #tpu.memory_space<vmem>> -> memref<320x128xf32, #tpu.memory_space<vmem>>
      %dma_wait3A_325 = arith.constant 0 : i32
      %dma_wait3A_326 = tpu.memref_slice %arg6[%mul3A_2, %dma_wait3A_325] : memref<10240x128xf32, #tpu.memory_space<hbm>> -> memref<320x128xf32, #tpu.memory_space<hbm>>
      %dma_wait3A_327 = arith.constant 0 : i32
      %dma_wait3A_328 = tpu.memref_slice %arg6[%mul3A_2, %dma_wait3A_327] : memref<10240x128xf32, #tpu.memory_space<hbm>> -> memref<320x128xf32, #tpu.memory_space<hbm>>
      %dma_wait3A_329 = arith.constant 0 : i32
      %dma_wait3A_330 = arith.constant 0 : i32
      %dma_wait3A_331 = tpu.memref_slice %arg8[%dma_wait3A_329, %dma_wait3A_330] : memref<336x128xf32, #tpu.memory_space<vmem>> -> memref<320x128xf32, #tpu.memory_space<vmem>>
      tpu.wait_dma2 semaphore(%run_scoped3A : memref<!tpu.dma_semaphore, #tpu.memory_space<semaphore_mem>>) src(%dma_wait3A_331 : memref<320x128xf32, #tpu.memory_space<vmem>>) dst(%dma_wait3A_328 : memref<320x128xf32, #tpu.memory_space<hbm>>)
      tpu.yield
    }) : () -> ()
    %mul3A_310 = arith.constant 16 : i32
    %mul3A_311 = arith.muli %mul3A_2, %mul3A_310 : i32
    "tpu.region"() ({
      %run_scoped3A = tpu.sem_alloc : memref<!tpu.dma_semaphore, #tpu.memory_space<semaphore_mem>>
      %dma_start3A_312 = arith.constant 0 : i32
      %dma_start3A_313 = tpu.memref_slice %arg9[%dma_start3A_312] : memref<5376xf32, #tpu.memory_space<vmem>> -> memref<5120xf32, #tpu.memory_space<vmem>>
      %dma_start3A_314 = tpu.memref_slice %arg7[%mul3A_311] : memref<163840xf32, #tpu.memory_space<hbm>> -> memref<5120xf32, #tpu.memory_space<hbm>>
      %dma_start3A_315 = tpu.memref_slice %arg7[%mul3A_311] : memref<163840xf32, #tpu.memory_space<hbm>> -> memref<5120xf32, #tpu.memory_space<hbm>>
      %dma_start3A_316 = arith.constant 0 : i32
      %dma_start3A_317 = tpu.memref_slice %arg9[%dma_start3A_316] : memref<5376xf32, #tpu.memory_space<vmem>> -> memref<5120xf32, #tpu.memory_space<vmem>>
      tpu.enqueue_dma source(%dma_start3A_317 : memref<5120xf32, #tpu.memory_space<vmem>>) target(%dma_start3A_315 : memref<5120xf32, #tpu.memory_space<hbm>>) target_semaphore(%run_scoped3A : memref<!tpu.dma_semaphore, #tpu.memory_space<semaphore_mem>>)
      %dma_wait3A_318 = arith.constant 0 : i32
      %dma_wait3A_319 = tpu.memref_slice %arg9[%dma_wait3A_318] : memref<5376xf32, #tpu.memory_space<vmem>> -> memref<5120xf32, #tpu.memory_space<vmem>>
      %dma_wait3A_320 = tpu.memref_slice %arg7[%mul3A_311] : memref<163840xf32, #tpu.memory_space<hbm>> -> memref<5120xf32, #tpu.memory_space<hbm>>
      %dma_wait3A_321 = tpu.memref_slice %arg7[%mul3A_311] : memref<163840xf32, #tpu.memory_space<hbm>> -> memref<5120xf32, #tpu.memory_space<hbm>>
      %dma_wait3A_322 = arith.constant 0 : i32
      %dma_wait3A_323 = tpu.memref_slice %arg9[%dma_wait3A_322] : memref<5376xf32, #tpu.memory_space<vmem>> -> memref<5120xf32, #tpu.memory_space<vmem>>
      tpu.wait_dma2 semaphore(%run_scoped3A : memref<!tpu.dma_semaphore, #tpu.memory_space<semaphore_mem>>) src(%dma_wait3A_323 : memref<5120xf32, #tpu.memory_space<vmem>>) dst(%dma_wait3A_321 : memref<5120xf32, #tpu.memory_space<hbm>>)
      tpu.yield
    }) : () -> ()
    return
  }
}

module attributes {stable_mosaic.version = 14 : i64} {
  func.func @_merge_body(%arg0: i32, %arg1: memref<640x128xf32, #tpu.memory_space<vmem>>, %arg2: memref<640x16xf32, #tpu.memory_space<vmem>>, %arg3: memref<640x128xf32, #tpu.memory_space<vmem>>) attributes {dimension_semantics = [#tpu.dimension_semantics<arbitrary>], iteration_bounds = array<i64: 16>, scalar_prefetch = 0 : i64, scratch_operands = 0 : i64, tpu.core_type = #tpu.core_type<tc>, window_params = [{transform_indices = @transform_0, window_bounds = array<i64: 640, 128>}, {transform_indices = @transform_1, window_bounds = array<i64: 640, 16>}, {transform_indices = @transform_2, window_bounds = array<i64: 640, 128>}]} {
    %get3A = arith.constant 0 : index
    %get3A_0 = arith.constant 0 : index
    %get3A_1 = vector.load %arg1[%get3A, %get3A_0] : memref<640x128xf32, #tpu.memory_space<vmem>>, vector<640x128xf32>
    %get3A_2 = arith.constant 0 : index
    %get3A_3 = arith.constant 0 : index
    %get3A_4 = vector.load %arg2[%get3A_2, %get3A_3] : memref<640x16xf32, #tpu.memory_space<vmem>>, vector<640x16xf32>
    %iota3A = tpu.iota {dimensions = array<i32: 0>} : vector<16x128xi32>
    %iota3A_5 = tpu.iota {dimensions = array<i32: 1>} : vector<16x128xi32>
    %jit3A = arith.constant 16 : i32
    %div3A = vector.broadcast %jit3A : i32 to vector<16x128xi32>
    %div3A_6 = arith.divsi %iota3A_5, %div3A : vector<16x128xi32>
    %sign3A = arith.constant 0 : i32
    %sign3A_7 = vector.broadcast %sign3A : i32 to vector<16x128xi32>
    %sign3A_8 = arith.cmpi sgt, %iota3A_5, %sign3A_7 : vector<16x128xi32>
    %sign3A_9 = arith.extui %sign3A_8 : vector<16x128xi1> to vector<16x128xi32>
    %sign3A_10 = arith.constant 0 : i32
    %sign3A_11 = vector.broadcast %sign3A_10 : i32 to vector<16x128xi32>
    %sign3A_12 = arith.cmpi slt, %iota3A_5, %sign3A_11 : vector<16x128xi32>
    %sign3A_13 = arith.extui %sign3A_12 : vector<16x128xi1> to vector<16x128xi32>
    %sign3A_14 = arith.subi %sign3A_9, %sign3A_13 : vector<16x128xi32>
    %sign3A_15 = arith.constant 0 : i32
    %sign3A_16 = arith.cmpi sgt, %jit3A, %sign3A_15 : i32
    %sign3A_17 = arith.extui %sign3A_16 : i1 to i32
    %sign3A_18 = arith.constant 0 : i32
    %sign3A_19 = arith.cmpi slt, %jit3A, %sign3A_18 : i32
    %sign3A_20 = arith.extui %sign3A_19 : i1 to i32
    %sign3A_21 = arith.subi %sign3A_17, %sign3A_20 : i32
    %ne3A = vector.broadcast %sign3A_21 : i32 to vector<16x128xi32>
    %ne3A_22 = arith.cmpi ne, %sign3A_14, %ne3A : vector<16x128xi32>
    %rem3A = vector.broadcast %jit3A : i32 to vector<16x128xi32>
    %rem3A_23 = arith.remsi %iota3A_5, %rem3A : vector<16x128xi32>
    %ne3A_24 = arith.constant 0 : i32
    %ne3A_25 = vector.broadcast %ne3A_24 : i32 to vector<16x128xi32>
    %ne3A_26 = arith.cmpi ne, %rem3A_23, %ne3A_25 : vector<16x128xi32>
    %and3A = arith.andi %ne3A_22, %ne3A_26 : vector<16x128xi1>
    %sub3A = arith.constant 1 : i32
    %sub3A_27 = vector.broadcast %sub3A : i32 to vector<16x128xi32>
    %sub3A_28 = arith.subi %div3A_6, %sub3A_27 : vector<16x128xi32>
    %select_n3A = arith.select %and3A, %sub3A_28, %div3A_6 : vector<16x128xi1>, vector<16x128xi32>
    %eq3A = arith.cmpi eq, %select_n3A, %iota3A : vector<16x128xi32>
    %convert_element_type3A = arith.extui %eq3A : vector<16x128xi1> to vector<16x128xi32>
    %convert_element_type3A_29 = arith.sitofp %convert_element_type3A : vector<16x128xi32> to vector<16x128xf32>
    %dot_general3A = arith.constant dense<0.000000e+00> : vector<640x128xf32>
    %dot_general3A_30 = tpu.matmul %get3A_4, %convert_element_type3A_29, %dot_general3A {dimension_numbers = #tpu.dot_dimension_numbers<[1], [0], [0], [1], [0, 0, 1, 1], [], []>, transpose_lhs_hint = false} : vector<640x16xf32>, vector<16x128xf32>, vector<640x128xf32> -> vector<640x128xf32>
    %gt3A = arith.constant 0.000000e+00 : f32
    %gt3A_31 = vector.broadcast %gt3A : f32 to vector<640x128xf32>
    %gt3A_32 = arith.cmpf ogt, %dot_general3A_30, %gt3A_31 : vector<640x128xf32>
    %div3A_33 = arith.divf %get3A_1, %dot_general3A_30 : vector<640x128xf32>
    %jit3A_34 = arith.constant 0.000000e+00 : f32
    %broadcast_in_dim3A = vector.broadcast %jit3A_34 : f32 to vector<640x128xf32>
    %select_n3A_35 = arith.select %gt3A_32, %div3A_33, %broadcast_in_dim3A : vector<640x128xi1>, vector<640x128xf32>
    %swap3A = arith.constant 0 : index
    %swap3A_36 = arith.constant 0 : index
    %swap3A_37 = vector.load %arg3[%swap3A, %swap3A_36] : memref<640x128xf32, #tpu.memory_space<vmem>>, vector<640x128xf32>
    tpu.vector_store %arg3[%swap3A, %swap3A_36], %select_n3A_35 {strides = array<i32>} : memref<640x128xf32, #tpu.memory_space<vmem>>, vector<640x128xf32>,
    return
  }
  func.func @transform_0(%arg0: i32) -> (i32, i32) {
    %c0_i32 = arith.constant 0 : i32
    %c0_i32_0 = arith.constant 0 : i32
    return %arg0, %c0_i32 : i32, i32
  }
  func.func @transform_1(%arg0: i32) -> (i32, i32) {
    %c0_i32 = arith.constant 0 : i32
    %c0_i32_0 = arith.constant 0 : i32
    return %arg0, %c0_i32 : i32, i32
  }
  func.func @transform_2(%arg0: i32) -> (i32, i32) {
    %c0_i32 = arith.constant 0 : i32
    %c0_i32_0 = arith.constant 0 : i32
    return %arg0, %c0_i32 : i32, i32
  }
}

</mosaic_0001>

<sc_bundles>
// kernel: kernel.4.cloned.1.call-start
scs
__scs_entry_jumppad:
0x0: {  	(pc) =	sbr.rel $0x88, $3  }
0x1: {  	(tag) =	ssettag $0x0;
	lr =	simm.s32 $0x1  }
0x2: {  	[smem:$0x3F9C] =	sst lr;
	_ =	strace $0xD0000000  }
0x3: {  	_ = 	snop  }
0x4: {  	_ = 	snop  }
0x5: {  	_ = 	snop  }
0x6: {  	_ = 	snop  }
0x7: {  	_ = 	snop  }
__scs_overlays_trampoline_lowered:
0x8: {  	[smem:$0x3FAB] =	sst s0  }
0x9: {  	[smem:$0x3FAC] =	sst s1  }
0xa: {  	[smem:$0x3FAD] =	sst s2  }
0xb: {  	[smem:$0x3FAE] =	sst s3  }
0xc: {  	[smem:$0x3FAF] =	sst s4  }
0xd: {  	[smem:$0x3FB0] =	sst s5  }
0xe: {  	[smem:$0x3FB1] =	sst s6  }
0xf: {  	[smem:$0x3FB2] =	sst s7  }
0x10: {  	[smem:$0x3FB3] =	sst s8  }
0x11: {  	[smem:$0x3FB4] =	sst s9;
	s0 =	simm.s32 @!p0 $0x0  }
0x12: {  	s1 =	sld [smem:$0x3F9A];
	s0 =	simm.s32 @p0 $0x1  }
0x13: {  	[smem:$0x3FB5] =	sst s0;
	s0 =	simm.s32 @!p1 $0x0  }
0x14: {  	s2 =	sld [smem:$0x3F99];
	s0 =	simm.s32 @p1 $0x1  }
0x15: {  	[smem:$0x3FB6] =	sst s0;
	s0 =	simm.s32 @!p2 $0x0  }
0x16: {  	s3 =	sld [smem:$0x3FDB];
	s0 =	simm.s32 @p2 $0x1  }
0x17: {  	s4 =	simm.s32 $0x1BF5;
	[smem:$0x3FB8] =	sst s0  }
0x18: {  	s0 =	sld [smem:$0x3F9B];
	_ =	swait.ge [sflag:s4], $0x0  }
0x19: {  	s7 =	sld [smem:$0x3F9C]  }
0x1a: {  	s8 =	sadd.s32 $0xFFFFE003, lr  }
0x1b: {  	s9 =	sadd.s32 $0xFFFFFEF7, lr;
	s5 =	simm.s32 $0xFFFFFFFF;
	p2 =	slt.u32 s8, $0xFFFFF086  }
0x1c: {  	p1 =	slt.u32 s9, $0xF7A;
	s5 =	simm.s32 @!p2 $0x0  }
0x1d: {  	s5 =	simm.s32 @p1 $0x1;
	p0 =	seq.s32 s7, s2  }
0x1e: {  	s7 =	smul.u32 @!p0 $0xF7A, s2;
	p2 =	seq.s32 @!p0 s5, $0x0  }
0x1f: {  	s9 =	smul.u32 $0xF7A, s1;
	s8 =	simm.s32 @!p0 $0x1BF5;
	p2 =	por !p2, p0  }
0x20: {  	[sflag:s8] =	ssyncset.s32 @!p0 $0xFFFFF086;
	s6 =	sadd.s32 @!p0 s3, s7;
	s7 =	simm.s32 @!p0 $0x108  }
0x21: {  	s3 =	sadd.s32 s3, s9;
	s6 =	sadd.s32 @!p0 $0x88, s6;
	s7 =	simm.s32 @p2 $0x1082  }
0x22: {  	[simem:s7], [sflag:s8] =	dma.local @!p0 [hbm:s6], $0xF7A  }
0x23: {  	s9 =	sor.u32 $0xD0000000, s2;
	s6 =	simm.s32 $0x108;
	_ =	swait.ge @!p0 [sflag:s8], $0x0  }
0x24: {  	s3 =	sadd.s32 $0x88, s3;
	s6 =	simm.s32 @!p1 $0x1082;
	[sflag:s4] =	ssyncset.s32 $0xFFFFF086  }
0x25: {  	[simem:s6], [sflag:s4] =	dma.local [hbm:s3], $0xF7A  }
0x26: {  	[smem:$0x3F9C] =	sst s1;
	(tag) =	ssettag s2;
	_ =	strace s9  }
0x27: {  	s1 =	sld [smem:$0x3FAC]  }
0x28: {  	s2 =	sld [smem:$0x3FAD]  }
0x29: {  	s4 =	sld [smem:$0x3FAF]  }
0x2a: {  	p0 =	seq.s32 s5, $0x0;
	s5 =	sld [smem:$0x3FB0]  }
0x2b: {  	s6 =	sld [smem:$0x3FB1]  }
0x2c: {  	s7 =	sld [smem:$0x3FB2]  }
0x2d: {  	s3 =	simm.s32 $0x108;
	s8 =	sld [smem:$0x3FB3]  }
0x2e: {  	s3 =	simm.s32 @!p0 $0x1082;
	s9 =	sld [smem:$0x3FB4]  }
0x2f: {  	lr =	sadd.s32 s0, s3;
	s0 =	sld [smem:$0x3FAB]  }
0x30: {  	s3 =	sld [smem:$0x3FAE]  }
0x31: {  	[smem:$0x3FB7] =	sst s10  }
0x32: {  	s10 =	sld [smem:$0x3FB5];
	_ =	sdelay $0x3  }
0x33: {  	p0 =	seq.s32 s10, $0x1;
	s10 =	sld [smem:$0x3FB7];
	_ =	sdelay $0x3  }
0x34: {  	[smem:$0x3FB7] =	sst s10  }
0x35: {  	s10 =	sld [smem:$0x3FB6];
	_ =	sdelay $0x3  }
0x36: {  	p1 =	seq.s32 s10, $0x1;
	s10 =	sld [smem:$0x3FB7];
	_ =	sdelay $0x3  }
0x37: {  	[smem:$0x3FB7] =	sst s10  }
0x38: {  	s10 =	sld [smem:$0x3FB8]  }
0x39: {  	_ = 	snop;
	(pc) =	sbr.ind lr, $3  }
0x3a: {  	_ = 	snop  }
0x3b: {  	_ = 	snop  }
0x3c: {  	p2 =	seq.s32 s10, $0x1;
	s10 =	sld [smem:$0x3FB7]  }
0x3d: {  	_ =	shalt  }
0x3e: {  	_ =	shalt  }
0x3f: {  	_ =	shalt  }
0x40: {  	_ =	shalt  }
0x41: {  	_ =	shalt  }
0x42: {  	_ =	shalt  }
0x43: {  	_ =	shalt  }
0x44: {  	_ =	shalt  }
0x45: {  	_ =	shalt  }
0x46: {  	_ =	shalt  }
0x47: {  	_ =	shalt  }
0x48: {  	_ =	shalt  }
0x49: {  	_ =	shalt  }
0x4a: {  	_ =	shalt  }
0x4b: {  	_ =	shalt  }
0x4c: {  	_ =	shalt  }
0x4d: {  	_ =	shalt  }
0x4e: {  	_ =	shalt  }
0x4f: {  	_ =	shalt  }
0x50: {  	_ =	shalt  }
0x51: {  	_ =	shalt  }
0x52: {  	_ =	shalt  }
0x53: {  	_ =	shalt  }
0x54: {  	_ =	shalt  }
0x55: {  	_ =	shalt  }
0x56: {  	_ =	shalt  }
0x57: {  	_ =	shalt  }
0x58: {  	_ =	shalt  }
0x59: {  	_ =	shalt  }
0x5a: {  	_ =	shalt  }
0x5b: {  	_ =	shalt  }
0x5c: {  	_ =	shalt  }
0x5d: {  	_ =	shalt  }
0x5e: {  	_ =	shalt  }
0x5f: {  	_ =	shalt  }
0x60: {  	_ =	shalt  }
0x61: {  	_ =	shalt  }
0x62: {  	_ =	shalt  }
0x63: {  	_ =	shalt  }
0x64: {  	_ =	shalt  }
0x65: {  	_ =	shalt  }
0x66: {  	_ =	shalt  }
0x67: {  	_ =	shalt  }
0x68: {  	_ =	shalt  }
0x69: {  	_ =	shalt  }
0x6a: {  	_ =	shalt  }
0x6b: {  	_ =	shalt  }
0x6c: {  	_ =	shalt  }
0x6d: {  	_ =	shalt  }
0x6e: {  	_ =	shalt  }
0x6f: {  	_ =	shalt  }
0x70: {  	_ =	shalt  }
0x71: {  	_ =	shalt  }
0x72: {  	_ =	shalt  }
0x73: {  	_ =	shalt  }
0x74: {  	_ =	shalt  }
0x75: {  	_ =	shalt  }
0x76: {  	_ =	shalt  }
0x77: {  	_ =	shalt  }
0x78: {  	_ =	shalt  }
0x79: {  	_ =	shalt  }
0x7a: {  	_ =	shalt  }
0x7b: {  	_ =	shalt  }
0x7c: {  	_ =	shalt  }
0x7d: {  	_ =	shalt  }
0x7e: {  	_ =	shalt  }
0x7f: {  	_ =	shalt  }
0x80: {  	_ =	shalt  }
0x81: {  	_ =	shalt  }
0x82: {  	_ =	shalt  }
0x83: {  	_ =	shalt  }
0x84: {  	_ =	shalt  }
0x85: {  	_ =	shalt  }
0x86: {  	_ =	shalt  }
0x87: {  	_ =	shalt  }
.Lfunc_end0:
.L_simem_size_0:
called_computation_lowered:
.L_overlay_start_0:
0x88: {  	s2 =	sld [smem:$0x3FD9]  }
0x89: {  	s3 =	sld [smem:$0x3FFE];
	_ =	sdelay $0x1  }
0x8a: {  	s1 =	srdreg.scid  }
0x8b: {  	s0 =	sand.u32 $0x1, s1  }
0x8c: {  	s14 =	sshll.u32 s0, $0xA;
	s2 =	sadd.s32 s3, s2  }
0x8d: {  	s2 =	sadd.s32 s2, s14  }
0x8e: {  	[smem:$0x3FC3] =	sst s2  }
0x8f: {  	_ = 	snop  }
0x90: {  	s2 =	sld [smem:$0x3FD0];
	_ =	sdelay $0x2  }
0x91: {  	s4 =	simm.s32 $0xA;
	s5 =	simm.s32 $0x10;
	s15 =	sld [smem:$0x3FC8]  }
0x92: {  	[smem:s5], [sflag:s4] =	dma.local [hbm:s2], $0x1  }
0x93: {  	_ =	swait.eq [sflag:s4], $0x1  }
0x94: {  	[sflag:s4] =	ssyncset.done $0x0  }
0x95: {  	s16 =	sld [smem:$0x10];
	[sflag:s4] =	ssyncadd.s32 $0xFFFFFFFF  }
0x96: {  	s17 =	sld [smem:$0x11];
	(tm) =	ssettm $0x1  }
0x97: {  	s18 =	sld [smem:$0x3FFB];
	_ =	sdelay $0x3  }
0x98: {  	_ =	strace s18  }
0x99: {  	s5 =	sld [smem:$0x3FFC];
	_ =	sdelay $0x3  }
0x9a: {  	_ =	strace s5  }
0x9b: {  	s5 =	sld [smem:$0x3FFD];
	_ =	sdelay $0x3  }
0x9c: {  	_ =	strace s5  }
0x9d: {  	_ =	strace $0x8FFFFFFF  }
0x9e: {  	s19 =	sld [smem:$0x3FDB];
	_ =	sdelay $0x1  }
0x9f: {  	s6 =	simm.s32 $_scs_section_size  }
0xa0: {  	s7 =	simm.s32 $_size__tile_overlayer_lowered;
	s8 =	simm.s32 $_tile_overlayer_lowered  }
0xa1: {  	s22 =	simm.s32 $0x1BFF;
	s21 =	sshll.u32 s8, $0x1;
	s5 =	sadd.s32 s6, s19  }
0xa2: {  	s9 =	simm.s32 $0x0;
	s20 =	sshll.u32 s7, $0x1;
	s7 =	sadd.s32 s21, s5  }
0xa3: {  	[timem:s9], [sflag:s22] =	dma.local [hbm:s7], s20  }
0xa4: {  	_ =	swait.ge [sflag:s22], s20  }
0xa5: {  	s6 =	ssub.s32 $0x0, s20;
	[sflag:s22] =	ssyncset.done $0x0  }
0xa6: {  	[sflag:s22] =	ssyncadd.s32 s6;
	_ =	sdelay $0x1  }
0xa7: {  	s23 =	simm.s32 $0x1B8B  }
0xa8: {  	_ =	swait.ge [sflag:s23], $0x1  }
0xa9: {  	[sflag:s23] =	ssyncset.done $0x0  }
0xaa: {  	s25 =	simm.s32 $0x1B8E;
	s24 =	sld [smem:$0x3FFE];
	[sflag:s23] =	ssyncadd.s32 $0xFFFFFFFF  }
0xab: {  	s26 =	simm.s32 $execute0_lowered;
	[smem:$0x3FD2] =	sst s25  }
0xac: {  	s7 =	sshll.u32 s26, $0x1;
	_ =	strace $0x80000046;
	[dreg:$0x1] =	wrdreg $0xFFFFFFFF  }
0xad: {  	s28 =	simm.s32 $_size_execute0_lowered;
	s5 =	sadd.s32 s5, s7;
	[dreg:$0x0] =	wrdreg $0x0  }
0xae: {  	s7 =	sshll.u32 s28, $0x1;
	[dreg:$0x2] =	wrdreg s5  }
0xaf: {  	[dreg:$0x3] =	wrdreg s7  }
0xb0: {  	[dreg:$0x4] =	wrdreg $0xC0  }
0xb1: {  	_ =	task [dreg:s9], $0x5FFFF  }
0xb2: {  	[dreg:$0x1] =	wrdreg $0xFFFFFFFF  }
0xb3: {  	[dreg:$0x0] =	wrdreg $0x60  }
0xb4: {  	[dreg:$0x2] =	wrdreg s24  }
0xb5: {  	[dreg:$0x3] =	wrdreg s15  }
0xb6: {  	[dreg:$0x4] =	wrdreg s16  }
0xb7: {  	[dreg:$0x5] =	wrdreg s17  }
0xb8: {  	[dreg:$0x6] =	wrdreg $0x9  }
0xb9: {  	_ =	task.clear_ibuf [dreg:s9], $0x7FFFF;
	_ =	strace $0x90000046  }
0xba: {  	s29 =	simm.s32 $0x9;
	_ =	strace $0x80000048  }
0xbb: {  	_ =	swait.ge [sflag:s29], $0x1  }
0xbc: {  	[sflag:s29] =	ssyncadd.s32 $0xFFFFFFFF  }
0xbd: {  	_ =	strace $0x90000048  }
0xbe: {  	_ =	sfence  }
0xbf: {  	s30 =	sld [smem:$0x0];
	_ =	sdelay $0x2  }
0xc0: {  	s31 =	sshll.u32 s1, $0xD;
	s1 =	sshrl.u32 s1, $0x2  }
0xc1: {  	s3 =	sand.u32 $0x4000, s31;
	s1 =	sadd.s32 s1, s30  }
0xc2: {  	s0 =	sor.u32 s3, s0;
	s1 =	sshll.u32 s1, $0x11  }
0xc3: {  	s0 =	sor.u32 s1, s0  }
0xc4: {  	s0 =	sadd.s32 $0x8F2B, s0  }
0xc5: {  	[sflag:s0] =	ssyncadd.remote.s32 $0x1  }
0xc6: {  	_ =	sfence.sel $0xFFFF  }
0xc7: {  	[dreg:$0x0] =	wrdreg $0xFFFFFFFF;
	(pc) =	sbr.abs _section_cstart, $3  }
0xc8: {  	[dreg:$0x1] =	wrdreg $0xFFFFFFFF  }
0xc9: {  	_ =	task.clear_ibuf [dreg:s9], $0x2FFFF;
	_ =	strace $0x9FFFFFFF  }
0xca: {  	(tm) =	ssettm $0x7FFFFFFF  }
0xcb: {  	_ =	shalt  }
tec
execute0_lowered:
.L_overlay_start_1:
0x0: {  	(tag) =	ssettag $0x1  }
0x1: {  	s7 =	rddreg [dreg:$0x0]  }
0x2: {  	s1 =	rddreg [dreg:$0x1]  }
0x3: {  	s3 =	rddreg [dreg:$0x2];
	s2 =	srdreg.scid  }
0x4: {  	s0 =	stileid.u32;
	s8 =	rddreg [dreg:$0x3]  }
0x5: {  	s4 =	simm.s32 $0x0;
	s14 =	simm.s32 $0xBD00;
	s15 =	simm.s32 $0x11D00  }
0x6: {  	s16 =	simm.s32 $0x1EC00;
	s9 =	sand.u32 $0x1, s2;
	s5 =	sshll.u32 s0, $0x1  }
0x7: {  	s17 =	simm.s32 $0x17D00;
	s18 =	simm.s32 $0x1;
	s10 =	sor.u32 s9, s5  }
0x8: {  	s19 =	simm.s32 $0xA800;
	s20 =	simm.s32 $0x0;
	s11 =	smul.u32 $0x1400, s10  }
0x9: {  	[smem:$0x7FF] =	sst s4;
	s9 =	ssub.s32 $0x2, s9;
	s12 =	smul.u32 $0x140, s10  }
0xa: {  	v2 =	vimm.f32 $0.0e+00;
	v3 =	vlaneseq.u32;
	s6 =	sadd.s32 $0x4E2C00, s7;
	s10 =	smul.u32 $0x280, s10;
	s31 =	sshrl.u32 s9, $0x1  }
0xb: {  	v4 =	vimm.s32 $0x0;
	vm0 =	vmmov $0x1;
	vm1 =	vcmask $0x320;
	_ =	strace $0x80000047;
	s5 =	sadd.s32 $0xC00, s7;
	s9 =	ssub.s32 s9, s31  }
0xc: {  	vm2 =	vcmask $0x720;
	vm3 =	vcmask $0xB20;
	vm4 =	vcmask $0xF20;
	s7 =	sadd.s32 s11, s7;
	s13 =	sadd.s32 $0x140, s12;
	s8 =	sadd.s32 s8, s10  }
0xd: {  	vm5 =	vcmask $0x1320;
	vm6 =	vcmask $0x1720;
	vm7 =	vcmask $0x1B20;
	s9 =	smax.u32 s9, $0x1;
	s10 =	simm.s32 $0x1DD00;
	s11 =	simm.s32 $0x2  }
0xe: {  	v5 =	vimm.s32 $0x140;
	v0 =	vmov s12;
	s12 =	simm.s32 $0xC0;
	v1 =	vmov s13;
	s7 =	sadd.s32 $0x27E00, s7;
	s13 =	simm.s32 $0x1EB00  }
.LBB2_1:
0xf: {  	s21 =	simm.s32 $0x0;
	s22 =	simm.s32 $0x200  }
.LBB2_2:
0x10: {  	p0 =	sne.s32 s22, $0x29E00;
	[tilespmem:s21+$0x70] =	vst v2  }
0x11: {  	[tilespmem:s21+$0x0] =	vst v2  }
0x12: {  	[tilespmem:s21+$0x10] =	vst v2  }
.Ltmp0:
0x13: {  	[tilespmem:s21+$0x20] =	vst v2;
	(pc) =	sbr.rel @p0 .LBB2_2-.Ltmp0, $4  }
0x14: {  	[tilespmem:s21+$0x30] =	vst v2  }
0x15: {  	[tilespmem:s21+$0x40] =	vst v2  }
0x16: {  	[tilespmem:s21+$0x50] =	vst v2  }
0x17: {  	[tilespmem:s21+$0x60] =	vst v2;
	s21 =	sshra.s32 s22, $0x2;
	s22 =	sadd.s32 $0x200, s22  }
0x18: {  	[tilespmem:s21+$0x70] =	vst v2  }
0x19: {  	[tilespmem:s21+$0x0] =	vst v2  }
0x1a: {  	[tilespmem:s21+$0x10] =	vst v2  }
0x1b: {  	[tilespmem:s21+$0x20] =	vst v2  }
0x1c: {  	[tilespmem:s21+$0x30] =	vst v2  }
0x1d: {  	[tilespmem:s21+$0x40] =	vst v2  }
0x1e: {  	[tilespmem:s21+$0x50] =	vst v2  }
0x1f: {  	s22 =	simm.s32 $0x0;
	[tilespmem:s21+$0x60] =	vst v2;
	s21 =	simm.s32 $0x40;
	s23 =	simm.s32 $0x0  }
.LBB2_4:
0x20: {  	p0 =	sne.s32 s21, $0x53C0;
	[tilespmem:s23+$0xA800] =	vst v2;
	s23 =	smov.u32 s21;
	s21 =	sadd.s32 $0x40, s21  }
.Ltmp1:
0x21: {  	(pc) =	sbr.rel @p0 .LBB2_4-.Ltmp1, $2  }
0x22: {  	_ =	sdelay $0x2  }
0x23: {  	s23 =	sshra.s32 s23, $0x2  }
.Ltmp2:
0x24: {  	(pc) =	sbr.rel .LBB2_6-.Ltmp2, $2  }
0x25: {  	_ =	sdelay $0x2  }
0x26: {  	[tilespmem:s23+$0xA800] =	vst v2;
	s21 =	simm.s32 $0x0  }
.LBB2_20:
0x27: {  	s21 =	sadd.s32 $0x1, s21  }
0x28: {  	p0 =	sne.s32 s21, $0xA0  }
.Ltmp3:
0x29: {  	_ = 	snop;
	(pc) =	sbr.rel @!p0 .LBB2_21-.Ltmp3, $1  }
0x2a: {  	_ =	sdelay $0x3  }
.LBB2_6:
0x2b: {  	s23 =	smul.u32 $0x7D0, s21;
	_ =	sdelay $0x1  }
0x2c: {  	s24 =	sshrl.u32 s23, $0x3  }
.Ltmp4:
0x2d: {  	s25 =	sadd.s32 s3, s24;
	s24 =	simm.s32 $0x0;
	(pc) =	sbr.rel .LBB2_7-.Ltmp4, $4  }
0x2e: {  	[tilespmem:s10], [sflag:$0x2] =	stream.linear.gather [hbm4b:s25+s24], $0x7D0, $0x38;
	[tilespmem:$0x1EE00] =	vst v63  }
0x2f: {  	_ =	swait.ge [sflag:s11], $0x7D0  }
0x30: {  	[sflag:s11] =	ssyncset.done $0x0  }
0x31: {  	[sflag:s11] =	ssyncadd.s32 $0xFFFFF830  }
.LBB2_15:
0x32: {  	p0 =	slt.u32 s24, $0x7A  }
.Ltmp5:
0x33: {  	_ = 	snop;
	(pc) =	sbr.rel @!p0 .LBB2_16-.Ltmp5, $3  }
0x34: {  	_ =	sdelay $0x1  }
0x35: {  	s2 =	sadd.s32 $0x2, s24  }
0x36: {  	s24 =	smov.u32 s2  }
.LBB2_7:
0x37: {  	s25 =	sshll.u32 s24, $0x4  }
0x38: {  	v6 =	vld [tilespmem:s25+$0x1DD00];
	_ =	sdelay $0x4  }
0x39: {  	vm8 =	vge.s32 v6, v0;
	vm9 =	vlt.s32 v6, v1  }
0x3a: {  	vm8 =	vmand vm8, vm9  }
0x3b: {  	v7 =	vsel vm8, $0x1, v4  }
0x3c: {  	(xrf0) =	vadd.scan.msk.s32 $0xffff, v7;
	_ =	sdelay $0x5  }
0x3d: {  	v7, _, _ =	vpop (xrf0)  }
0x3e: {  	(v2sf) =	vpush v7, $0xF;
	_ =	sdelay $0xe  }
0x3f: {  	s26 =	sadd.s32 s23, s25;
	s31 =	spop (v2sf)  }
0x40: {  	v7 =	vor.u32 s26, v3;
	s26 =	sadd.s32 s22, s31  }
0x41: {  	p0 =	slt.s32 s26, $0xC0  }
.Ltmp6:
0x42: {  	_ = 	snop;
	(pc) =	sbr.rel @p0 .LBB2_11-.Ltmp6, $4  }
0x43: {  	_ = 	snop  }
0x44: {  	[tilespmem:s22+$0x1E500] =	vst.msk vm8, v7  }
0x45: {  	[tilespmem:s22+$0x1E700] =	vst.msk vm8, v6;
	v6 =	vsub.s32 v6, v0  }
0x46: {  	[tilespmem:s22+$0x1E900] =	vst.msk vm8, v6  }
0x47: {  	v6 =	vld [tilespmem:$0x1E500]  }
0x48: {  	v7 =	vld [tilespmem:$0x1E700]  }
0x49: {  	v8 =	vld [tilespmem:$0x1E900]  }
0x4a: {  	v9 =	vld [tilespmem:$0x1E510]  }
0x4b: {  	v10 =	vld [tilespmem:$0x1E710]  }
0x4c: {  	[tilespmem:$0x1EB00] =	vst v6;
	v6 =	vld [tilespmem:$0x1E910]  }
0x4d: {  	v46 =	vld [tilespmem:$0x1E720];
	[tilespmem:$0x1EC00] =	vst v7  }
0x4e: {  	v47 =	vld [tilespmem:$0x1E920];
	[tilespmem:$0x1ED00] =	vst v8  }
0x4f: {  	v48 =	vld [tilespmem:$0x1E530];
	[tilespmem:$0x1EB10] =	vst v9  }
0x50: {  	v7 =	vld [tilespmem:$0x1E520];
	[tilespmem:$0x1EC10] =	vst v10  }
0x51: {  	[tilespmem:$0x1ED10] =	vst v6;
	v6 =	vld [tilespmem:$0x1E730]  }
0x52: {  	v49 =	vld [tilespmem:$0x1E540];
	[tilespmem:$0x1EC20] =	vst v46  }
0x53: {  	v50 =	vld [tilespmem:$0x1E740];
	[tilespmem:$0x1ED20] =	vst v47  }
0x54: {  	v51 =	vld [tilespmem:$0x1E940];
	[tilespmem:$0x1EB30] =	vst v48  }
0x55: {  	[tilespmem:$0x1EB20] =	vst v7;
	v7 =	vld [tilespmem:$0x1E930]  }
0x56: {  	[tilespmem:$0x1EC30] =	vst v6;
	v6 =	vld [tilespmem:$0x1E550]  }
0x57: {  	v52 =	vld [tilespmem:$0x1E950];
	[tilespmem:$0x1EB40] =	vst v49  }
0x58: {  	v53 =	vld [tilespmem:$0x1E560];
	[tilespmem:$0x1EC40] =	vst v50  }
0x59: {  	v54 =	vld [tilespmem:$0x1E760];
	[tilespmem:$0x1ED40] =	vst v51  }
0x5a: {  	[tilespmem:$0x1ED30] =	vst v7;
	v7 =	vld [tilespmem:$0x1E750]  }
0x5b: {  	[tilespmem:$0x1EB50] =	vst v6;
	v6 =	vld [tilespmem:$0x1E960]  }
0x5c: {  	v55 =	vld [tilespmem:$0x1E770];
	[tilespmem:$0x1ED50] =	vst v52  }
0x5d: {  	v56 =	vld [tilespmem:$0x1E970];
	[tilespmem:$0x1EB60] =	vst v53  }
0x5e: {  	v57 =	vld [tilespmem:$0x1E580];
	[tilespmem:$0x1EC60] =	vst v54  }
0x5f: {  	[tilespmem:$0x1EC50] =	vst v7;
	v7 =	vld [tilespmem:$0x1E570]  }
0x60: {  	[tilespmem:$0x1ED60] =	vst v6;
	v6 =	vld [tilespmem:$0x1E780]  }
0x61: {  	v58 =	vld [tilespmem:$0x1E590];
	[tilespmem:$0x1EC70] =	vst v55  }
0x62: {  	v59 =	vld [tilespmem:$0x1E790];
	[tilespmem:$0x1ED70] =	vst v56  }
0x63: {  	v60 =	vld [tilespmem:$0x1E990];
	[tilespmem:$0x1EB80] =	vst v57  }
0x64: {  	[tilespmem:$0x1EB70] =	vst v7;
	v7 =	vld [tilespmem:$0x1E980]  }
0x65: {  	[tilespmem:$0x1EC80] =	vst v6;
	v6 =	vld [tilespmem:$0x1E5A0]  }
0x66: {  	v61 =	vld [tilespmem:$0x1E9A0];
	[tilespmem:$0x1EB90] =	vst v58  }
0x67: {  	v62 =	vld [tilespmem:$0x1E5B0];
	[tilespmem:$0x1EC90] =	vst v59  }
0x68: {  	v63 =	vld [tilespmem:$0x1E7B0];
	[tilespmem:$0x1ED90] =	vst v60  }
0x69: {  	[tilespmem:$0x1ED80] =	vst v7;
	v7 =	vld [tilespmem:$0x1E7A0]  }
0x6a: {  	[tilespmem:$0x1EBA0] =	vst v6;
	v6 =	vld [tilespmem:$0x1E9B0]  }
0x6b: {  	[tilespmem:$0x1EDA0] =	vst v61  }
0x6c: {  	[tilespmem:$0x1EBB0] =	vst v62  }
0x6d: {  	[tilespmem:$0x1ECB0] =	vst v63  }
0x6e: {  	[tilespmem:$0x1ECA0] =	vst v7  }
0x6f: {  	[tilespmem:$0x1EDB0] =	vst v6  }
0x70: {  	[tilespmem:s14], [sflag:$0x1] =	stream.indirect.gather [hbm4b:s1+s12], $0x80, s13, s12, $0xb8;
	[tilespmem:$0x1EE00] =	vst v63  }
0x71: {  	_ = 	snop  }
0x72: {  	[tilespmem:s15], [sflag:$0x1] =	stream.indirect.gather [hbm4b:s6+s12], $0x80, s13, s12, $0xb8;
	[tilespmem:$0x1EE00] =	vst v63  }
0x73: {  	_ = 	snop  }
0x74: {  	[tilespmem:s17], [sflag:$0x1] =	stream.indirect.gather [hbm4b:s5+s12], $0x80, s16, s12, $0xb8;
	[tilespmem:$0x1EE00] =	vst v63  }
0x75: {  	_ =	swait.ge [sflag:s18], $0x6000  }
0x76: {  	[sflag:s18] =	ssyncset.done $0x0  }
0x77: {  	[sflag:s18] =	ssyncadd.s32 $0xFFFFA000  }
0x78: {  	_ =	swait.ge [sflag:s18], $0x6000  }
0x79: {  	[sflag:s18] =	ssyncset.done $0x0  }
0x7a: {  	[sflag:s18] =	ssyncadd.s32 $0xFFFFA000  }
0x7b: {  	_ =	swait.ge [sflag:s18], $0x6000  }
0x7c: {  	[sflag:s18] =	ssyncset.done $0x0  }
0x7d: {  	s22 =	simm.s32 $0x0;
	s28 =	simm.s32 $0x1ED00;
	[sflag:s18] =	ssyncadd.s32 $0xFFFFA000  }
.LBB2_9:
0x7e: {  	s29 =	sshra.s32 s22, $0x2  }
0x7f: {  	v6 =	vld [tilespmem:s29+$0xBD00]  }
0x80: {  	v7 =	vld [tilespmem:s29+$0x17D00];
	_ =	sdelay $0x4  }
0x81: {  	v6 =	vmul.f32 v7, v6;
	_ =	sdelay $0x1  }
0x82: {  	(xrf2) =	vadd.scan.msk.f32 $0xffff, v6;
	_ =	sdelay $0x4  }
0x83: {  	v6 =	vld [tilespmem:s28+$0x0];
	_ =	sdelay $0x4  }
0x84: {  	(v2sf) =	vpush v6, $0x0;
	v6, _, _ =	vpop (xrf2)  }
0x85: {  	(v2sf) =	vpush v6, $0xF;
	_ =	sdelay $0xd  }
0x86: {  	s30 =	spop (v2sf)  }
0x87: {  	s31 =	spop (v2sf)  }
0x88: {  	s31 =	smul.f32 $8.838834610e-02, s31;
	_ =	sdelay $0x1  }
0x89: {  	v6 =	vmov s31  }
0x8a: {  	v6 =	vmul.f32 $1.442695020e+00, v6;
	_ =	sdelay $0x1  }
0x8b: {  	v6 =	vbroadcast v6, $0x0;
	_ =	sdelay $0x1  }
0x8c: {  	(erf) = vpow2.f32 v6;
	_ =	sdelay $0x4  }
0x8d: {  	v7 =	vld [tilespmem:s29+$0x11D00];
	s2 =	sshll.u32 s30, $0x9  }
0x8e: {  	s31 =	sshra.s32 s2, $0x2  }
0x8f: {  	v8 =	vld [tilespmem:s31+$0x0];
	_ =	sdelay $0x1  }
0x90: {  	v6 =	vpop (erf)  }
0x91: {  	v7 =	vmul.f32 v6, v7;
	_ =	sdelay $0x1  }
0x92: {  	v7 =	vadd.f32 v7, v8;
	_ =	sdelay $0x1  }
0x93: {  	[tilespmem:s31+$0x0] =	vst v7  }
0x94: {  	v7 =	vld [tilespmem:s29+$0xBD10]  }
0x95: {  	v50 =	vld [tilespmem:s29+$0x17D10];
	_ =	sdelay $0x4  }
0x96: {  	v7 =	vmul.f32 v50, v7;
	_ =	sdelay $0x1  }
0x97: {  	(xrf2) =	vadd.scan.msk.f32 $0xffff, v7;
	_ =	sdelay $0x9  }
0x98: {  	v7, _, _ =	vpop (xrf2)  }
0x99: {  	(v2sf) =	vpush v7, $0xF;
	_ =	sdelay $0xe  }
0x9a: {  	s2 =	spop (v2sf)  }
0x9b: {  	s2 =	smul.f32 $8.838834610e-02, s2;
	_ =	sdelay $0x1  }
0x9c: {  	v7 =	vmov s2  }
0x9d: {  	v7 =	vmul.f32 $1.442695020e+00, v7;
	_ =	sdelay $0x1  }
0x9e: {  	v7 =	vbroadcast v7, $0x0;
	_ =	sdelay $0x1  }
0x9f: {  	(erf) = vpow2.f32 v7;
	_ =	sdelay $0x4  }
0xa0: {  	v7 =	vld [tilespmem:s29+$0x11D10];
	_ =	sdelay $0x1  }
0xa1: {  	v51 =	vld [tilespmem:s31+$0x10];
	_ =	sdelay $0x1  }
0xa2: {  	v9 =	vpop (erf)  }
0xa3: {  	v7 =	vmul.f32 v9, v7;
	_ =	sdelay $0x1  }
0xa4: {  	v7 =	vadd.f32 v7, v51;
	_ =	sdelay $0x1  }
0xa5: {  	[tilespmem:s31+$0x10] =	vst v7  }
0xa6: {  	v7 =	vld [tilespmem:s29+$0xBD20]  }
0xa7: {  	v52 =	vld [tilespmem:s29+$0x17D20];
	_ =	sdelay $0x4  }
0xa8: {  	v7 =	vmul.f32 v52, v7;
	_ =	sdelay $0x1  }
0xa9: {  	(xrf2) =	vadd.scan.msk.f32 $0xffff, v7;
	_ =	sdelay $0x9  }
0xaa: {  	v7, _, _ =	vpop (xrf2)  }
0xab: {  	(v2sf) =	vpush v7, $0xF;
	_ =	sdelay $0xe  }
0xac: {  	s2 =	spop (v2sf)  }
0xad: {  	s2 =	smul.f32 $8.838834610e-02, s2;
	_ =	sdelay $0x1  }
0xae: {  	v7 =	vmov s2  }
0xaf: {  	v7 =	vmul.f32 $1.442695020e+00, v7;
	_ =	sdelay $0x1  }
0xb0: {  	v7 =	vbroadcast v7, $0x0;
	_ =	sdelay $0x1  }
0xb1: {  	(erf) = vpow2.f32 v7;
	_ =	sdelay $0x4  }
0xb2: {  	v7 =	vld [tilespmem:s29+$0x11D20];
	_ =	sdelay $0x1  }
0xb3: {  	v53 =	vld [tilespmem:s31+$0x20];
	_ =	sdelay $0x1  }
0xb4: {  	v10 =	vpop (erf)  }
0xb5: {  	v7 =	vmul.f32 v10, v7;
	_ =	sdelay $0x1  }
0xb6: {  	v7 =	vadd.f32 v7, v53;
	_ =	sdelay $0x1  }
0xb7: {  	[tilespmem:s31+$0x20] =	vst v7  }
0xb8: {  	v7 =	vld [tilespmem:s29+$0xBD30]  }
0xb9: {  	v54 =	vld [tilespmem:s29+$0x17D30];
	_ =	sdelay $0x4  }
0xba: {  	v7 =	vmul.f32 v54, v7;
	_ =	sdelay $0x1  }
0xbb: {  	(xrf2) =	vadd.scan.msk.f32 $0xffff, v7;
	_ =	sdelay $0x9  }
0xbc: {  	v7, _, _ =	vpop (xrf2)  }
0xbd: {  	(v2sf) =	vpush v7, $0xF;
	_ =	sdelay $0xe  }
0xbe: {  	s2 =	spop (v2sf)  }
0xbf: {  	s2 =	smul.f32 $8.838834610e-02, s2;
	_ =	sdelay $0x1  }
0xc0: {  	v7 =	vmov s2  }
0xc1: {  	v7 =	vmul.f32 $1.442695020e+00, v7;
	_ =	sdelay $0x1  }
0xc2: {  	v7 =	vbroadcast v7, $0x0;
	_ =	sdelay $0x1  }
0xc3: {  	(erf) = vpow2.f32 v7;
	_ =	sdelay $0x4  }
0xc4: {  	v7 =	vld [tilespmem:s29+$0x11D30];
	_ =	sdelay $0x1  }
0xc5: {  	v55 =	vld [tilespmem:s31+$0x30];
	_ =	sdelay $0x1  }
0xc6: {  	v11 =	vpop (erf)  }
0xc7: {  	v7 =	vmul.f32 v11, v7;
	_ =	sdelay $0x1  }
0xc8: {  	v7 =	vadd.f32 v7, v55;
	_ =	sdelay $0x1  }
0xc9: {  	[tilespmem:s31+$0x30] =	vst v7  }
0xca: {  	v7 =	vld [tilespmem:s29+$0xBD40]  }
0xcb: {  	v56 =	vld [tilespmem:s29+$0x17D40];
	_ =	sdelay $0x4  }
0xcc: {  	v7 =	vmul.f32 v56, v7;
	_ =	sdelay $0x1  }
0xcd: {  	(xrf2) =	vadd.scan.msk.f32 $0xffff, v7;
	_ =	sdelay $0x9  }
0xce: {  	v7, _, _ =	vpop (xrf2)  }
0xcf: {  	(v2sf) =	vpush v7, $0xF;
	_ =	sdelay $0xe  }
0xd0: {  	s2 =	spop (v2sf)  }
0xd1: {  	s2 =	smul.f32 $8.838834610e-02, s2;
	_ =	sdelay $0x1  }
0xd2: {  	v7 =	vmov s2  }
0xd3: {  	v7 =	vmul.f32 $1.442695020e+00, v7;
	_ =	sdelay $0x1  }
0xd4: {  	v7 =	vbroadcast v7, $0x0;
	_ =	sdelay $0x1  }
0xd5: {  	(erf) = vpow2.f32 v7;
	_ =	sdelay $0x4  }
0xd6: {  	v7 =	vld [tilespmem:s29+$0x11D40];
	_ =	sdelay $0x1  }
0xd7: {  	v57 =	vld [tilespmem:s31+$0x40];
	_ =	sdelay $0x1  }
0xd8: {  	v12 =	vpop (erf)  }
0xd9: {  	v7 =	vmul.f32 v12, v7;
	_ =	sdelay $0x1  }
0xda: {  	v7 =	vadd.f32 v7, v57;
	_ =	sdelay $0x1  }
0xdb: {  	[tilespmem:s31+$0x40] =	vst v7  }
0xdc: {  	v7 =	vld [tilespmem:s29+$0xBD50]  }
0xdd: {  	v58 =	vld [tilespmem:s29+$0x17D50];
	_ =	sdelay $0x4  }
0xde: {  	v7 =	vmul.f32 v58, v7;
	_ =	sdelay $0x1  }
0xdf: {  	(xrf2) =	vadd.scan.msk.f32 $0xffff, v7;
	_ =	sdelay $0x9  }
0xe0: {  	v7, _, _ =	vpop (xrf2)  }
0xe1: {  	(v2sf) =	vpush v7, $0xF;
	_ =	sdelay $0xe  }
0xe2: {  	s2 =	spop (v2sf)  }
0xe3: {  	s2 =	smul.f32 $8.838834610e-02, s2;
	_ =	sdelay $0x1  }
0xe4: {  	v7 =	vmov s2  }
0xe5: {  	v7 =	vmul.f32 $1.442695020e+00, v7;
	_ =	sdelay $0x1  }
0xe6: {  	v7 =	vbroadcast v7, $0x0;
	_ =	sdelay $0x1  }
0xe7: {  	(erf) = vpow2.f32 v7;
	_ =	sdelay $0x4  }
0xe8: {  	v7 =	vld [tilespmem:s29+$0x11D50];
	_ =	sdelay $0x1  }
0xe9: {  	v59 =	vld [tilespmem:s31+$0x50];
	_ =	sdelay $0x1  }
0xea: {  	v13 =	vpop (erf)  }
0xeb: {  	v7 =	vmul.f32 v13, v7;
	_ =	sdelay $0x1  }
0xec: {  	v7 =	vadd.f32 v7, v59;
	_ =	sdelay $0x1  }
0xed: {  	[tilespmem:s31+$0x50] =	vst v7  }
0xee: {  	v7 =	vld [tilespmem:s29+$0xBD60]  }
0xef: {  	v60 =	vld [tilespmem:s29+$0x17D60];
	_ =	sdelay $0x4  }
0xf0: {  	v7 =	vmul.f32 v60, v7;
	_ =	sdelay $0x1  }
0xf1: {  	(xrf2) =	vadd.scan.msk.f32 $0xffff, v7;
	_ =	sdelay $0x9  }
0xf2: {  	v7, _, _ =	vpop (xrf2)  }
0xf3: {  	(v2sf) =	vpush v7, $0xF;
	_ =	sdelay $0xe  }
0xf4: {  	s2 =	spop (v2sf)  }
0xf5: {  	s2 =	smul.f32 $8.838834610e-02, s2;
	_ =	sdelay $0x1  }
0xf6: {  	v7 =	vmov s2  }
0xf7: {  	v7 =	vmul.f32 $1.442695020e+00, v7;
	_ =	sdelay $0x1  }
0xf8: {  	v7 =	vbroadcast v7, $0x0;
	_ =	sdelay $0x1  }
0xf9: {  	(erf) = vpow2.f32 v7;
	_ =	sdelay $0x4  }
0xfa: {  	v7 =	vld [tilespmem:s29+$0x11D60];
	_ =	sdelay $0x1  }
0xfb: {  	v61 =	vld [tilespmem:s31+$0x60];
	_ =	sdelay $0x1  }
0xfc: {  	v14 =	vpop (erf)  }
0xfd: {  	v7 =	vmul.f32 v14, v7;
	_ =	sdelay $0x1  }
0xfe: {  	v7 =	vadd.f32 v7, v61;
	_ =	sdelay $0x1  }
0xff: {  	[tilespmem:s31+$0x60] =	vst v7  }
0x100: {  	v7 =	vld [tilespmem:s29+$0xBD70]  }
0x101: {  	v62 =	vld [tilespmem:s29+$0x17D70];
	_ =	sdelay $0x4  }
0x102: {  	v7 =	vmul.f32 v62, v7;
	_ =	sdelay $0x1  }
0x103: {  	(xrf2) =	vadd.scan.msk.f32 $0xffff, v7;
	_ =	sdelay $0x9  }
0x104: {  	v7, _, _ =	vpop (xrf2)  }
0x105: {  	(v2sf) =	vpush v7, $0xF;
	_ =	sdelay $0xe  }
0x106: {  	s2 =	spop (v2sf)  }
0x107: {  	s2 =	smul.f32 $8.838834610e-02, s2;
	_ =	sdelay $0x1  }
0x108: {  	v7 =	vmov s2  }
0x109: {  	v7 =	vmul.f32 $1.442695020e+00, v7;
	_ =	sdelay $0x1  }
0x10a: {  	v7 =	vbroadcast v7, $0x0;
	_ =	sdelay $0x1  }
0x10b: {  	(erf) = vpow2.f32 v7;
	_ =	sdelay $0x4  }
0x10c: {  	v7 =	vld [tilespmem:s29+$0x11D70];
	_ =	sdelay $0x1  }
0x10d: {  	v63 =	vld [tilespmem:s31+$0x70];
	_ =	sdelay $0x1  }
0x10e: {  	v15 =	vpop (erf)  }
0x10f: {  	v7 =	vmul.f32 v15, v7;
	_ =	sdelay $0x1  }
0x110: {  	v6 =	vnsel vm0, $0x0, v6;
	v7 =	vadd.f32 v7, v63  }
0x111: {  	s30 =	sshll.u32 s30, $0x6;
	v6 =	vsel vm1, v6, v9  }
0x112: {  	v6 =	vsel vm2, v6, v10;
	s2 =	sshra.s32 s30, $0x2;
	[tilespmem:s31+$0x70] =	vst v7  }
0x113: {  	v6 =	vsel vm3, v6, v11;
	v7 =	vld [tilespmem:s2+$0xA800]  }
0x114: {  	v6 =	vsel vm4, v6, v12  }
0x115: {  	p0 =	sne.s32 s22, $0x17E00;
	v6 =	vsel vm5, v6, v13  }
.Ltmp7:
0x116: {  	v6 =	vsel vm6, v6, v14;
	(pc) =	sbr.rel @p0 .LBB2_9-.Ltmp7, $3  }
0x117: {  	v6 =	vsel vm7, v6, v15  }
0x118: {  	v6 =	vadd.f32 v6, v7;
	_ =	sdelay $0x1  }
0x119: {  	s22 =	sadd.s32 $0x200, s22;
	s28 =	sadd.s32 $0x1, s28;
	[tilespmem:s2+$0xA800] =	vst v6  }
0x11a: {  	v6 =	vld [tilespmem:$0x1E5C0]  }
0x11b: {  	v7 =	vld [tilespmem:$0x1E7C0]  }
0x11c: {  	v8 =	vld [tilespmem:$0x1E9C0];
	_ =	sdelay $0x2  }
0x11d: {  	[tilespmem:$0x1E500] =	vst v6  }
0x11e: {  	[tilespmem:$0x1E700] =	vst v7  }
0x11f: {  	s26 =	sadd.s32 $0xFFFFFF40, s26;
	[tilespmem:$0x1E900] =	vst v8  }
.LBB2_11:
0x120: {  	v6 =	vld [tilespmem:s25+$0x1DD10];
	_ =	sdelay $0x4  }
0x121: {  	vm8 =	vge.s32 v6, v0;
	vm9 =	vlt.s32 v6, v1  }
0x122: {  	vm8 =	vmand vm8, vm9  }
0x123: {  	v7 =	vsel vm8, $0x1, v4  }
0x124: {  	(xrf0) =	vadd.scan.msk.s32 $0xffff, v7;
	_ =	sdelay $0x5  }
0x125: {  	v7, _, _ =	vpop (xrf0)  }
0x126: {  	(v2sf) =	vpush v7, $0xF;
	_ =	sdelay $0xe  }
0x127: {  	s31 =	spop (v2sf)  }
0x128: {  	s22 =	sadd.s32 s26, s31  }
0x129: {  	s2 =	sadd.s32 s25, s23;
	p0 =	slt.s32 s22, $0xC0  }
.Ltmp8:
0x12a: {  	s2 =	sadd.s32 $0x10, s2;
	(pc) =	sbr.rel @p0 .LBB2_15-.Ltmp8, $4  }
0x12b: {  	v7 =	vor.u32 s2, v3  }
0x12c: {  	[tilespmem:s26+$0x1E500] =	vst.msk vm8, v7  }
0x12d: {  	[tilespmem:s26+$0x1E700] =	vst.msk vm8, v6;
	v6 =	vsub.s32 v6, v0  }
0x12e: {  	[tilespmem:s26+$0x1E900] =	vst.msk vm8, v6  }
0x12f: {  	v6 =	vld [tilespmem:$0x1E500]  }
0x130: {  	v7 =	vld [tilespmem:$0x1E700]  }
0x131: {  	v8 =	vld [tilespmem:$0x1E900]  }
0x132: {  	v9 =	vld [tilespmem:$0x1E510]  }
0x133: {  	v10 =	vld [tilespmem:$0x1E710]  }
0x134: {  	[tilespmem:$0x1EB00] =	vst v6;
	v6 =	vld [tilespmem:$0x1E910]  }
0x135: {  	v46 =	vld [tilespmem:$0x1E720];
	[tilespmem:$0x1EC00] =	vst v7  }
0x136: {  	v47 =	vld [tilespmem:$0x1E920];
	[tilespmem:$0x1ED00] =	vst v8  }
0x137: {  	v48 =	vld [tilespmem:$0x1E530];
	[tilespmem:$0x1EB10] =	vst v9  }
0x138: {  	v7 =	vld [tilespmem:$0x1E520];
	[tilespmem:$0x1EC10] =	vst v10  }
0x139: {  	[tilespmem:$0x1ED10] =	vst v6;
	v6 =	vld [tilespmem:$0x1E730]  }
0x13a: {  	v49 =	vld [tilespmem:$0x1E540];
	[tilespmem:$0x1EC20] =	vst v46  }
0x13b: {  	v50 =	vld [tilespmem:$0x1E740];
	[tilespmem:$0x1ED20] =	vst v47  }
0x13c: {  	v51 =	vld [tilespmem:$0x1E940];
	[tilespmem:$0x1EB30] =	vst v48  }
0x13d: {  	[tilespmem:$0x1EB20] =	vst v7;
	v7 =	vld [tilespmem:$0x1E930]  }
0x13e: {  	[tilespmem:$0x1EC30] =	vst v6;
	v6 =	vld [tilespmem:$0x1E550]  }
0x13f: {  	v52 =	vld [tilespmem:$0x1E950];
	[tilespmem:$0x1EB40] =	vst v49  }
0x140: {  	v53 =	vld [tilespmem:$0x1E560];
	[tilespmem:$0x1EC40] =	vst v50  }
0x141: {  	v54 =	vld [tilespmem:$0x1E760];
	[tilespmem:$0x1ED40] =	vst v51  }
0x142: {  	[tilespmem:$0x1ED30] =	vst v7;
	v7 =	vld [tilespmem:$0x1E750]  }
0x143: {  	[tilespmem:$0x1EB50] =	vst v6;
	v6 =	vld [tilespmem:$0x1E960]  }
0x144: {  	v55 =	vld [tilespmem:$0x1E770];
	[tilespmem:$0x1ED50] =	vst v52  }
0x145: {  	v56 =	vld [tilespmem:$0x1E970];
	[tilespmem:$0x1EB60] =	vst v53  }
0x146: {  	v57 =	vld [tilespmem:$0x1E580];
	[tilespmem:$0x1EC60] =	vst v54  }
0x147: {  	[tilespmem:$0x1EC50] =	vst v7;
	v7 =	vld [tilespmem:$0x1E570]  }
0x148: {  	[tilespmem:$0x1ED60] =	vst v6;
	v6 =	vld [tilespmem:$0x1E780]  }
0x149: {  	v58 =	vld [tilespmem:$0x1E590];
	[tilespmem:$0x1EC70] =	vst v55  }
0x14a: {  	v59 =	vld [tilespmem:$0x1E790];
	[tilespmem:$0x1ED70] =	vst v56  }
0x14b: {  	v60 =	vld [tilespmem:$0x1E990];
	[tilespmem:$0x1EB80] =	vst v57  }
0x14c: {  	[tilespmem:$0x1EB70] =	vst v7;
	v7 =	vld [tilespmem:$0x1E980]  }
0x14d: {  	[tilespmem:$0x1EC80] =	vst v6;
	v6 =	vld [tilespmem:$0x1E5A0]  }
0x14e: {  	v61 =	vld [tilespmem:$0x1E9A0];
	[tilespmem:$0x1EB90] =	vst v58  }
0x14f: {  	v62 =	vld [tilespmem:$0x1E5B0];
	[tilespmem:$0x1EC90] =	vst v59  }
0x150: {  	v63 =	vld [tilespmem:$0x1E7B0];
	[tilespmem:$0x1ED90] =	vst v60  }
0x151: {  	[tilespmem:$0x1ED80] =	vst v7;
	v7 =	vld [tilespmem:$0x1E7A0]  }
0x152: {  	[tilespmem:$0x1EBA0] =	vst v6;
	v6 =	vld [tilespmem:$0x1E9B0]  }
0x153: {  	[tilespmem:$0x1EDA0] =	vst v61  }
0x154: {  	[tilespmem:$0x1EBB0] =	vst v62  }
0x155: {  	[tilespmem:$0x1ECB0] =	vst v63  }
0x156: {  	[tilespmem:$0x1ECA0] =	vst v7  }
0x157: {  	[tilespmem:$0x1EDB0] =	vst v6  }
0x158: {  	[tilespmem:s14], [sflag:$0x1] =	stream.indirect.gather [hbm4b:s1+s12], $0x80, s13, s12, $0xb8;
	[tilespmem:$0x1EE00] =	vst v63  }
0x159: {  	_ = 	snop  }
0x15a: {  	[tilespmem:s15], [sflag:$0x1] =	stream.indirect.gather [hbm4b:s6+s12], $0x80, s13, s12, $0xb8;
	[tilespmem:$0x1EE00] =	vst v63  }
0x15b: {  	_ = 	snop  }
0x15c: {  	[tilespmem:s17], [sflag:$0x1] =	stream.indirect.gather [hbm4b:s5+s12], $0x80, s16, s12, $0xb8;
	[tilespmem:$0x1EE00] =	vst v63  }
0x15d: {  	_ =	swait.ge [sflag:s18], $0x6000  }
0x15e: {  	[sflag:s18] =	ssyncset.done $0x0  }
0x15f: {  	[sflag:s18] =	ssyncadd.s32 $0xFFFFA000  }
0x160: {  	_ =	swait.ge [sflag:s18], $0x6000  }
0x161: {  	[sflag:s18] =	ssyncset.done $0x0  }
0x162: {  	[sflag:s18] =	ssyncadd.s32 $0xFFFFA000  }
0x163: {  	_ =	swait.ge [sflag:s18], $0x6000  }
0x164: {  	[sflag:s18] =	ssyncset.done $0x0  }
0x165: {  	s25 =	simm.s32 $0x0;
	s26 =	simm.s32 $0x1ED00;
	[sflag:s18] =	ssyncadd.s32 $0xFFFFA000  }
.LBB2_13:
0x166: {  	s28 =	sshra.s32 s25, $0x2  }
0x167: {  	v6 =	vld [tilespmem:s28+$0xBD00]  }
0x168: {  	v7 =	vld [tilespmem:s28+$0x17D00];
	_ =	sdelay $0x4  }
0x169: {  	v6 =	vmul.f32 v7, v6;
	_ =	sdelay $0x1  }
0x16a: {  	(xrf2) =	vadd.scan.msk.f32 $0xffff, v6;
	_ =	sdelay $0x4  }
0x16b: {  	v6 =	vld [tilespmem:s26+$0x0];
	_ =	sdelay $0x4  }
0x16c: {  	(v2sf) =	vpush v6, $0x0;
	v6, _, _ =	vpop (xrf2)  }
0x16d: {  	(v2sf) =	vpush v6, $0xF;
	_ =	sdelay $0xd  }
0x16e: {  	s29 =	spop (v2sf)  }
0x16f: {  	s2 =	spop (v2sf)  }
0x170: {  	s2 =	smul.f32 $8.838834610e-02, s2;
	_ =	sdelay $0x1  }
0x171: {  	v6 =	vmov s2  }
0x172: {  	v6 =	vmul.f32 $1.442695020e+00, v6;
	_ =	sdelay $0x1  }
0x173: {  	v6 =	vbroadcast v6, $0x0;
	_ =	sdelay $0x1  }
0x174: {  	(erf) = vpow2.f32 v6;
	_ =	sdelay $0x4  }
0x175: {  	v7 =	vld [tilespmem:s28+$0x11D00];
	s30 =	sshll.u32 s29, $0x9  }
0x176: {  	s30 =	sshra.s32 s30, $0x2  }
0x177: {  	v8 =	vld [tilespmem:s30+$0x0];
	_ =	sdelay $0x1  }
0x178: {  	v6 =	vpop (erf)  }
0x179: {  	v7 =	vmul.f32 v6, v7;
	_ =	sdelay $0x1  }
0x17a: {  	v7 =	vadd.f32 v7, v8;
	_ =	sdelay $0x1  }
0x17b: {  	[tilespmem:s30+$0x0] =	vst v7  }
0x17c: {  	v7 =	vld [tilespmem:s28+$0xBD10]  }
0x17d: {  	v50 =	vld [tilespmem:s28+$0x17D10];
	_ =	sdelay $0x4  }
0x17e: {  	v7 =	vmul.f32 v50, v7;
	_ =	sdelay $0x1  }
0x17f: {  	(xrf2) =	vadd.scan.msk.f32 $0xffff, v7;
	_ =	sdelay $0x9  }
0x180: {  	v7, _, _ =	vpop (xrf2)  }
0x181: {  	(v2sf) =	vpush v7, $0xF;
	_ =	sdelay $0xe  }
0x182: {  	s31 =	spop (v2sf)  }
0x183: {  	s2 =	smul.f32 $8.838834610e-02, s31;
	_ =	sdelay $0x1  }
0x184: {  	v7 =	vmov s2  }
0x185: {  	v7 =	vmul.f32 $1.442695020e+00, v7;
	_ =	sdelay $0x1  }
0x186: {  	v7 =	vbroadcast v7, $0x0;
	_ =	sdelay $0x1  }
0x187: {  	(erf) = vpow2.f32 v7;
	_ =	sdelay $0x4  }
0x188: {  	v7 =	vld [tilespmem:s28+$0x11D10];
	_ =	sdelay $0x1  }
0x189: {  	v51 =	vld [tilespmem:s30+$0x10];
	_ =	sdelay $0x1  }
0x18a: {  	v9 =	vpop (erf)  }
0x18b: {  	v7 =	vmul.f32 v9, v7;
	_ =	sdelay $0x1  }
0x18c: {  	v7 =	vadd.f32 v7, v51;
	_ =	sdelay $0x1  }
0x18d: {  	[tilespmem:s30+$0x10] =	vst v7  }
0x18e: {  	v7 =	vld [tilespmem:s28+$0xBD20]  }
0x18f: {  	v52 =	vld [tilespmem:s28+$0x17D20];
	_ =	sdelay $0x4  }
0x190: {  	v7 =	vmul.f32 v52, v7;
	_ =	sdelay $0x1  }
0x191: {  	(xrf2) =	vadd.scan.msk.f32 $0xffff, v7;
	_ =	sdelay $0x9  }
0x192: {  	v7, _, _ =	vpop (xrf2)  }
0x193: {  	(v2sf) =	vpush v7, $0xF;
	_ =	sdelay $0xe  }
0x194: {  	s31 =	spop (v2sf)  }
0x195: {  	s2 =	smul.f32 $8.838834610e-02, s31;
	_ =	sdelay $0x1  }
0x196: {  	v7 =	vmov s2  }
0x197: {  	v7 =	vmul.f32 $1.442695020e+00, v7;
	_ =	sdelay $0x1  }
0x198: {  	v7 =	vbroadcast v7, $0x0;
	_ =	sdelay $0x1  }
0x199: {  	(erf) = vpow2.f32 v7;
	_ =	sdelay $0x4  }
0x19a: {  	v7 =	vld [tilespmem:s28+$0x11D20];
	_ =	sdelay $0x1  }
0x19b: {  	v53 =	vld [tilespmem:s30+$0x20];
	_ =	sdelay $0x1  }
0x19c: {  	v10 =	vpop (erf)  }
0x19d: {  	v7 =	vmul.f32 v10, v7;
	_ =	sdelay $0x1  }
0x19e: {  	v7 =	vadd.f32 v7, v53;
	_ =	sdelay $0x1  }
0x19f: {  	[tilespmem:s30+$0x20] =	vst v7  }
0x1a0: {  	v7 =	vld [tilespmem:s28+$0xBD30]  }
0x1a1: {  	v54 =	vld [tilespmem:s28+$0x17D30];
	_ =	sdelay $0x4  }
0x1a2: {  	v7 =	vmul.f32 v54, v7;
	_ =	sdelay $0x1  }
0x1a3: {  	(xrf2) =	vadd.scan.msk.f32 $0xffff, v7;
	_ =	sdelay $0x9  }
0x1a4: {  	v7, _, _ =	vpop (xrf2)  }
0x1a5: {  	(v2sf) =	vpush v7, $0xF;
	_ =	sdelay $0xe  }
0x1a6: {  	s31 =	spop (v2sf)  }
0x1a7: {  	s2 =	smul.f32 $8.838834610e-02, s31;
	_ =	sdelay $0x1  }
0x1a8: {  	v7 =	vmov s2  }
0x1a9: {  	v7 =	vmul.f32 $1.442695020e+00, v7;
	_ =	sdelay $0x1  }
0x1aa: {  	v7 =	vbroadcast v7, $0x0;
	_ =	sdelay $0x1  }
0x1ab: {  	(erf) = vpow2.f32 v7;
	_ =	sdelay $0x4  }
0x1ac: {  	v7 =	vld [tilespmem:s28+$0x11D30];
	_ =	sdelay $0x1  }
0x1ad: {  	v55 =	vld [tilespmem:s30+$0x30];
	_ =	sdelay $0x1  }
0x1ae: {  	v11 =	vpop (erf)  }
0x1af: {  	v7 =	vmul.f32 v11, v7;
	_ =	sdelay $0x1  }
0x1b0: {  	v7 =	vadd.f32 v7, v55;
	_ =	sdelay $0x1  }
0x1b1: {  	[tilespmem:s30+$0x30] =	vst v7  }
0x1b2: {  	v7 =	vld [tilespmem:s28+$0xBD40]  }
0x1b3: {  	v56 =	vld [tilespmem:s28+$0x17D40];
	_ =	sdelay $0x4  }
0x1b4: {  	v7 =	vmul.f32 v56, v7;
	_ =	sdelay $0x1  }
0x1b5: {  	(xrf2) =	vadd.scan.msk.f32 $0xffff, v7;
	_ =	sdelay $0x9  }
0x1b6: {  	v7, _, _ =	vpop (xrf2)  }
0x1b7: {  	(v2sf) =	vpush v7, $0xF;
	_ =	sdelay $0xe  }
0x1b8: {  	s31 =	spop (v2sf)  }
0x1b9: {  	s2 =	smul.f32 $8.838834610e-02, s31;
	_ =	sdelay $0x1  }
0x1ba: {  	v7 =	vmov s2  }
0x1bb: {  	v7 =	vmul.f32 $1.442695020e+00, v7;
	_ =	sdelay $0x1  }
0x1bc: {  	v7 =	vbroadcast v7, $0x0;
	_ =	sdelay $0x1  }
0x1bd: {  	(erf) = vpow2.f32 v7;
	_ =	sdelay $0x4  }
0x1be: {  	v7 =	vld [tilespmem:s28+$0x11D40];
	_ =	sdelay $0x1  }
0x1bf: {  	v57 =	vld [tilespmem:s30+$0x40];
	_ =	sdelay $0x1  }
0x1c0: {  	v12 =	vpop (erf)  }
0x1c1: {  	v7 =	vmul.f32 v12, v7;
	_ =	sdelay $0x1  }
0x1c2: {  	v7 =	vadd.f32 v7, v57;
	_ =	sdelay $0x1  }
0x1c3: {  	[tilespmem:s30+$0x40] =	vst v7  }
0x1c4: {  	v7 =	vld [tilespmem:s28+$0xBD50]  }
0x1c5: {  	v58 =	vld [tilespmem:s28+$0x17D50];
	_ =	sdelay $0x4  }
0x1c6: {  	v7 =	vmul.f32 v58, v7;
	_ =	sdelay $0x1  }
0x1c7: {  	(xrf2) =	vadd.scan.msk.f32 $0xffff, v7;
	_ =	sdelay $0x9  }
0x1c8: {  	v7, _, _ =	vpop (xrf2)  }
0x1c9: {  	(v2sf) =	vpush v7, $0xF;
	_ =	sdelay $0xe  }
0x1ca: {  	s31 =	spop (v2sf)  }
0x1cb: {  	s2 =	smul.f32 $8.838834610e-02, s31;
	_ =	sdelay $0x1  }
0x1cc: {  	v7 =	vmov s2  }
0x1cd: {  	v7 =	vmul.f32 $1.442695020e+00, v7;
	_ =	sdelay $0x1  }
0x1ce: {  	v7 =	vbroadcast v7, $0x0;
	_ =	sdelay $0x1  }
0x1cf: {  	(erf) = vpow2.f32 v7;
	_ =	sdelay $0x4  }
0x1d0: {  	v7 =	vld [tilespmem:s28+$0x11D50];
	_ =	sdelay $0x1  }
0x1d1: {  	v59 =	vld [tilespmem:s30+$0x50];
	_ =	sdelay $0x1  }
0x1d2: {  	v13 =	vpop (erf)  }
0x1d3: {  	v7 =	vmul.f32 v13, v7;
	_ =	sdelay $0x1  }
0x1d4: {  	v7 =	vadd.f32 v7, v59;
	_ =	sdelay $0x1  }
0x1d5: {  	[tilespmem:s30+$0x50] =	vst v7  }
0x1d6: {  	v7 =	vld [tilespmem:s28+$0xBD60]  }
0x1d7: {  	v60 =	vld [tilespmem:s28+$0x17D60];
	_ =	sdelay $0x4  }
0x1d8: {  	v7 =	vmul.f32 v60, v7;
	_ =	sdelay $0x1  }
0x1d9: {  	(xrf2) =	vadd.scan.msk.f32 $0xffff, v7;
	_ =	sdelay $0x9  }
0x1da: {  	v7, _, _ =	vpop (xrf2)  }
0x1db: {  	(v2sf) =	vpush v7, $0xF;
	_ =	sdelay $0xe  }
0x1dc: {  	s31 =	spop (v2sf)  }
0x1dd: {  	s2 =	smul.f32 $8.838834610e-02, s31;
	_ =	sdelay $0x1  }
0x1de: {  	v7 =	vmov s2  }
0x1df: {  	v7 =	vmul.f32 $1.442695020e+00, v7;
	_ =	sdelay $0x1  }
0x1e0: {  	v7 =	vbroadcast v7, $0x0;
	_ =	sdelay $0x1  }
0x1e1: {  	(erf) = vpow2.f32 v7;
	_ =	sdelay $0x4  }
0x1e2: {  	v7 =	vld [tilespmem:s28+$0x11D60];
	_ =	sdelay $0x1  }
0x1e3: {  	v61 =	vld [tilespmem:s30+$0x60];
	_ =	sdelay $0x1  }
0x1e4: {  	v14 =	vpop (erf)  }
0x1e5: {  	v7 =	vmul.f32 v14, v7;
	_ =	sdelay $0x1  }
0x1e6: {  	v7 =	vadd.f32 v7, v61;
	_ =	sdelay $0x1  }
0x1e7: {  	[tilespmem:s30+$0x60] =	vst v7  }
0x1e8: {  	v7 =	vld [tilespmem:s28+$0xBD70]  }
0x1e9: {  	v62 =	vld [tilespmem:s28+$0x17D70];
	_ =	sdelay $0x4  }
0x1ea: {  	v7 =	vmul.f32 v62, v7;
	_ =	sdelay $0x1  }
0x1eb: {  	(xrf2) =	vadd.scan.msk.f32 $0xffff, v7;
	_ =	sdelay $0x9  }
0x1ec: {  	v7, _, _ =	vpop (xrf2)  }
0x1ed: {  	(v2sf) =	vpush v7, $0xF;
	_ =	sdelay $0xe  }
0x1ee: {  	s31 =	spop (v2sf)  }
0x1ef: {  	s2 =	smul.f32 $8.838834610e-02, s31;
	_ =	sdelay $0x1  }
0x1f0: {  	v7 =	vmov s2  }
0x1f1: {  	v7 =	vmul.f32 $1.442695020e+00, v7;
	_ =	sdelay $0x1  }
0x1f2: {  	v7 =	vbroadcast v7, $0x0;
	_ =	sdelay $0x1  }
0x1f3: {  	(erf) = vpow2.f32 v7;
	_ =	sdelay $0x4  }
0x1f4: {  	v7 =	vld [tilespmem:s28+$0x11D70];
	_ =	sdelay $0x1  }
0x1f5: {  	v63 =	vld [tilespmem:s30+$0x70];
	_ =	sdelay $0x1  }
0x1f6: {  	v15 =	vpop (erf)  }
0x1f7: {  	v7 =	vmul.f32 v15, v7;
	_ =	sdelay $0x1  }
0x1f8: {  	v6 =	vnsel vm0, $0x0, v6;
	v7 =	vadd.f32 v7, v63  }
0x1f9: {  	v6 =	vsel vm1, v6, v9;
	s31 =	sshll.u32 s29, $0x6  }
0x1fa: {  	v6 =	vsel vm2, v6, v10;
	s2 =	sshra.s32 s31, $0x2;
	[tilespmem:s30+$0x70] =	vst v7  }
0x1fb: {  	v6 =	vsel vm3, v6, v11;
	v7 =	vld [tilespmem:s2+$0xA800]  }
0x1fc: {  	v6 =	vsel vm4, v6, v12  }
0x1fd: {  	p0 =	sne.s32 s25, $0x17E00;
	v6 =	vsel vm5, v6, v13  }
.Ltmp9:
0x1fe: {  	v6 =	vsel vm6, v6, v14;
	(pc) =	sbr.rel @p0 .LBB2_13-.Ltmp9, $3  }
0x1ff: {  	v6 =	vsel vm7, v6, v15  }
0x200: {  	v6 =	vadd.f32 v6, v7;
	_ =	sdelay $0x1  }
0x201: {  	s25 =	sadd.s32 $0x200, s25;
	s26 =	sadd.s32 $0x1, s26;
	[tilespmem:s2+$0xA800] =	vst v6  }
0x202: {  	v6 =	vld [tilespmem:$0x1E5C0]  }
0x203: {  	v7 =	vld [tilespmem:$0x1E7C0]  }
0x204: {  	v8 =	vld [tilespmem:$0x1E9C0]  }
.Ltmp10:
0x205: {  	_ = 	snop;
	(pc) =	sbr.rel .LBB2_15-.Ltmp10, $4  }
0x206: {  	_ = 	snop  }
0x207: {  	[tilespmem:$0x1E500] =	vst v6  }
0x208: {  	[tilespmem:$0x1E700] =	vst v7  }
0x209: {  	s22 =	sadd.s32 $0xFFFFFF40, s22;
	[tilespmem:$0x1E900] =	vst v8  }
.LBB2_16:
0x20a: {  	v6 =	vld [tilespmem:$0x1E4C0];
	_ =	sdelay $0x4  }
0x20b: {  	vm8 =	vge.s32 v6, v0;
	vm9 =	vlt.s32 v6, v1  }
0x20c: {  	vm8 =	vmand vm8, vm9  }
0x20d: {  	v7 =	vsel vm8, $0x1, v4  }
0x20e: {  	(xrf0) =	vadd.scan.msk.s32 $0xffff, v7;
	_ =	sdelay $0x5  }
0x20f: {  	v7, _, _ =	vpop (xrf0)  }
0x210: {  	(v2sf) =	vpush v7, $0xF;
	_ =	sdelay $0xb  }
0x211: {  	s2 =	sadd.s32 $0x7C0, s23  }
0x212: {  	v7 =	vor.u32 s2, v3  }
0x213: {  	[tilespmem:s22+$0x1E500] =	vst.msk vm8, v7  }
0x214: {  	[tilespmem:s22+$0x1E700] =	vst.msk vm8, v6;
	v6 =	vsub.s32 v6, v0;
	s31 =	spop (v2sf)  }
0x215: {  	[tilespmem:s22+$0x1E900] =	vst.msk vm8, v6;
	s22 =	sadd.s32 s22, s31  }
0x216: {  	p0 =	slt.s32 s22, $0xC0  }
.Ltmp11:
0x217: {  	_ = 	snop;
	(pc) =	sbr.rel @p0 .LBB2_20-.Ltmp11, $1  }
0x218: {  	_ =	sdelay $0x3  }
0x219: {  	v6 =	vld [tilespmem:$0x1E500]  }
0x21a: {  	v7 =	vld [tilespmem:$0x1E700]  }
0x21b: {  	v8 =	vld [tilespmem:$0x1E900]  }
0x21c: {  	v9 =	vld [tilespmem:$0x1E510]  }
0x21d: {  	v10 =	vld [tilespmem:$0x1E710]  }
0x21e: {  	[tilespmem:$0x1EB00] =	vst v6;
	v6 =	vld [tilespmem:$0x1E910]  }
0x21f: {  	v46 =	vld [tilespmem:$0x1E720];
	[tilespmem:$0x1EC00] =	vst v7  }
0x220: {  	v47 =	vld [tilespmem:$0x1E920];
	[tilespmem:$0x1ED00] =	vst v8  }
0x221: {  	v48 =	vld [tilespmem:$0x1E530];
	[tilespmem:$0x1EB10] =	vst v9  }
0x222: {  	v7 =	vld [tilespmem:$0x1E520];
	[tilespmem:$0x1EC10] =	vst v10  }
0x223: {  	[tilespmem:$0x1ED10] =	vst v6;
	v6 =	vld [tilespmem:$0x1E730]  }
0x224: {  	v49 =	vld [tilespmem:$0x1E540];
	[tilespmem:$0x1EC20] =	vst v46  }
0x225: {  	v50 =	vld [tilespmem:$0x1E740];
	[tilespmem:$0x1ED20] =	vst v47  }
0x226: {  	v51 =	vld [tilespmem:$0x1E940];
	[tilespmem:$0x1EB30] =	vst v48  }
0x227: {  	[tilespmem:$0x1EB20] =	vst v7;
	v7 =	vld [tilespmem:$0x1E930]  }
0x228: {  	[tilespmem:$0x1EC30] =	vst v6;
	v6 =	vld [tilespmem:$0x1E550]  }
0x229: {  	v52 =	vld [tilespmem:$0x1E950];
	[tilespmem:$0x1EB40] =	vst v49  }
0x22a: {  	v53 =	vld [tilespmem:$0x1E560];
	[tilespmem:$0x1EC40] =	vst v50  }
0x22b: {  	v54 =	vld [tilespmem:$0x1E760];
	[tilespmem:$0x1ED40] =	vst v51  }
0x22c: {  	[tilespmem:$0x1ED30] =	vst v7;
	v7 =	vld [tilespmem:$0x1E750]  }
0x22d: {  	[tilespmem:$0x1EB50] =	vst v6;
	v6 =	vld [tilespmem:$0x1E960]  }
0x22e: {  	v55 =	vld [tilespmem:$0x1E770];
	[tilespmem:$0x1ED50] =	vst v52  }
0x22f: {  	v56 =	vld [tilespmem:$0x1E970];
	[tilespmem:$0x1EB60] =	vst v53  }
0x230: {  	v57 =	vld [tilespmem:$0x1E580];
	[tilespmem:$0x1EC60] =	vst v54  }
0x231: {  	[tilespmem:$0x1EC50] =	vst v7;
	v7 =	vld [tilespmem:$0x1E570]  }
0x232: {  	[tilespmem:$0x1ED60] =	vst v6;
	v6 =	vld [tilespmem:$0x1E780]  }
0x233: {  	v58 =	vld [tilespmem:$0x1E590];
	[tilespmem:$0x1EC70] =	vst v55  }
0x234: {  	v59 =	vld [tilespmem:$0x1E790];
	[tilespmem:$0x1ED70] =	vst v56  }
0x235: {  	v60 =	vld [tilespmem:$0x1E990];
	[tilespmem:$0x1EB80] =	vst v57  }
0x236: {  	[tilespmem:$0x1EB70] =	vst v7;
	v7 =	vld [tilespmem:$0x1E980]  }
0x237: {  	[tilespmem:$0x1EC80] =	vst v6;
	v6 =	vld [tilespmem:$0x1E5A0]  }
0x238: {  	v61 =	vld [tilespmem:$0x1E9A0];
	[tilespmem:$0x1EB90] =	vst v58  }
0x239: {  	v62 =	vld [tilespmem:$0x1E5B0];
	[tilespmem:$0x1EC90] =	vst v59  }
0x23a: {  	v63 =	vld [tilespmem:$0x1E7B0];
	[tilespmem:$0x1ED90] =	vst v60  }
0x23b: {  	[tilespmem:$0x1ED80] =	vst v7;
	v7 =	vld [tilespmem:$0x1E7A0]  }
0x23c: {  	[tilespmem:$0x1EBA0] =	vst v6;
	v6 =	vld [tilespmem:$0x1E9B0]  }
0x23d: {  	[tilespmem:$0x1EDA0] =	vst v61  }
0x23e: {  	[tilespmem:$0x1EBB0] =	vst v62  }
0x23f: {  	[tilespmem:$0x1ECB0] =	vst v63  }
0x240: {  	[tilespmem:$0x1ECA0] =	vst v7  }
0x241: {  	[tilespmem:$0x1EDB0] =	vst v6  }
0x242: {  	[tilespmem:s14], [sflag:$0x1] =	stream.indirect.gather [hbm4b:s1+s12], $0x80, s13, s12, $0xb8;
	[tilespmem:$0x1EE00] =	vst v63  }
0x243: {  	_ = 	snop  }
0x244: {  	[tilespmem:s15], [sflag:$0x1] =	stream.indirect.gather [hbm4b:s6+s12], $0x80, s13, s12, $0xb8;
	[tilespmem:$0x1EE00] =	vst v63  }
0x245: {  	_ = 	snop  }
0x246: {  	[tilespmem:s17], [sflag:$0x1] =	stream.indirect.gather [hbm4b:s5+s12], $0x80, s16, s12, $0xb8;
	[tilespmem:$0x1EE00] =	vst v63  }
0x247: {  	_ =	swait.ge [sflag:s18], $0x6000  }
0x248: {  	[sflag:s18] =	ssyncset.done $0x0  }
0x249: {  	[sflag:s18] =	ssyncadd.s32 $0xFFFFA000  }
0x24a: {  	_ =	swait.ge [sflag:s18], $0x6000  }
0x24b: {  	[sflag:s18] =	ssyncset.done $0x0  }
0x24c: {  	[sflag:s18] =	ssyncadd.s32 $0xFFFFA000  }
0x24d: {  	_ =	swait.ge [sflag:s18], $0x6000  }
0x24e: {  	[sflag:s18] =	ssyncset.done $0x0  }
0x24f: {  	s23 =	simm.s32 $0x0;
	s24 =	simm.s32 $0x1ED00;
	[sflag:s18] =	ssyncadd.s32 $0xFFFFA000  }
.LBB2_18:
0x250: {  	s25 =	sshra.s32 s23, $0x2  }
0x251: {  	v6 =	vld [tilespmem:s25+$0xBD00]  }
0x252: {  	v7 =	vld [tilespmem:s25+$0x17D00];
	_ =	sdelay $0x4  }
0x253: {  	v6 =	vmul.f32 v7, v6;
	_ =	sdelay $0x1  }
0x254: {  	(xrf2) =	vadd.scan.msk.f32 $0xffff, v6;
	_ =	sdelay $0x4  }
0x255: {  	v6 =	vld [tilespmem:s24+$0x0];
	_ =	sdelay $0x4  }
0x256: {  	(v2sf) =	vpush v6, $0x0;
	v6, _, _ =	vpop (xrf2)  }
0x257: {  	(v2sf) =	vpush v6, $0xF;
	_ =	sdelay $0xd  }
0x258: {  	s26 =	spop (v2sf)  }
0x259: {  	s2 =	spop (v2sf)  }
0x25a: {  	s2 =	smul.f32 $8.838834610e-02, s2;
	_ =	sdelay $0x1  }
0x25b: {  	v6 =	vmov s2  }
0x25c: {  	v6 =	vmul.f32 $1.442695020e+00, v6;
	_ =	sdelay $0x1  }
0x25d: {  	v6 =	vbroadcast v6, $0x0;
	_ =	sdelay $0x1  }
0x25e: {  	(erf) = vpow2.f32 v6;
	_ =	sdelay $0x4  }
0x25f: {  	v7 =	vld [tilespmem:s25+$0x11D00];
	s29 =	sshll.u32 s26, $0x9  }
0x260: {  	s28 =	sshra.s32 s29, $0x2  }
0x261: {  	v8 =	vld [tilespmem:s28+$0x0];
	_ =	sdelay $0x1  }
0x262: {  	v6 =	vpop (erf)  }
0x263: {  	v7 =	vmul.f32 v6, v7;
	_ =	sdelay $0x1  }
0x264: {  	v7 =	vadd.f32 v7, v8;
	_ =	sdelay $0x1  }
0x265: {  	[tilespmem:s28+$0x0] =	vst v7  }
0x266: {  	v7 =	vld [tilespmem:s25+$0xBD10]  }
0x267: {  	v50 =	vld [tilespmem:s25+$0x17D10];
	_ =	sdelay $0x4  }
0x268: {  	v7 =	vmul.f32 v50, v7;
	_ =	sdelay $0x1  }
0x269: {  	(xrf2) =	vadd.scan.msk.f32 $0xffff, v7;
	_ =	sdelay $0x9  }
0x26a: {  	v7, _, _ =	vpop (xrf2)  }
0x26b: {  	(v2sf) =	vpush v7, $0xF;
	_ =	sdelay $0xe  }
0x26c: {  	s30 =	spop (v2sf)  }
0x26d: {  	s2 =	smul.f32 $8.838834610e-02, s30;
	_ =	sdelay $0x1  }
0x26e: {  	v7 =	vmov s2  }
0x26f: {  	v7 =	vmul.f32 $1.442695020e+00, v7;
	_ =	sdelay $0x1  }
0x270: {  	v7 =	vbroadcast v7, $0x0;
	_ =	sdelay $0x1  }
0x271: {  	(erf) = vpow2.f32 v7;
	_ =	sdelay $0x4  }
0x272: {  	v7 =	vld [tilespmem:s25+$0x11D10];
	_ =	sdelay $0x1  }
0x273: {  	v51 =	vld [tilespmem:s28+$0x10];
	_ =	sdelay $0x1  }
0x274: {  	v9 =	vpop (erf)  }
0x275: {  	v7 =	vmul.f32 v9, v7;
	_ =	sdelay $0x1  }
0x276: {  	v7 =	vadd.f32 v7, v51;
	_ =	sdelay $0x1  }
0x277: {  	[tilespmem:s28+$0x10] =	vst v7  }
0x278: {  	v7 =	vld [tilespmem:s25+$0xBD20]  }
0x279: {  	v52 =	vld [tilespmem:s25+$0x17D20];
	_ =	sdelay $0x4  }
0x27a: {  	v7 =	vmul.f32 v52, v7;
	_ =	sdelay $0x1  }
0x27b: {  	(xrf2) =	vadd.scan.msk.f32 $0xffff, v7;
	_ =	sdelay $0x9  }
0x27c: {  	v7, _, _ =	vpop (xrf2)  }
0x27d: {  	(v2sf) =	vpush v7, $0xF;
	_ =	sdelay $0xe  }
0x27e: {  	s31 =	spop (v2sf)  }
0x27f: {  	s2 =	smul.f32 $8.838834610e-02, s31;
	_ =	sdelay $0x1  }
0x280: {  	v7 =	vmov s2  }
0x281: {  	v7 =	vmul.f32 $1.442695020e+00, v7;
	_ =	sdelay $0x1  }
0x282: {  	v7 =	vbroadcast v7, $0x0;
	_ =	sdelay $0x1  }
0x283: {  	(erf) = vpow2.f32 v7;
	_ =	sdelay $0x4  }
0x284: {  	v7 =	vld [tilespmem:s25+$0x11D20];
	_ =	sdelay $0x1  }
0x285: {  	v53 =	vld [tilespmem:s28+$0x20];
	_ =	sdelay $0x1  }
0x286: {  	v10 =	vpop (erf)  }
0x287: {  	v7 =	vmul.f32 v10, v7;
	_ =	sdelay $0x1  }
0x288: {  	v7 =	vadd.f32 v7, v53;
	_ =	sdelay $0x1  }
0x289: {  	[tilespmem:s28+$0x20] =	vst v7  }
0x28a: {  	v7 =	vld [tilespmem:s25+$0xBD30]  }
0x28b: {  	v54 =	vld [tilespmem:s25+$0x17D30];
	_ =	sdelay $0x4  }
0x28c: {  	v7 =	vmul.f32 v54, v7;
	_ =	sdelay $0x1  }
0x28d: {  	(xrf2) =	vadd.scan.msk.f32 $0xffff, v7;
	_ =	sdelay $0x9  }
0x28e: {  	v7, _, _ =	vpop (xrf2)  }
0x28f: {  	(v2sf) =	vpush v7, $0xF;
	_ =	sdelay $0xe  }
0x290: {  	s29 =	spop (v2sf)  }
0x291: {  	s2 =	smul.f32 $8.838834610e-02, s29;
	_ =	sdelay $0x1  }
0x292: {  	v7 =	vmov s2  }
0x293: {  	v7 =	vmul.f32 $1.442695020e+00, v7;
	_ =	sdelay $0x1  }
0x294: {  	v7 =	vbroadcast v7, $0x0;
	_ =	sdelay $0x1  }
0x295: {  	(erf) = vpow2.f32 v7;
	_ =	sdelay $0x4  }
0x296: {  	v7 =	vld [tilespmem:s25+$0x11D30];
	_ =	sdelay $0x1  }
0x297: {  	v55 =	vld [tilespmem:s28+$0x30];
	_ =	sdelay $0x1  }
0x298: {  	v11 =	vpop (erf)  }
0x299: {  	v7 =	vmul.f32 v11, v7;
	_ =	sdelay $0x1  }
0x29a: {  	v7 =	vadd.f32 v7, v55;
	_ =	sdelay $0x1  }
0x29b: {  	[tilespmem:s28+$0x30] =	vst v7  }
0x29c: {  	v7 =	vld [tilespmem:s25+$0xBD40]  }
0x29d: {  	v56 =	vld [tilespmem:s25+$0x17D40];
	_ =	sdelay $0x4  }
0x29e: {  	v7 =	vmul.f32 v56, v7;
	_ =	sdelay $0x1  }
0x29f: {  	(xrf2) =	vadd.scan.msk.f32 $0xffff, v7;
	_ =	sdelay $0x9  }
0x2a0: {  	v7, _, _ =	vpop (xrf2)  }
0x2a1: {  	(v2sf) =	vpush v7, $0xF;
	_ =	sdelay $0xe  }
0x2a2: {  	s30 =	spop (v2sf)  }
0x2a3: {  	s2 =	smul.f32 $8.838834610e-02, s30;
	_ =	sdelay $0x1  }
0x2a4: {  	v7 =	vmov s2  }
0x2a5: {  	v7 =	vmul.f32 $1.442695020e+00, v7;
	_ =	sdelay $0x1  }
0x2a6: {  	v7 =	vbroadcast v7, $0x0;
	_ =	sdelay $0x1  }
0x2a7: {  	(erf) = vpow2.f32 v7;
	_ =	sdelay $0x4  }
0x2a8: {  	v7 =	vld [tilespmem:s25+$0x11D40];
	_ =	sdelay $0x1  }
0x2a9: {  	v57 =	vld [tilespmem:s28+$0x40];
	_ =	sdelay $0x1  }
0x2aa: {  	v12 =	vpop (erf)  }
0x2ab: {  	v7 =	vmul.f32 v12, v7;
	_ =	sdelay $0x1  }
0x2ac: {  	v7 =	vadd.f32 v7, v57;
	_ =	sdelay $0x1  }
0x2ad: {  	[tilespmem:s28+$0x40] =	vst v7  }
0x2ae: {  	v7 =	vld [tilespmem:s25+$0xBD50]  }
0x2af: {  	v58 =	vld [tilespmem:s25+$0x17D50];
	_ =	sdelay $0x4  }
0x2b0: {  	v7 =	vmul.f32 v58, v7;
	_ =	sdelay $0x1  }
0x2b1: {  	(xrf2) =	vadd.scan.msk.f32 $0xffff, v7;
	_ =	sdelay $0x9  }
0x2b2: {  	v7, _, _ =	vpop (xrf2)  }
0x2b3: {  	(v2sf) =	vpush v7, $0xF;
	_ =	sdelay $0xe  }
0x2b4: {  	s31 =	spop (v2sf)  }
0x2b5: {  	s2 =	smul.f32 $8.838834610e-02, s31;
	_ =	sdelay $0x1  }
0x2b6: {  	v7 =	vmov s2  }
0x2b7: {  	v7 =	vmul.f32 $1.442695020e+00, v7;
	_ =	sdelay $0x1  }
0x2b8: {  	v7 =	vbroadcast v7, $0x0;
	_ =	sdelay $0x1  }
0x2b9: {  	(erf) = vpow2.f32 v7;
	_ =	sdelay $0x4  }
0x2ba: {  	v7 =	vld [tilespmem:s25+$0x11D50];
	_ =	sdelay $0x1  }
0x2bb: {  	v59 =	vld [tilespmem:s28+$0x50];
	_ =	sdelay $0x1  }
0x2bc: {  	v13 =	vpop (erf)  }
0x2bd: {  	v7 =	vmul.f32 v13, v7;
	_ =	sdelay $0x1  }
0x2be: {  	v7 =	vadd.f32 v7, v59;
	_ =	sdelay $0x1  }
0x2bf: {  	[tilespmem:s28+$0x50] =	vst v7  }
0x2c0: {  	v7 =	vld [tilespmem:s25+$0xBD60]  }
0x2c1: {  	v60 =	vld [tilespmem:s25+$0x17D60];
	_ =	sdelay $0x4  }
0x2c2: {  	v7 =	vmul.f32 v60, v7;
	_ =	sdelay $0x1  }
0x2c3: {  	(xrf2) =	vadd.scan.msk.f32 $0xffff, v7;
	_ =	sdelay $0x9  }
0x2c4: {  	v7, _, _ =	vpop (xrf2)  }
0x2c5: {  	(v2sf) =	vpush v7, $0xF;
	_ =	sdelay $0xe  }
0x2c6: {  	s29 =	spop (v2sf)  }
0x2c7: {  	s2 =	smul.f32 $8.838834610e-02, s29;
	_ =	sdelay $0x1  }
0x2c8: {  	v7 =	vmov s2  }
0x2c9: {  	v7 =	vmul.f32 $1.442695020e+00, v7;
	_ =	sdelay $0x1  }
0x2ca: {  	v7 =	vbroadcast v7, $0x0;
	_ =	sdelay $0x1  }
0x2cb: {  	(erf) = vpow2.f32 v7;
	_ =	sdelay $0x4  }
0x2cc: {  	v7 =	vld [tilespmem:s25+$0x11D60];
	_ =	sdelay $0x1  }
0x2cd: {  	v61 =	vld [tilespmem:s28+$0x60];
	_ =	sdelay $0x1  }
0x2ce: {  	v14 =	vpop (erf)  }
0x2cf: {  	v7 =	vmul.f32 v14, v7;
	_ =	sdelay $0x1  }
0x2d0: {  	v7 =	vadd.f32 v7, v61;
	_ =	sdelay $0x1  }
0x2d1: {  	[tilespmem:s28+$0x60] =	vst v7  }
0x2d2: {  	v7 =	vld [tilespmem:s25+$0xBD70]  }
0x2d3: {  	v62 =	vld [tilespmem:s25+$0x17D70];
	_ =	sdelay $0x4  }
0x2d4: {  	v7 =	vmul.f32 v62, v7;
	_ =	sdelay $0x1  }
0x2d5: {  	(xrf2) =	vadd.scan.msk.f32 $0xffff, v7;
	_ =	sdelay $0x9  }
0x2d6: {  	v7, _, _ =	vpop (xrf2)  }
0x2d7: {  	(v2sf) =	vpush v7, $0xF;
	_ =	sdelay $0xe  }
0x2d8: {  	s30 =	spop (v2sf)  }
0x2d9: {  	s2 =	smul.f32 $8.838834610e-02, s30;
	_ =	sdelay $0x1  }
0x2da: {  	v7 =	vmov s2  }
0x2db: {  	v7 =	vmul.f32 $1.442695020e+00, v7;
	_ =	sdelay $0x1  }
0x2dc: {  	v7 =	vbroadcast v7, $0x0;
	_ =	sdelay $0x1  }
0x2dd: {  	(erf) = vpow2.f32 v7;
	_ =	sdelay $0x4  }
0x2de: {  	v7 =	vld [tilespmem:s25+$0x11D70];
	_ =	sdelay $0x1  }
0x2df: {  	v63 =	vld [tilespmem:s28+$0x70];
	_ =	sdelay $0x1  }
0x2e0: {  	v15 =	vpop (erf)  }
0x2e1: {  	v7 =	vmul.f32 v15, v7;
	_ =	sdelay $0x1  }
0x2e2: {  	v6 =	vnsel vm0, $0x0, v6;
	v7 =	vadd.f32 v7, v63  }
0x2e3: {  	v6 =	vsel vm1, v6, v9;
	s31 =	sshll.u32 s26, $0x6  }
0x2e4: {  	v6 =	vsel vm2, v6, v10;
	s2 =	sshra.s32 s31, $0x2;
	[tilespmem:s28+$0x70] =	vst v7  }
0x2e5: {  	v6 =	vsel vm3, v6, v11;
	v7 =	vld [tilespmem:s2+$0xA800]  }
0x2e6: {  	v6 =	vsel vm4, v6, v12  }
0x2e7: {  	p0 =	sne.s32 s23, $0x17E00;
	v6 =	vsel vm5, v6, v13  }
.Ltmp12:
0x2e8: {  	v6 =	vsel vm6, v6, v14;
	(pc) =	sbr.rel @p0 .LBB2_18-.Ltmp12, $3  }
0x2e9: {  	v6 =	vsel vm7, v6, v15  }
0x2ea: {  	v6 =	vadd.f32 v6, v7;
	_ =	sdelay $0x1  }
0x2eb: {  	s23 =	sadd.s32 $0x200, s23;
	s24 =	sadd.s32 $0x1, s24;
	[tilespmem:s2+$0xA800] =	vst v6  }
0x2ec: {  	v6 =	vld [tilespmem:$0x1E5C0]  }
0x2ed: {  	v7 =	vld [tilespmem:$0x1E7C0]  }
0x2ee: {  	v8 =	vld [tilespmem:$0x1E9C0]  }
.Ltmp13:
0x2ef: {  	_ = 	snop;
	(pc) =	sbr.rel .LBB2_20-.Ltmp13, $4  }
0x2f0: {  	_ = 	snop  }
0x2f1: {  	[tilespmem:$0x1E500] =	vst v6  }
0x2f2: {  	[tilespmem:$0x1E700] =	vst v7  }
0x2f3: {  	s22 =	sadd.s32 $0xFFFFFF40, s22;
	[tilespmem:$0x1E900] =	vst v8  }
.LBB2_21:
0x2f4: {  	[tilespmem:s22+$0x1E500] =	vst v4  }
0x2f5: {  	[tilespmem:s22+$0x1E700] =	vst v0  }
0x2f6: {  	[tilespmem:s22+$0x1E900] =	vst v5  }
0x2f7: {  	[tilespmem:s22+$0x1E510] =	vst v4  }
0x2f8: {  	[tilespmem:s22+$0x1E710] =	vst v0  }
0x2f9: {  	[tilespmem:s22+$0x1E910] =	vst v5  }
0x2fa: {  	[tilespmem:s22+$0x1E520] =	vst v4  }
0x2fb: {  	[tilespmem:s22+$0x1E720] =	vst v0  }
0x2fc: {  	[tilespmem:s22+$0x1E920] =	vst v5  }
0x2fd: {  	[tilespmem:s22+$0x1E530] =	vst v4  }
0x2fe: {  	[tilespmem:s22+$0x1E730] =	vst v0  }
0x2ff: {  	[tilespmem:s22+$0x1E930] =	vst v5  }
0x300: {  	[tilespmem:s22+$0x1E540] =	vst v4  }
0x301: {  	[tilespmem:s22+$0x1E740] =	vst v0  }
0x302: {  	[tilespmem:s22+$0x1E940] =	vst v5  }
0x303: {  	[tilespmem:s22+$0x1E550] =	vst v4  }
0x304: {  	[tilespmem:s22+$0x1E750] =	vst v0  }
0x305: {  	[tilespmem:s22+$0x1E950] =	vst v5  }
0x306: {  	[tilespmem:s22+$0x1E560] =	vst v4  }
0x307: {  	[tilespmem:s22+$0x1E760] =	vst v0  }
0x308: {  	[tilespmem:s22+$0x1E960] =	vst v5  }
0x309: {  	[tilespmem:s22+$0x1E570] =	vst v4  }
0x30a: {  	[tilespmem:s22+$0x1E770] =	vst v0  }
0x30b: {  	[tilespmem:s22+$0x1E970] =	vst v5  }
0x30c: {  	[tilespmem:s22+$0x1E580] =	vst v4  }
0x30d: {  	[tilespmem:s22+$0x1E780] =	vst v0  }
0x30e: {  	[tilespmem:s22+$0x1E980] =	vst v5  }
0x30f: {  	[tilespmem:s22+$0x1E590] =	vst v4  }
0x310: {  	[tilespmem:s22+$0x1E790] =	vst v0  }
0x311: {  	[tilespmem:s22+$0x1E990] =	vst v5  }
0x312: {  	[tilespmem:s22+$0x1E5A0] =	vst v4  }
0x313: {  	[tilespmem:s22+$0x1E7A0] =	vst v0  }
0x314: {  	[tilespmem:s22+$0x1E9A0] =	vst v5  }
0x315: {  	[tilespmem:s22+$0x1E5B0] =	vst v4  }
0x316: {  	[tilespmem:s22+$0x1E7B0] =	vst v0  }
0x317: {  	[tilespmem:s22+$0x1E9B0] =	vst v5  }
0x318: {  	v6 =	vld [tilespmem:$0x1E500]  }
0x319: {  	v7 =	vld [tilespmem:$0x1E700]  }
0x31a: {  	v8 =	vld [tilespmem:$0x1E900]  }
0x31b: {  	v9 =	vld [tilespmem:$0x1E510]  }
0x31c: {  	v10 =	vld [tilespmem:$0x1E710]  }
0x31d: {  	[tilespmem:$0x1EB00] =	vst v6;
	v6 =	vld [tilespmem:$0x1E910]  }
0x31e: {  	v46 =	vld [tilespmem:$0x1E720];
	[tilespmem:$0x1EC00] =	vst v7  }
0x31f: {  	v47 =	vld [tilespmem:$0x1E920];
	[tilespmem:$0x1ED00] =	vst v8  }
0x320: {  	v48 =	vld [tilespmem:$0x1E530];
	[tilespmem:$0x1EB10] =	vst v9  }
0x321: {  	v7 =	vld [tilespmem:$0x1E520];
	[tilespmem:$0x1EC10] =	vst v10  }
0x322: {  	[tilespmem:$0x1ED10] =	vst v6;
	v6 =	vld [tilespmem:$0x1E730]  }
0x323: {  	v49 =	vld [tilespmem:$0x1E540];
	[tilespmem:$0x1EC20] =	vst v46  }
0x324: {  	v50 =	vld [tilespmem:$0x1E740];
	[tilespmem:$0x1ED20] =	vst v47  }
0x325: {  	v51 =	vld [tilespmem:$0x1E940];
	[tilespmem:$0x1EB30] =	vst v48  }
0x326: {  	[tilespmem:$0x1EB20] =	vst v7;
	v7 =	vld [tilespmem:$0x1E930]  }
0x327: {  	[tilespmem:$0x1EC30] =	vst v6;
	v6 =	vld [tilespmem:$0x1E550]  }
0x328: {  	v52 =	vld [tilespmem:$0x1E950];
	[tilespmem:$0x1EB40] =	vst v49  }
0x329: {  	v53 =	vld [tilespmem:$0x1E560];
	[tilespmem:$0x1EC40] =	vst v50  }
0x32a: {  	v54 =	vld [tilespmem:$0x1E760];
	[tilespmem:$0x1ED40] =	vst v51  }
0x32b: {  	[tilespmem:$0x1ED30] =	vst v7;
	v7 =	vld [tilespmem:$0x1E750]  }
0x32c: {  	[tilespmem:$0x1EB50] =	vst v6;
	v6 =	vld [tilespmem:$0x1E960]  }
0x32d: {  	v55 =	vld [tilespmem:$0x1E770];
	[tilespmem:$0x1ED50] =	vst v52  }
0x32e: {  	v56 =	vld [tilespmem:$0x1E970];
	[tilespmem:$0x1EB60] =	vst v53  }
0x32f: {  	v57 =	vld [tilespmem:$0x1E580];
	[tilespmem:$0x1EC60] =	vst v54  }
0x330: {  	[tilespmem:$0x1EC50] =	vst v7;
	v7 =	vld [tilespmem:$0x1E570]  }
0x331: {  	[tilespmem:$0x1ED60] =	vst v6;
	v6 =	vld [tilespmem:$0x1E780]  }
0x332: {  	v58 =	vld [tilespmem:$0x1E590];
	[tilespmem:$0x1EC70] =	vst v55  }
0x333: {  	v59 =	vld [tilespmem:$0x1E790];
	[tilespmem:$0x1ED70] =	vst v56  }
0x334: {  	v60 =	vld [tilespmem:$0x1E990];
	[tilespmem:$0x1EB80] =	vst v57  }
0x335: {  	[tilespmem:$0x1EB70] =	vst v7;
	v7 =	vld [tilespmem:$0x1E980]  }
0x336: {  	[tilespmem:$0x1EC80] =	vst v6;
	v6 =	vld [tilespmem:$0x1E5A0]  }
0x337: {  	v61 =	vld [tilespmem:$0x1E9A0];
	[tilespmem:$0x1EB90] =	vst v58  }
0x338: {  	v62 =	vld [tilespmem:$0x1E5B0];
	[tilespmem:$0x1EC90] =	vst v59  }
0x339: {  	v63 =	vld [tilespmem:$0x1E7B0];
	[tilespmem:$0x1ED90] =	vst v60  }
0x33a: {  	[tilespmem:$0x1ED80] =	vst v7;
	v7 =	vld [tilespmem:$0x1E7A0]  }
0x33b: {  	[tilespmem:$0x1EBA0] =	vst v6;
	v6 =	vld [tilespmem:$0x1E9B0]  }
0x33c: {  	[tilespmem:$0x1EDA0] =	vst v61  }
0x33d: {  	[tilespmem:$0x1EBB0] =	vst v62  }
0x33e: {  	[tilespmem:$0x1ECB0] =	vst v63  }
0x33f: {  	[tilespmem:$0x1ECA0] =	vst v7  }
0x340: {  	[tilespmem:$0x1EDB0] =	vst v6  }
0x341: {  	[tilespmem:s14], [sflag:$0x1] =	stream.indirect.gather [hbm4b:s1+s12], $0x80, s13, s12, $0xb8;
	[tilespmem:$0x1EE00] =	vst v63  }
0x342: {  	_ = 	snop  }
0x343: {  	[tilespmem:s15], [sflag:$0x1] =	stream.indirect.gather [hbm4b:s6+s12], $0x80, s13, s12, $0xb8;
	[tilespmem:$0x1EE00] =	vst v63  }
0x344: {  	_ = 	snop  }
0x345: {  	[tilespmem:s17], [sflag:$0x1] =	stream.indirect.gather [hbm4b:s5+s12], $0x80, s16, s12, $0xb8;
	[tilespmem:$0x1EE00] =	vst v63  }
0x346: {  	_ =	swait.ge [sflag:s18], $0x6000  }
0x347: {  	[sflag:s18] =	ssyncset.done $0x0  }
0x348: {  	[sflag:s18] =	ssyncadd.s32 $0xFFFFA000  }
0x349: {  	_ =	swait.ge [sflag:s18], $0x6000  }
0x34a: {  	[sflag:s18] =	ssyncset.done $0x0  }
0x34b: {  	[sflag:s18] =	ssyncadd.s32 $0xFFFFA000  }
0x34c: {  	_ =	swait.ge [sflag:s18], $0x6000  }
0x34d: {  	[sflag:s18] =	ssyncset.done $0x0  }
0x34e: {  	s21 =	simm.s32 $0x0;
	s22 =	simm.s32 $0x1ED00;
	[sflag:s18] =	ssyncadd.s32 $0xFFFFA000  }
.LBB2_22:
0x34f: {  	s23 =	sshra.s32 s21, $0x2  }
0x350: {  	v6 =	vld [tilespmem:s23+$0xBD00]  }
0x351: {  	v7 =	vld [tilespmem:s23+$0x17D00];
	_ =	sdelay $0x4  }
0x352: {  	v6 =	vmul.f32 v7, v6;
	_ =	sdelay $0x1  }
0x353: {  	(xrf2) =	vadd.scan.msk.f32 $0xffff, v6;
	_ =	sdelay $0x4  }
0x354: {  	v6 =	vld [tilespmem:s22+$0x0];
	_ =	sdelay $0x4  }
0x355: {  	(v2sf) =	vpush v6, $0x0;
	v6, _, _ =	vpop (xrf2)  }
0x356: {  	(v2sf) =	vpush v6, $0xF;
	_ =	sdelay $0xd  }
0x357: {  	s24 =	spop (v2sf)  }
0x358: {  	s2 =	spop (v2sf)  }
0x359: {  	s2 =	smul.f32 $8.838834610e-02, s2;
	_ =	sdelay $0x1  }
0x35a: {  	v6 =	vmov s2  }
0x35b: {  	v6 =	vmul.f32 $1.442695020e+00, v6;
	_ =	sdelay $0x1  }
0x35c: {  	v6 =	vbroadcast v6, $0x0;
	_ =	sdelay $0x1  }
0x35d: {  	(erf) = vpow2.f32 v6;
	_ =	sdelay $0x4  }
0x35e: {  	v7 =	vld [tilespmem:s23+$0x11D00];
	s28 =	sshll.u32 s24, $0x9  }
0x35f: {  	s25 =	sshra.s32 s28, $0x2  }
0x360: {  	v8 =	vld [tilespmem:s25+$0x0];
	_ =	sdelay $0x1  }
0x361: {  	v6 =	vpop (erf)  }
0x362: {  	v7 =	vmul.f32 v6, v7;
	_ =	sdelay $0x1  }
0x363: {  	v7 =	vadd.f32 v7, v8;
	_ =	sdelay $0x1  }
0x364: {  	[tilespmem:s25+$0x0] =	vst v7  }
0x365: {  	v7 =	vld [tilespmem:s23+$0xBD10]  }
0x366: {  	v50 =	vld [tilespmem:s23+$0x17D10];
	_ =	sdelay $0x4  }
0x367: {  	v7 =	vmul.f32 v50, v7;
	_ =	sdelay $0x1  }
0x368: {  	(xrf2) =	vadd.scan.msk.f32 $0xffff, v7;
	_ =	sdelay $0x9  }
0x369: {  	v7, _, _ =	vpop (xrf2)  }
0x36a: {  	(v2sf) =	vpush v7, $0xF;
	_ =	sdelay $0xe  }
0x36b: {  	s29 =	spop (v2sf)  }
0x36c: {  	s2 =	smul.f32 $8.838834610e-02, s29;
	_ =	sdelay $0x1  }
0x36d: {  	v7 =	vmov s2  }
0x36e: {  	v7 =	vmul.f32 $1.442695020e+00, v7;
	_ =	sdelay $0x1  }
0x36f: {  	v7 =	vbroadcast v7, $0x0;
	_ =	sdelay $0x1  }
0x370: {  	(erf) = vpow2.f32 v7;
	_ =	sdelay $0x4  }
0x371: {  	v7 =	vld [tilespmem:s23+$0x11D10];
	_ =	sdelay $0x1  }
0x372: {  	v51 =	vld [tilespmem:s25+$0x10];
	_ =	sdelay $0x1  }
0x373: {  	v9 =	vpop (erf)  }
0x374: {  	v7 =	vmul.f32 v9, v7;
	_ =	sdelay $0x1  }
0x375: {  	v7 =	vadd.f32 v7, v51;
	_ =	sdelay $0x1  }
0x376: {  	[tilespmem:s25+$0x10] =	vst v7  }
0x377: {  	v7 =	vld [tilespmem:s23+$0xBD20]  }
0x378: {  	v52 =	vld [tilespmem:s23+$0x17D20];
	_ =	sdelay $0x4  }
0x379: {  	v7 =	vmul.f32 v52, v7;
	_ =	sdelay $0x1  }
0x37a: {  	(xrf2) =	vadd.scan.msk.f32 $0xffff, v7;
	_ =	sdelay $0x9  }
0x37b: {  	v7, _, _ =	vpop (xrf2)  }
0x37c: {  	(v2sf) =	vpush v7, $0xF;
	_ =	sdelay $0xe  }
0x37d: {  	s30 =	spop (v2sf)  }
0x37e: {  	s2 =	smul.f32 $8.838834610e-02, s30;
	_ =	sdelay $0x1  }
0x37f: {  	v7 =	vmov s2  }
0x380: {  	v7 =	vmul.f32 $1.442695020e+00, v7;
	_ =	sdelay $0x1  }
0x381: {  	v7 =	vbroadcast v7, $0x0;
	_ =	sdelay $0x1  }
0x382: {  	(erf) = vpow2.f32 v7;
	_ =	sdelay $0x4  }
0x383: {  	v7 =	vld [tilespmem:s23+$0x11D20];
	_ =	sdelay $0x1  }
0x384: {  	v53 =	vld [tilespmem:s25+$0x20];
	_ =	sdelay $0x1  }
0x385: {  	v10 =	vpop (erf)  }
0x386: {  	v7 =	vmul.f32 v10, v7;
	_ =	sdelay $0x1  }
0x387: {  	v7 =	vadd.f32 v7, v53;
	_ =	sdelay $0x1  }
0x388: {  	[tilespmem:s25+$0x20] =	vst v7  }
0x389: {  	v7 =	vld [tilespmem:s23+$0xBD30]  }
0x38a: {  	v54 =	vld [tilespmem:s23+$0x17D30];
	_ =	sdelay $0x4  }
0x38b: {  	v7 =	vmul.f32 v54, v7;
	_ =	sdelay $0x1  }
0x38c: {  	(xrf2) =	vadd.scan.msk.f32 $0xffff, v7;
	_ =	sdelay $0x9  }
0x38d: {  	v7, _, _ =	vpop (xrf2)  }
0x38e: {  	(v2sf) =	vpush v7, $0xF;
	_ =	sdelay $0xe  }
0x38f: {  	s31 =	spop (v2sf)  }
0x390: {  	s2 =	smul.f32 $8.838834610e-02, s31;
	_ =	sdelay $0x1  }
0x391: {  	v7 =	vmov s2  }
0x392: {  	v7 =	vmul.f32 $1.442695020e+00, v7;
	_ =	sdelay $0x1  }
0x393: {  	v7 =	vbroadcast v7, $0x0;
	_ =	sdelay $0x1  }
0x394: {  	(erf) = vpow2.f32 v7;
	_ =	sdelay $0x4  }
0x395: {  	v7 =	vld [tilespmem:s23+$0x11D30];
	_ =	sdelay $0x1  }
0x396: {  	v55 =	vld [tilespmem:s25+$0x30];
	_ =	sdelay $0x1  }
0x397: {  	v11 =	vpop (erf)  }
0x398: {  	v7 =	vmul.f32 v11, v7;
	_ =	sdelay $0x1  }
0x399: {  	v7 =	vadd.f32 v7, v55;
	_ =	sdelay $0x1  }
0x39a: {  	[tilespmem:s25+$0x30] =	vst v7  }
0x39b: {  	v7 =	vld [tilespmem:s23+$0xBD40]  }
0x39c: {  	v56 =	vld [tilespmem:s23+$0x17D40];
	_ =	sdelay $0x4  }
0x39d: {  	v7 =	vmul.f32 v56, v7;
	_ =	sdelay $0x1  }
0x39e: {  	(xrf2) =	vadd.scan.msk.f32 $0xffff, v7;
	_ =	sdelay $0x9  }
0x39f: {  	v7, _, _ =	vpop (xrf2)  }
0x3a0: {  	(v2sf) =	vpush v7, $0xF;
	_ =	sdelay $0xe  }
0x3a1: {  	s26 =	spop (v2sf)  }
0x3a2: {  	s2 =	smul.f32 $8.838834610e-02, s26;
	_ =	sdelay $0x1  }
0x3a3: {  	v7 =	vmov s2  }
0x3a4: {  	v7 =	vmul.f32 $1.442695020e+00, v7;
	_ =	sdelay $0x1  }
0x3a5: {  	v7 =	vbroadcast v7, $0x0;
	_ =	sdelay $0x1  }
0x3a6: {  	(erf) = vpow2.f32 v7;
	_ =	sdelay $0x4  }
0x3a7: {  	v7 =	vld [tilespmem:s23+$0x11D40];
	_ =	sdelay $0x1  }
0x3a8: {  	v57 =	vld [tilespmem:s25+$0x40];
	_ =	sdelay $0x1  }
0x3a9: {  	v12 =	vpop (erf)  }
0x3aa: {  	v7 =	vmul.f32 v12, v7;
	_ =	sdelay $0x1  }
0x3ab: {  	v7 =	vadd.f32 v7, v57;
	_ =	sdelay $0x1  }
0x3ac: {  	[tilespmem:s25+$0x40] =	vst v7  }
0x3ad: {  	v7 =	vld [tilespmem:s23+$0xBD50]  }
0x3ae: {  	v58 =	vld [tilespmem:s23+$0x17D50];
	_ =	sdelay $0x4  }
0x3af: {  	v7 =	vmul.f32 v58, v7;
	_ =	sdelay $0x1  }
0x3b0: {  	(xrf2) =	vadd.scan.msk.f32 $0xffff, v7;
	_ =	sdelay $0x9  }
0x3b1: {  	v7, _, _ =	vpop (xrf2)  }
0x3b2: {  	(v2sf) =	vpush v7, $0xF;
	_ =	sdelay $0xe  }
0x3b3: {  	s28 =	spop (v2sf)  }
0x3b4: {  	s2 =	smul.f32 $8.838834610e-02, s28;
	_ =	sdelay $0x1  }
0x3b5: {  	v7 =	vmov s2  }
0x3b6: {  	v7 =	vmul.f32 $1.442695020e+00, v7;
	_ =	sdelay $0x1  }
0x3b7: {  	v7 =	vbroadcast v7, $0x0;
	_ =	sdelay $0x1  }
0x3b8: {  	(erf) = vpow2.f32 v7;
	_ =	sdelay $0x4  }
0x3b9: {  	v7 =	vld [tilespmem:s23+$0x11D50];
	_ =	sdelay $0x1  }
0x3ba: {  	v59 =	vld [tilespmem:s25+$0x50];
	_ =	sdelay $0x1  }
0x3bb: {  	v13 =	vpop (erf)  }
0x3bc: {  	v7 =	vmul.f32 v13, v7;
	_ =	sdelay $0x1  }
0x3bd: {  	v7 =	vadd.f32 v7, v59;
	_ =	sdelay $0x1  }
0x3be: {  	[tilespmem:s25+$0x50] =	vst v7  }
0x3bf: {  	v7 =	vld [tilespmem:s23+$0xBD60]  }
0x3c0: {  	v60 =	vld [tilespmem:s23+$0x17D60];
	_ =	sdelay $0x4  }
0x3c1: {  	v7 =	vmul.f32 v60, v7;
	_ =	sdelay $0x1  }
0x3c2: {  	(xrf2) =	vadd.scan.msk.f32 $0xffff, v7;
	_ =	sdelay $0x9  }
0x3c3: {  	v7, _, _ =	vpop (xrf2)  }
0x3c4: {  	(v2sf) =	vpush v7, $0xF;
	_ =	sdelay $0xe  }
0x3c5: {  	s29 =	spop (v2sf)  }
0x3c6: {  	s2 =	smul.f32 $8.838834610e-02, s29;
	_ =	sdelay $0x1  }
0x3c7: {  	v7 =	vmov s2  }
0x3c8: {  	v7 =	vmul.f32 $1.442695020e+00, v7;
	_ =	sdelay $0x1  }
0x3c9: {  	v7 =	vbroadcast v7, $0x0;
	_ =	sdelay $0x1  }
0x3ca: {  	(erf) = vpow2.f32 v7;
	_ =	sdelay $0x4  }
0x3cb: {  	v7 =	vld [tilespmem:s23+$0x11D60];
	_ =	sdelay $0x1  }
0x3cc: {  	v61 =	vld [tilespmem:s25+$0x60];
	_ =	sdelay $0x1  }
0x3cd: {  	v14 =	vpop (erf)  }
0x3ce: {  	v7 =	vmul.f32 v14, v7;
	_ =	sdelay $0x1  }
0x3cf: {  	v7 =	vadd.f32 v7, v61;
	_ =	sdelay $0x1  }
0x3d0: {  	[tilespmem:s25+$0x60] =	vst v7  }
0x3d1: {  	v7 =	vld [tilespmem:s23+$0xBD70]  }
0x3d2: {  	v62 =	vld [tilespmem:s23+$0x17D70];
	_ =	sdelay $0x4  }
0x3d3: {  	v7 =	vmul.f32 v62, v7;
	_ =	sdelay $0x1  }
0x3d4: {  	(xrf2) =	vadd.scan.msk.f32 $0xffff, v7;
	_ =	sdelay $0x9  }
0x3d5: {  	v7, _, _ =	vpop (xrf2)  }
0x3d6: {  	(v2sf) =	vpush v7, $0xF;
	_ =	sdelay $0xe  }
0x3d7: {  	s30 =	spop (v2sf)  }
0x3d8: {  	s2 =	smul.f32 $8.838834610e-02, s30;
	_ =	sdelay $0x1  }
0x3d9: {  	v7 =	vmov s2  }
0x3da: {  	v7 =	vmul.f32 $1.442695020e+00, v7;
	_ =	sdelay $0x1  }
0x3db: {  	v7 =	vbroadcast v7, $0x0;
	_ =	sdelay $0x1  }
0x3dc: {  	(erf) = vpow2.f32 v7;
	_ =	sdelay $0x4  }
0x3dd: {  	v7 =	vld [tilespmem:s23+$0x11D70];
	_ =	sdelay $0x1  }
0x3de: {  	v63 =	vld [tilespmem:s25+$0x70];
	_ =	sdelay $0x1  }
0x3df: {  	v15 =	vpop (erf)  }
0x3e0: {  	v7 =	vmul.f32 v15, v7;
	_ =	sdelay $0x1  }
0x3e1: {  	v6 =	vnsel vm0, $0x0, v6;
	v7 =	vadd.f32 v7, v63  }
0x3e2: {  	v6 =	vsel vm1, v6, v9;
	s31 =	sshll.u32 s24, $0x6  }
0x3e3: {  	v6 =	vsel vm2, v6, v10;
	s2 =	sshra.s32 s31, $0x2;
	[tilespmem:s25+$0x70] =	vst v7  }
0x3e4: {  	v6 =	vsel vm3, v6, v11;
	v7 =	vld [tilespmem:s2+$0xA800]  }
0x3e5: {  	v6 =	vsel vm4, v6, v12  }
0x3e6: {  	p0 =	sne.s32 s21, $0x17E00;
	v6 =	vsel vm5, v6, v13  }
.Ltmp14:
0x3e7: {  	v6 =	vsel vm6, v6, v14;
	(pc) =	sbr.rel @p0 .LBB2_22-.Ltmp14, $3  }
0x3e8: {  	v6 =	vsel vm7, v6, v15  }
0x3e9: {  	v6 =	vadd.f32 v6, v7;
	_ =	sdelay $0x1  }
0x3ea: {  	s21 =	sadd.s32 $0x200, s21;
	s22 =	sadd.s32 $0x1, s22;
	[tilespmem:s2+$0xA800] =	vst v6  }
0x3eb: {  	[hbm4b:s7+s4] =	stream.linear.scatter [tilespmem:s4], [sflag:$0x2], $0xA000, $0x38;
	[tilespmem:$0x1EE00] =	vst v63  }
0x3ec: {  	s20 =	sadd.s32 $0x1, s20;
	_ =	swait.ge [sflag:s11], $0xA000  }
0x3ed: {  	p0 =	sne.s32 s20, s9;
	[sflag:s11] =	ssyncset.done $0x0  }
.Ltmp15:
0x3ee: {  	[sflag:s11] =	ssyncadd.s32 $0xFFFF6000;
	(pc) =	sbr.rel @p0 .LBB2_1-.Ltmp15, $4  }
0x3ef: {  	[hbm4b:s8+s4] =	stream.linear.scatter [tilespmem:s19], [sflag:$0x2], $0x1400, $0x38;
	[tilespmem:$0x1EE00] =	vst v63  }
0x3f0: {  	_ =	swait.ge [sflag:s11], $0x1400  }
0x3f1: {  	[sflag:s11] =	ssyncset.done $0x0  }
0x3f2: {  	[sflag:s11] =	ssyncadd.s32 $0xFFFFEC00  }
0x3f3: {  	_ =	sfence.sel $0x180000  }
0x3f4: {  	[bflag:$0x0] =	sbarrier.arrive $0xFFFF  }
0x3f5: {  	_ =	strace $0x90000047  }
0x3f6: {  	[bflag:$0x2] =	sbarrier.arrive $0xFFFF  }
0x3f7: {  	p0 =	sne.s32 s0, $0x0;
	s0 =	rddreg [dreg:$0x4]  }
0x3f8: {  	s0 =	sadd.s32 @!p0 $0x100000, s0  }
0x3f9: {  	[sflag:s0] =	ssyncadd.tile.s32 @!p0 $0x1;
	_ =	shalt  }
.Lfunc_end2:
_tile_overlayer_lowered:
.L_overlay_start_2:
0x3fa: {  	(tag) =	ssettag $0x2  }
0x3fb: {  	s0 =	rddreg [dreg:$0x0];
	s2 =	stileid.u32  }
0x3fc: {  	s1 =	rddreg [dreg:$0x1];
	p0 =	sne.s32 s2, $0x0  }
0x3fd: {  	s3 =	rddreg [dreg:$0x2];
	[bflag:$0x3] =	sbarrier.arrive $0xFFFF;
	s2 =	simm.s32 @!p0 $0x1C02  }
0x3fe: {  	[timem:s3], [sflag:s2] =	dma.local @!p0 [hbm:s0], s1  }
0x3ff: {  	s0 =	simm.s32 @!p0 $0x2  }
0x400: {  	_ =	swait.ge @!p0 [sflag:s0], s1  }
0x401: {  	s1 =	ssub.s32 @!p0 $0x0, s1;
	[sflag:s0] =	ssyncset.done @!p0 $0x0  }
0x402: {  	[sflag:s0] =	ssyncadd.s32 @!p0 s1  }
0x403: {  	[bflag:$0x3] =	sbarrier.arrive $0xFFFF  }
0x404: {  	_ =	shalt  }

</sc_bundles>
